<compile_context>
chip_gen: v7x
topology: tpu7x:2x2x1
jax: 0.10.2.dev20260603
libtpu: 0.0.44.dev20260713+nightly
codegen_flags: <defaults>
</compile_context>

<pallas_src>
import functools
import jax
import jax.numpy as jnp
from jax import lax
from jax.experimental import pallas as pl
from jax.experimental.pallas import tpu as pltpu
from jax.experimental.pallas import tpu_sc as plsc

N = 10000
E = 320000
D = 128
EPS = 1.0 + 1e-06
NP = 10240
NC = 2
NS = 16
EPT = E // NS
EPT_PAD = 20480
CH = 64
NCHUNK = EPT_PAD // CH
SLAB = 8
NSLAB = NCHUNK // SLAB
RPT = NP // NS

_f32 = jnp.float32
_i32 = jnp.int32


def _tc_pre_body(x_ref, w_ref, att_ref, xm_ref, scal_ref):
    xm = jnp.dot(x_ref[...], w_ref[...], preferred_element_type=_f32)
    xm_ref[0] = xm
    scal_ref[0] = lax.dot_general(
        att_ref[0], xm, (((0,), (1,)), ((), ())), preferred_element_type=_f32)


def _tc_pre(x_pad, w_cat, att_st):
    blk = 2048
    grid = (NP // blk, 3)
    return pl.pallas_call(
        _tc_pre_body,
        grid=grid,
        in_specs=[
            pl.BlockSpec((blk, D), lambda i, h: (i, 0)),
            pl.BlockSpec((D, D), lambda i, h: (0, h)),
            pl.BlockSpec((1, D, 2), lambda i, h: (h, 0, 0)),
        ],
        out_specs=[
            pl.BlockSpec((1, blk, D), lambda i, h: (h, i, 0)),
            pl.BlockSpec((1, 2, blk), lambda i, h: (h, 0, i)),
        ],
        out_shape=[
            jax.ShapeDtypeStruct((3, NP, D), _f32),
            jax.ShapeDtypeStruct((3, 2, NP), _f32),
        ],
    )(x_pad, w_cat, att_st)


def _sc_body(xm_st, scal_st, srcp, tgtp, valp, acc_hbm, s_hbm,
             a_src_t, a_tgt_t, s_t, src2d, tgt2d, eval2d, rows_g,
             acc_sh):
    c = lax.axis_index("c")
    s = lax.axis_index("s")

    pltpu.sync_copy(scal_st.at[c, 0], a_src_t)
    pltpu.sync_copy(scal_st.at[c, 1], a_tgt_t)

    zero16 = jnp.zeros((16,), _f32)
    iota16 = lax.iota(_i32, 16)

    def _zero_s(i, carry):
        for k in range(8):
            s_t[pl.ds(i * 128 + k * 16, 16)] = zero16
        return carry
    lax.fori_loop(0, NP // 128, _zero_s, 0)

    def _zero_rows(g, carry):
        for rr in range(8):
            for cc in range(8):
                rows_g[g * 8 + rr, pl.ds(cc * 16, 16)] = zero16
        return carry
    lax.fori_loop(0, CH // 8, _zero_rows, 0)
    for i in range(RPT // CH):
        pltpu.sync_copy(rows_g, acc_sh.at[pl.ds(s * RPT + i * CH, CH)])
    plsc.subcore_barrier()

    def _slab(j, carry):
        pltpu.sync_copy(srcp.at[c, s, pl.ds(j * SLAB, SLAB)], src2d)
        pltpu.sync_copy(tgtp.at[c, s, pl.ds(j * SLAB, SLAB)], tgt2d)
        pltpu.sync_copy(valp.at[c, s, pl.ds(j * SLAB, SLAB)], eval2d)

        def _p1(k, c1):
            for l in range(CH // 16):
                sv = src2d[k, pl.ds(l * 16, 16)]
                tv = tgt2d[k, pl.ds(l * 16, 16)]
                a = plsc.load_gather(a_src_t, [sv]) + plsc.load_gather(a_tgt_t, [tv])
                a = jnp.where(a > 0, a, a * jnp.float32(0.01))
                vv = eval2d[k, pl.ds(l * 16, 16)]
                ev = jnp.exp(a * vv)
                pos = j * (SLAB * CH) + k * CH + l * 16 + iota16
                ev = jnp.where(pos < EPT, ev, 0.0)
                eval2d[k, pl.ds(l * 16, 16)] = ev
                plsc.addupdate_scatter(s_t, [tv], ev)
            return c1
        lax.fori_loop(0, SLAB, _p1, 0)

        def _p2(k, c1):
            pltpu.sync_copy(xm_st.at[c].at[src2d.at[k]], rows_g)
            def _scale(g, c2):
                for rr in range(8):
                    r = g * 8 + rr
                    evb = plsc.load_gather(eval2d.at[k], [iota16 * 0 + r])
                    for cc in range(8):
                        rows_g[r, pl.ds(cc * 16, 16)] = (
                            rows_g[r, pl.ds(cc * 16, 16)] * evb)
                return c2
            lax.fori_loop(0, CH // 8, _scale, 0)
            pltpu.sync_copy(rows_g, acc_sh.at[tgt2d.at[k]], add=True)
            return c1
        lax.fori_loop(0, SLAB, _p2, 0)
        return carry

    lax.fori_loop(0, NSLAB, _slab, 0)

    pltpu.sync_copy(s_t, s_hbm.at[c, s])
    plsc.subcore_barrier()
    for i in range(RPT // CH):
        pltpu.sync_copy(acc_sh.at[pl.ds(s * RPT + i * CH, CH)],
                        acc_hbm.at[c, pl.ds(s * RPT + i * CH, CH)])


def _sc_edge(xm_st, scal_st, srcp, tgtp, valp):
    mesh = plsc.VectorSubcoreMesh(
        core_axis_name="c", subcore_axis_name="s", num_cores=NC, num_subcores=NS)
    return pl.kernel(
        _sc_body,
        out_type=[
            jax.ShapeDtypeStruct((NC, NP, D), _f32),
            jax.ShapeDtypeStruct((NC, NS, NP), _f32),
        ],
        mesh=mesh,
        compiler_params=pltpu.CompilerParams(needs_layout_passes=False),
        scratch_types=[
            pltpu.VMEM((NP,), _f32),
            pltpu.VMEM((NP,), _f32),
            pltpu.VMEM((NP,), _f32),
            pltpu.VMEM((SLAB, CH), _i32),
            pltpu.VMEM((SLAB, CH), _i32),
            pltpu.VMEM((SLAB, CH), _f32),
            pltpu.VMEM((CH, D), _f32),
            pltpu.VMEM_SHARED((NP, D), _f32),
        ],
    )(xm_st, scal_st, srcp, tgtp, valp)


def _combine_body(acc_ref, s_ref, skip_ref, out_ref):
    eps16 = jnp.float32(1e-16)
    sl = jnp.sum(s_ref[0], axis=0)[:, None] + eps16
    su = jnp.sum(s_ref[1], axis=0)[:, None] + eps16
    out_ref[...] = jnp.maximum(
        acc_ref[0] / sl + acc_ref[1] / su + skip_ref[0], 0.0)


def _combine(acc, s_part, xm_st):
    blk = 2048
    return pl.pallas_call(
        _combine_body,
        grid=(NP // blk,),
        in_specs=[
            pl.BlockSpec((2, blk, D), lambda i: (0, i, 0)),
            pl.BlockSpec((2, NS, blk), lambda i: (0, 0, i)),
            pl.BlockSpec((1, blk, D), lambda i: (2, i, 0)),
        ],
        out_specs=pl.BlockSpec((blk, D), lambda i: (i, 0)),
        out_shape=jax.ShapeDtypeStruct((NP, D), _f32),
    )(acc, s_part, xm_st)


def kernel(x, lower_index, lower_values, upper_index, upper_values,
           W_lower, att_lower, W_upper, att_upper, W_lin):
    x_pad = jnp.pad(x, ((0, NP - N), (0, 0)))
    w_cat = jnp.concatenate([W_lower, W_upper, EPS * W_lin], axis=1)
    att_st = jnp.stack([
        att_lower.reshape(2, D).T,
        att_upper.reshape(2, D).T,
        jnp.zeros((D, 2), _f32),
    ])
    xm_st, scal_st = _tc_pre(x_pad, w_cat, att_st)

    def _prep(arr):
        a = arr.reshape(NS, EPT)
        a = jnp.pad(a, ((0, 0), (0, EPT_PAD - EPT)))
        return a.reshape(NS, NCHUNK, CH)

    srcp = jnp.stack([_prep(lower_index[1]), _prep(upper_index[1])])
    tgtp = jnp.stack([_prep(lower_index[0]), _prep(upper_index[0])])
    valp = jnp.stack([_prep(lower_values.astype(_f32)),
                      _prep(upper_values.astype(_f32))])

    acc, s_part = _sc_edge(xm_st, scal_st, srcp, tgtp, valp)
    out = _combine(acc, s_part, xm_st)
    return out[:N]

# --- scband reference (transcript-rebuilt; emitter-appended) ---
"""Pipeline reference for scband-canlayer-66760971649671 (READ-ONLY COPY).

The authoritative reference and input builder live on the scoring server;
editing this copy changes nothing except your own understanding.
"""

import jax, jax.numpy as jnp
import numpy as np

N = 10000
E = 320000
D_IN = 128
D_OUT = 128
EPS = 1.0 + 1e-06


def _can_head(x, idx, vals, W, att_w):
    # x_message = x @ W
    xm = x @ W
    tgt = idx[0]  # target_index_i (rows of sparse neighborhood)
    src = idx[1]  # source_index_j (cols)
    # attention: cat([x_source_per_msg, x_target_per_msg]) @ att_weight, then leaky_relu
    cat = jnp.concatenate([xm[src], xm[tgt]], axis=1)
    att = jax.nn.leaky_relu(cat @ att_w)
    # multiply by neighborhood values, then sparse softmax over dim=1 (per target row)
    v = att * vals
    m = jax.ops.segment_max(v, tgt, num_segments=N)
    m = jnp.where(jnp.isfinite(m), m, 0.0)
    e = jnp.exp(v - m[tgt])
    s = jax.ops.segment_sum(e, tgt, num_segments=N)
    w = e / (s[tgt] + 1e-16)
    # weighted message aggregation (sum) by target index
    msg = w[:, None] * xm[src]
    return jax.ops.segment_sum(msg, tgt, num_segments=N)


def setup_inputs(seed: int = 0):
    key = jax.random.key(seed)
    ks = jax.random.split(key, 10)
    x = jax.random.normal(ks[0], (N, D_IN), dtype=jnp.float32)
    lower_index = jax.random.randint(ks[1], (2, E), 0, N, dtype=jnp.int32)
    lower_values = jnp.ones((E,), dtype=jnp.float32)
    upper_index = jax.random.randint(ks[2], (2, E), 0, N, dtype=jnp.int32)
    upper_values = jnp.ones((E,), dtype=jnp.float32)
    sw = (6.0 / (D_IN + D_OUT)) ** 0.5
    W_lower = jax.random.uniform(ks[3], (D_IN, D_OUT), minval=-sw, maxval=sw, dtype=jnp.float32)
    att_lower = jax.random.uniform(ks[4], (2 * D_OUT,), minval=-sw, maxval=sw, dtype=jnp.float32)
    W_upper = jax.random.uniform(ks[5], (D_IN, D_OUT), minval=-sw, maxval=sw, dtype=jnp.float32)
    att_upper = jax.random.uniform(ks[6], (2 * D_OUT,), minval=-sw, maxval=sw, dtype=jnp.float32)
    W_lin = jax.random.uniform(ks[7], (D_IN, D_OUT), minval=-sw, maxval=sw, dtype=jnp.float32)
    return {"x": x, "lower_index": lower_index, "lower_values": lower_values, "upper_index": upper_index, "upper_values": upper_values, "W_lower": W_lower, "att_lower": att_lower, "W_upper": W_upper, "att_upper": att_upper, "W_lin": W_lin}


def reference(x, lower_index, lower_values, upper_index, upper_values, W_lower, att_lower, W_upper, att_upper, W_lin):
    lower_out = _can_head(x, lower_index, lower_values, W_lower, att_lower)
    upper_out = _can_head(x, upper_index, upper_values, W_upper, att_upper)
    skip = EPS * (x @ W_lin)
    # Aggregation(aggr_func='sum', update_func='relu') over [lower, upper, skip]
    return jax.nn.relu(lower_out + upper_out + skip)

if __name__ == "__main__":
    import jax
    _d = setup_inputs()
    print(jax.jit(kernel)(*tuple(_d.values())))

</pallas_src>

<mosaic_0001>
#map = affine_map<(d0, d1) -> (0, 0, 0)>
#map1 = affine_map<(d0, d1) -> (0, 0, 0, 0)>
module attributes {stable_mosaic.version = 14 : i64} {
  func.func @_sc_body(%arg0: i32, %arg1: i32, %arg2: memref<3x10240x128xf32, #tpu.memory_space<hbm>>, %arg3: memref<3x2x10240xf32, #tpu.memory_space<hbm>>, %arg4: memref<2x16x320x64xi32, #tpu.memory_space<hbm>>, %arg5: memref<2x16x320x64xi32, #tpu.memory_space<hbm>>, %arg6: memref<2x16x320x64xf32, #tpu.memory_space<hbm>>, %arg7: memref<2x10240x128xf32, #tpu.memory_space<hbm>>, %arg8: memref<2x16x10240xf32, #tpu.memory_space<hbm>>, %arg9: memref<10240xf32, #tpu.memory_space<vmem>>, %arg10: memref<10240xf32, #tpu.memory_space<vmem>>, %arg11: memref<10240xf32, #tpu.memory_space<vmem>>, %arg12: memref<8x64xi32, #tpu.memory_space<vmem>>, %arg13: memref<8x64xi32, #tpu.memory_space<vmem>>, %arg14: memref<8x64xf32, #tpu.memory_space<vmem>>, %arg15: memref<64x128xf32, #tpu.memory_space<vmem>>, %arg16: memref<10240x128xf32, #tpu.memory_space<vmem_shared>>) attributes {dimension_semantics = [#tpu.dimension_semantics<core_parallel>, #tpu.dimension_semantics<subcore_parallel>], iteration_bounds = array<i64: 2, 16>, scalar_prefetch = 0 : i64, scratch_operands = 8 : i64, tpu.core_type = #tpu.core_type<sc_vector_subcore>, window_params = [{transform_indices = #map}, {transform_indices = #map}, {transform_indices = #map1}, {transform_indices = #map1}, {transform_indices = #map1}, {transform_indices = #map}, {transform_indices = #map}]} {
    %run_scoped3A = arith.constant 0 : i32
    "tpu.region"() ({
      %run_scoped3A_138 = tpu.sem_alloc : memref<!tpu.dma_semaphore, #tpu.memory_space<semaphore_mem>>
      %dma_start3A = arith.constant 0 : i32
      %dma_start3A_139 = tpu.memref_slice %arg3[%arg0, %run_scoped3A, %dma_start3A] : memref<3x2x10240xf32, #tpu.memory_space<hbm>> -> memref<1x1x10240xf32, #tpu.memory_space<hbm>>
      %dma_start3A_140 = tpu.memref_squeeze %dma_start3A_139 : memref<1x1x10240xf32, #tpu.memory_space<hbm>> -> memref<10240xf32, #tpu.memory_space<hbm>>
      %dma_start3A_141 = arith.constant 0 : i32
      %dma_start3A_142 = tpu.memref_slice %arg3[%arg0, %run_scoped3A, %dma_start3A_141] : memref<3x2x10240xf32, #tpu.memory_space<hbm>> -> memref<1x1x10240xf32, #tpu.memory_space<hbm>>
      %dma_start3A_143 = tpu.memref_squeeze %dma_start3A_142 : memref<1x1x10240xf32, #tpu.memory_space<hbm>> -> memref<10240xf32, #tpu.memory_space<hbm>>
      tpu.enqueue_dma source(%dma_start3A_143 : memref<10240xf32, #tpu.memory_space<hbm>>) target(%arg9 : memref<10240xf32, #tpu.memory_space<vmem>>) target_semaphore(%run_scoped3A_138 : memref<!tpu.dma_semaphore, #tpu.memory_space<semaphore_mem>>)
      %dma_wait3A = arith.constant 0 : i32
      %dma_wait3A_144 = tpu.memref_slice %arg3[%arg0, %run_scoped3A, %dma_wait3A] : memref<3x2x10240xf32, #tpu.memory_space<hbm>> -> memref<1x1x10240xf32, #tpu.memory_space<hbm>>
      %dma_wait3A_145 = tpu.memref_squeeze %dma_wait3A_144 : memref<1x1x10240xf32, #tpu.memory_space<hbm>> -> memref<10240xf32, #tpu.memory_space<hbm>>
      %dma_wait3A_146 = arith.constant 0 : i32
      %dma_wait3A_147 = tpu.memref_slice %arg3[%arg0, %run_scoped3A, %dma_wait3A_146] : memref<3x2x10240xf32, #tpu.memory_space<hbm>> -> memref<1x1x10240xf32, #tpu.memory_space<hbm>>
      %dma_wait3A_148 = tpu.memref_squeeze %dma_wait3A_147 : memref<1x1x10240xf32, #tpu.memory_space<hbm>> -> memref<10240xf32, #tpu.memory_space<hbm>>
      tpu.wait_dma2 semaphore(%run_scoped3A_138 : memref<!tpu.dma_semaphore, #tpu.memory_space<semaphore_mem>>) src(%dma_wait3A_148 : memref<10240xf32, #tpu.memory_space<hbm>>) dst(%arg9 : memref<10240xf32, #tpu.memory_space<vmem>>)
      tpu.yield
    }) : () -> ()
    %run_scoped3A_0 = arith.constant 1 : i32
    "tpu.region"() ({
      %run_scoped3A_138 = tpu.sem_alloc : memref<!tpu.dma_semaphore, #tpu.memory_space<semaphore_mem>>
      %dma_start3A = arith.constant 0 : i32
      %dma_start3A_139 = tpu.memref_slice %arg3[%arg0, %run_scoped3A_0, %dma_start3A] : memref<3x2x10240xf32, #tpu.memory_space<hbm>> -> memref<1x1x10240xf32, #tpu.memory_space<hbm>>
      %dma_start3A_140 = tpu.memref_squeeze %dma_start3A_139 : memref<1x1x10240xf32, #tpu.memory_space<hbm>> -> memref<10240xf32, #tpu.memory_space<hbm>>
      %dma_start3A_141 = arith.constant 0 : i32
      %dma_start3A_142 = tpu.memref_slice %arg3[%arg0, %run_scoped3A_0, %dma_start3A_141] : memref<3x2x10240xf32, #tpu.memory_space<hbm>> -> memref<1x1x10240xf32, #tpu.memory_space<hbm>>
      %dma_start3A_143 = tpu.memref_squeeze %dma_start3A_142 : memref<1x1x10240xf32, #tpu.memory_space<hbm>> -> memref<10240xf32, #tpu.memory_space<hbm>>
      tpu.enqueue_dma source(%dma_start3A_143 : memref<10240xf32, #tpu.memory_space<hbm>>) target(%arg10 : memref<10240xf32, #tpu.memory_space<vmem>>) target_semaphore(%run_scoped3A_138 : memref<!tpu.dma_semaphore, #tpu.memory_space<semaphore_mem>>)
      %dma_wait3A = arith.constant 0 : i32
      %dma_wait3A_144 = tpu.memref_slice %arg3[%arg0, %run_scoped3A_0, %dma_wait3A] : memref<3x2x10240xf32, #tpu.memory_space<hbm>> -> memref<1x1x10240xf32, #tpu.memory_space<hbm>>
      %dma_wait3A_145 = tpu.memref_squeeze %dma_wait3A_144 : memref<1x1x10240xf32, #tpu.memory_space<hbm>> -> memref<10240xf32, #tpu.memory_space<hbm>>
      %dma_wait3A_146 = arith.constant 0 : i32
      %dma_wait3A_147 = tpu.memref_slice %arg3[%arg0, %run_scoped3A_0, %dma_wait3A_146] : memref<3x2x10240xf32, #tpu.memory_space<hbm>> -> memref<1x1x10240xf32, #tpu.memory_space<hbm>>
      %dma_wait3A_148 = tpu.memref_squeeze %dma_wait3A_147 : memref<1x1x10240xf32, #tpu.memory_space<hbm>> -> memref<10240xf32, #tpu.memory_space<hbm>>
      tpu.wait_dma2 semaphore(%run_scoped3A_138 : memref<!tpu.dma_semaphore, #tpu.memory_space<semaphore_mem>>) src(%dma_wait3A_148 : memref<10240xf32, #tpu.memory_space<hbm>>) dst(%arg10 : memref<10240xf32, #tpu.memory_space<vmem>>)
      tpu.yield
    }) : () -> ()
    %broadcast_in_dim3A = arith.constant 0.000000e+00 : f32
    %broadcast_in_dim3A_1 = vector.broadcast %broadcast_in_dim3A : f32 to vector<16xf32>
    %iota3A = tpu.iota {dimensions = array<i32: 0>} : vector<16xi32>
    %scan3A = arith.constant 0 : i32
    %scan3A_2 = arith.constant 0 : i32
    %scan3A_3 = arith.constant 80 : i32
    %scan3A_4 = arith.addi %scan3A_2, %scan3A_3 : i32
    %scan3A_5 = arith.constant 1 : i32
    scf.for %scan3A_138 = %scan3A_2 to %scan3A_4 step %scan3A_5  : i32 {
      %mul3A_139 = arith.constant 128 : i32
      %mul3A_140 = arith.muli %scan3A_138, %mul3A_139 : i32
      %add3A_141 = arith.constant 0 : i32
      %add3A_142 = arith.addi %mul3A_140, %add3A_141 : i32
      %swap3A = arith.index_cast %add3A_142 : i32 to index
      %swap3A_143 = tpu.vector_load %arg11[%swap3A] {strides = array<i32>} : memref<10240xf32, #tpu.memory_space<vmem>>, vector<16xf32>,
      tpu.vector_store %arg11[%swap3A], %broadcast_in_dim3A_1 {strides = array<i32>} : memref<10240xf32, #tpu.memory_space<vmem>>, vector<16xf32>,
      %mul3A_144 = arith.constant 128 : i32
      %mul3A_145 = arith.muli %scan3A_138, %mul3A_144 : i32
      %add3A_146 = arith.constant 16 : i32
      %add3A_147 = arith.addi %mul3A_145, %add3A_146 : i32
      %swap3A_148 = arith.index_cast %add3A_147 : i32 to index
      %swap3A_149 = tpu.vector_load %arg11[%swap3A_148] {strides = array<i32>} : memref<10240xf32, #tpu.memory_space<vmem>>, vector<16xf32>,
      tpu.vector_store %arg11[%swap3A_148], %broadcast_in_dim3A_1 {strides = array<i32>} : memref<10240xf32, #tpu.memory_space<vmem>>, vector<16xf32>,
      %mul3A_150 = arith.constant 128 : i32
      %mul3A_151 = arith.muli %scan3A_138, %mul3A_150 : i32
      %add3A_152 = arith.constant 32 : i32
      %add3A_153 = arith.addi %mul3A_151, %add3A_152 : i32
      %swap3A_154 = arith.index_cast %add3A_153 : i32 to index
      %swap3A_155 = tpu.vector_load %arg11[%swap3A_154] {strides = array<i32>} : memref<10240xf32, #tpu.memory_space<vmem>>, vector<16xf32>,
      tpu.vector_store %arg11[%swap3A_154], %broadcast_in_dim3A_1 {strides = array<i32>} : memref<10240xf32, #tpu.memory_space<vmem>>, vector<16xf32>,
      %mul3A_156 = arith.constant 128 : i32
      %mul3A_157 = arith.muli %scan3A_138, %mul3A_156 : i32
      %add3A_158 = arith.constant 48 : i32
      %add3A_159 = arith.addi %mul3A_157, %add3A_158 : i32
      %swap3A_160 = arith.index_cast %add3A_159 : i32 to index
      %swap3A_161 = tpu.vector_load %arg11[%swap3A_160] {strides = array<i32>} : memref<10240xf32, #tpu.memory_space<vmem>>, vector<16xf32>,
      tpu.vector_store %arg11[%swap3A_160], %broadcast_in_dim3A_1 {strides = array<i32>} : memref<10240xf32, #tpu.memory_space<vmem>>, vector<16xf32>,
      %mul3A_162 = arith.constant 128 : i32
      %mul3A_163 = arith.muli %scan3A_138, %mul3A_162 : i32
      %add3A_164 = arith.constant 64 : i32
      %add3A_165 = arith.addi %mul3A_163, %add3A_164 : i32
      %swap3A_166 = arith.index_cast %add3A_165 : i32 to index
      %swap3A_167 = tpu.vector_load %arg11[%swap3A_166] {strides = array<i32>} : memref<10240xf32, #tpu.memory_space<vmem>>, vector<16xf32>,
      tpu.vector_store %arg11[%swap3A_166], %broadcast_in_dim3A_1 {strides = array<i32>} : memref<10240xf32, #tpu.memory_space<vmem>>, vector<16xf32>,
      %mul3A_168 = arith.constant 128 : i32
      %mul3A_169 = arith.muli %scan3A_138, %mul3A_168 : i32
      %add3A_170 = arith.constant 80 : i32
      %add3A_171 = arith.addi %mul3A_169, %add3A_170 : i32
      %swap3A_172 = arith.index_cast %add3A_171 : i32 to index
      %swap3A_173 = tpu.vector_load %arg11[%swap3A_172] {strides = array<i32>} : memref<10240xf32, #tpu.memory_space<vmem>>, vector<16xf32>,
      tpu.vector_store %arg11[%swap3A_172], %broadcast_in_dim3A_1 {strides = array<i32>} : memref<10240xf32, #tpu.memory_space<vmem>>, vector<16xf32>,
      %mul3A_174 = arith.constant 128 : i32
      %mul3A_175 = arith.muli %scan3A_138, %mul3A_174 : i32
      %add3A_176 = arith.constant 96 : i32
      %add3A_177 = arith.addi %mul3A_175, %add3A_176 : i32
      %swap3A_178 = arith.index_cast %add3A_177 : i32 to index
      %swap3A_179 = tpu.vector_load %arg11[%swap3A_178] {strides = array<i32>} : memref<10240xf32, #tpu.memory_space<vmem>>, vector<16xf32>,
      tpu.vector_store %arg11[%swap3A_178], %broadcast_in_dim3A_1 {strides = array<i32>} : memref<10240xf32, #tpu.memory_space<vmem>>, vector<16xf32>,
      %mul3A_180 = arith.constant 128 : i32
      %mul3A_181 = arith.muli %scan3A_138, %mul3A_180 : i32
      %add3A_182 = arith.constant 112 : i32
      %add3A_183 = arith.addi %mul3A_181, %add3A_182 : i32
      %swap3A_184 = arith.index_cast %add3A_183 : i32 to index
      %swap3A_185 = tpu.vector_load %arg11[%swap3A_184] {strides = array<i32>} : memref<10240xf32, #tpu.memory_space<vmem>>, vector<16xf32>,
      tpu.vector_store %arg11[%swap3A_184], %broadcast_in_dim3A_1 {strides = array<i32>} : memref<10240xf32, #tpu.memory_space<vmem>>, vector<16xf32>,
    }
    %scan3A_6 = arith.constant 80 : i32
    %scan3A_7 = arith.constant 0 : i32
    %scan3A_8 = arith.constant 0 : i32
    %scan3A_9 = arith.constant 8 : i32
    %scan3A_10 = arith.addi %scan3A_8, %scan3A_9 : i32
    %scan3A_11 = arith.constant 1 : i32
    scf.for %scan3A_138 = %scan3A_8 to %scan3A_10 step %scan3A_11  : i32 {
      %mul3A_139 = arith.constant 8 : i32
      %mul3A_140 = arith.muli %scan3A_138, %mul3A_139 : i32
      %add3A_141 = arith.constant 0 : i32
      %add3A_142 = arith.addi %mul3A_140, %add3A_141 : i32
      %swap3A = arith.index_cast %add3A_142 : i32 to index
      %swap3A_143 = arith.constant 0 : index
      %swap3A_144 = tpu.vector_load %arg15[%swap3A, %swap3A_143] {strides = array<i32>} : memref<64x128xf32, #tpu.memory_space<vmem>>, vector<16xf32>,
      tpu.vector_store %arg15[%swap3A, %swap3A_143], %broadcast_in_dim3A_1 {strides = array<i32>} : memref<64x128xf32, #tpu.memory_space<vmem>>, vector<16xf32>,
      %mul3A_145 = arith.constant 8 : i32
      %mul3A_146 = arith.muli %scan3A_138, %mul3A_145 : i32
      %add3A_147 = arith.constant 0 : i32
      %add3A_148 = arith.addi %mul3A_146, %add3A_147 : i32
      %swap3A_149 = arith.index_cast %add3A_148 : i32 to index
      %swap3A_150 = arith.constant 16 : index
      %swap3A_151 = tpu.vector_load %arg15[%swap3A_149, %swap3A_150] {strides = array<i32>} : memref<64x128xf32, #tpu.memory_space<vmem>>, vector<16xf32>,
      tpu.vector_store %arg15[%swap3A_149, %swap3A_150], %broadcast_in_dim3A_1 {strides = array<i32>} : memref<64x128xf32, #tpu.memory_space<vmem>>, vector<16xf32>,
      %mul3A_152 = arith.constant 8 : i32
      %mul3A_153 = arith.muli %scan3A_138, %mul3A_152 : i32
      %add3A_154 = arith.constant 0 : i32
      %add3A_155 = arith.addi %mul3A_153, %add3A_154 : i32
      %swap3A_156 = arith.index_cast %add3A_155 : i32 to index
      %swap3A_157 = arith.constant 32 : index
      %swap3A_158 = tpu.vector_load %arg15[%swap3A_156, %swap3A_157] {strides = array<i32>} : memref<64x128xf32, #tpu.memory_space<vmem>>, vector<16xf32>,
      tpu.vector_store %arg15[%swap3A_156, %swap3A_157], %broadcast_in_dim3A_1 {strides = array<i32>} : memref<64x128xf32, #tpu.memory_space<vmem>>, vector<16xf32>,
      %mul3A_159 = arith.constant 8 : i32
      %mul3A_160 = arith.muli %scan3A_138, %mul3A_159 : i32
      %add3A_161 = arith.constant 0 : i32
      %add3A_162 = arith.addi %mul3A_160, %add3A_161 : i32
      %swap3A_163 = arith.index_cast %add3A_162 : i32 to index
      %swap3A_164 = arith.constant 48 : index
      %swap3A_165 = tpu.vector_load %arg15[%swap3A_163, %swap3A_164] {strides = array<i32>} : memref<64x128xf32, #tpu.memory_space<vmem>>, vector<16xf32>,
      tpu.vector_store %arg15[%swap3A_163, %swap3A_164], %broadcast_in_dim3A_1 {strides = array<i32>} : memref<64x128xf32, #tpu.memory_space<vmem>>, vector<16xf32>,
      %mul3A_166 = arith.constant 8 : i32
      %mul3A_167 = arith.muli %scan3A_138, %mul3A_166 : i32
      %add3A_168 = arith.constant 0 : i32
      %add3A_169 = arith.addi %mul3A_167, %add3A_168 : i32
      %swap3A_170 = arith.index_cast %add3A_169 : i32 to index
      %swap3A_171 = arith.constant 64 : index
      %swap3A_172 = tpu.vector_load %arg15[%swap3A_170, %swap3A_171] {strides = array<i32>} : memref<64x128xf32, #tpu.memory_space<vmem>>, vector<16xf32>,
      tpu.vector_store %arg15[%swap3A_170, %swap3A_171], %broadcast_in_dim3A_1 {strides = array<i32>} : memref<64x128xf32, #tpu.memory_space<vmem>>, vector<16xf32>,
      %mul3A_173 = arith.constant 8 : i32
      %mul3A_174 = arith.muli %scan3A_138, %mul3A_173 : i32
      %add3A_175 = arith.constant 0 : i32
      %add3A_176 = arith.addi %mul3A_174, %add3A_175 : i32
      %swap3A_177 = arith.index_cast %add3A_176 : i32 to index
      %swap3A_178 = arith.constant 80 : index
      %swap3A_179 = tpu.vector_load %arg15[%swap3A_177, %swap3A_178] {strides = array<i32>} : memref<64x128xf32, #tpu.memory_space<vmem>>, vector<16xf32>,
      tpu.vector_store %arg15[%swap3A_177, %swap3A_178], %broadcast_in_dim3A_1 {strides = array<i32>} : memref<64x128xf32, #tpu.memory_space<vmem>>, vector<16xf32>,
      %mul3A_180 = arith.constant 8 : i32
      %mul3A_181 = arith.muli %scan3A_138, %mul3A_180 : i32
      %add3A_182 = arith.constant 0 : i32
      %add3A_183 = arith.addi %mul3A_181, %add3A_182 : i32
      %swap3A_184 = arith.index_cast %add3A_183 : i32 to index
      %swap3A_185 = arith.constant 96 : index
      %swap3A_186 = tpu.vector_load %arg15[%swap3A_184, %swap3A_185] {strides = array<i32>} : memref<64x128xf32, #tpu.memory_space<vmem>>, vector<16xf32>,
      tpu.vector_store %arg15[%swap3A_184, %swap3A_185], %broadcast_in_dim3A_1 {strides = array<i32>} : memref<64x128xf32, #tpu.memory_space<vmem>>, vector<16xf32>,
      %mul3A_187 = arith.constant 8 : i32
      %mul3A_188 = arith.muli %scan3A_138, %mul3A_187 : i32
      %add3A_189 = arith.constant 0 : i32
      %add3A_190 = arith.addi %mul3A_188, %add3A_189 : i32
      %swap3A_191 = arith.index_cast %add3A_190 : i32 to index
      %swap3A_192 = arith.constant 112 : index
      %swap3A_193 = tpu.vector_load %arg15[%swap3A_191, %swap3A_192] {strides = array<i32>} : memref<64x128xf32, #tpu.memory_space<vmem>>, vector<16xf32>,
      tpu.vector_store %arg15[%swap3A_191, %swap3A_192], %broadcast_in_dim3A_1 {strides = array<i32>} : memref<64x128xf32, #tpu.memory_space<vmem>>, vector<16xf32>,
      %mul3A_194 = arith.constant 8 : i32
      %mul3A_195 = arith.muli %scan3A_138, %mul3A_194 : i32
      %add3A_196 = arith.constant 1 : i32
      %add3A_197 = arith.addi %mul3A_195, %add3A_196 : i32
      %swap3A_198 = arith.index_cast %add3A_197 : i32 to index
      %swap3A_199 = arith.constant 0 : index
      %swap3A_200 = tpu.vector_load %arg15[%swap3A_198, %swap3A_199] {strides = array<i32>} : memref<64x128xf32, #tpu.memory_space<vmem>>, vector<16xf32>,
      tpu.vector_store %arg15[%swap3A_198, %swap3A_199], %broadcast_in_dim3A_1 {strides = array<i32>} : memref<64x128xf32, #tpu.memory_space<vmem>>, vector<16xf32>,
      %mul3A_201 = arith.constant 8 : i32
      %mul3A_202 = arith.muli %scan3A_138, %mul3A_201 : i32
      %add3A_203 = arith.constant 1 : i32
      %add3A_204 = arith.addi %mul3A_202, %add3A_203 : i32
      %swap3A_205 = arith.index_cast %add3A_204 : i32 to index
      %swap3A_206 = arith.constant 16 : index
      %swap3A_207 = tpu.vector_load %arg15[%swap3A_205, %swap3A_206] {strides = array<i32>} : memref<64x128xf32, #tpu.memory_space<vmem>>, vector<16xf32>,
      tpu.vector_store %arg15[%swap3A_205, %swap3A_206], %broadcast_in_dim3A_1 {strides = array<i32>} : memref<64x128xf32, #tpu.memory_space<vmem>>, vector<16xf32>,
      %mul3A_208 = arith.constant 8 : i32
      %mul3A_209 = arith.muli %scan3A_138, %mul3A_208 : i32
      %add3A_210 = arith.constant 1 : i32
      %add3A_211 = arith.addi %mul3A_209, %add3A_210 : i32
      %swap3A_212 = arith.index_cast %add3A_211 : i32 to index
      %swap3A_213 = arith.constant 32 : index
      %swap3A_214 = tpu.vector_load %arg15[%swap3A_212, %swap3A_213] {strides = array<i32>} : memref<64x128xf32, #tpu.memory_space<vmem>>, vector<16xf32>,
      tpu.vector_store %arg15[%swap3A_212, %swap3A_213], %broadcast_in_dim3A_1 {strides = array<i32>} : memref<64x128xf32, #tpu.memory_space<vmem>>, vector<16xf32>,
      %mul3A_215 = arith.constant 8 : i32
      %mul3A_216 = arith.muli %scan3A_138, %mul3A_215 : i32
      %add3A_217 = arith.constant 1 : i32
      %add3A_218 = arith.addi %mul3A_216, %add3A_217 : i32
      %swap3A_219 = arith.index_cast %add3A_218 : i32 to index
      %swap3A_220 = arith.constant 48 : index
      %swap3A_221 = tpu.vector_load %arg15[%swap3A_219, %swap3A_220] {strides = array<i32>} : memref<64x128xf32, #tpu.memory_space<vmem>>, vector<16xf32>,
      tpu.vector_store %arg15[%swap3A_219, %swap3A_220], %broadcast_in_dim3A_1 {strides = array<i32>} : memref<64x128xf32, #tpu.memory_space<vmem>>, vector<16xf32>,
      %mul3A_222 = arith.constant 8 : i32
      %mul3A_223 = arith.muli %scan3A_138, %mul3A_222 : i32
      %add3A_224 = arith.constant 1 : i32
      %add3A_225 = arith.addi %mul3A_223, %add3A_224 : i32
      %swap3A_226 = arith.index_cast %add3A_225 : i32 to index
      %swap3A_227 = arith.constant 64 : index
      %swap3A_228 = tpu.vector_load %arg15[%swap3A_226, %swap3A_227] {strides = array<i32>} : memref<64x128xf32, #tpu.memory_space<vmem>>, vector<16xf32>,
      tpu.vector_store %arg15[%swap3A_226, %swap3A_227], %broadcast_in_dim3A_1 {strides = array<i32>} : memref<64x128xf32, #tpu.memory_space<vmem>>, vector<16xf32>,
      %mul3A_229 = arith.constant 8 : i32
      %mul3A_230 = arith.muli %scan3A_138, %mul3A_229 : i32
      %add3A_231 = arith.constant 1 : i32
      %add3A_232 = arith.addi %mul3A_230, %add3A_231 : i32
      %swap3A_233 = arith.index_cast %add3A_232 : i32 to index
      %swap3A_234 = arith.constant 80 : index
      %swap3A_235 = tpu.vector_load %arg15[%swap3A_233, %swap3A_234] {strides = array<i32>} : memref<64x128xf32, #tpu.memory_space<vmem>>, vector<16xf32>,
      tpu.vector_store %arg15[%swap3A_233, %swap3A_234], %broadcast_in_dim3A_1 {strides = array<i32>} : memref<64x128xf32, #tpu.memory_space<vmem>>, vector<16xf32>,
      %mul3A_236 = arith.constant 8 : i32
      %mul3A_237 = arith.muli %scan3A_138, %mul3A_236 : i32
      %add3A_238 = arith.constant 1 : i32
      %add3A_239 = arith.addi %mul3A_237, %add3A_238 : i32
      %swap3A_240 = arith.index_cast %add3A_239 : i32 to index
      %swap3A_241 = arith.constant 96 : index
      %swap3A_242 = tpu.vector_load %arg15[%swap3A_240, %swap3A_241] {strides = array<i32>} : memref<64x128xf32, #tpu.memory_space<vmem>>, vector<16xf32>,
      tpu.vector_store %arg15[%swap3A_240, %swap3A_241], %broadcast_in_dim3A_1 {strides = array<i32>} : memref<64x128xf32, #tpu.memory_space<vmem>>, vector<16xf32>,
      %mul3A_243 = arith.constant 8 : i32
      %mul3A_244 = arith.muli %scan3A_138, %mul3A_243 : i32
      %add3A_245 = arith.constant 1 : i32
      %add3A_246 = arith.addi %mul3A_244, %add3A_245 : i32
      %swap3A_247 = arith.index_cast %add3A_246 : i32 to index
      %swap3A_248 = arith.constant 112 : index
      %swap3A_249 = tpu.vector_load %arg15[%swap3A_247, %swap3A_248] {strides = array<i32>} : memref<64x128xf32, #tpu.memory_space<vmem>>, vector<16xf32>,
      tpu.vector_store %arg15[%swap3A_247, %swap3A_248], %broadcast_in_dim3A_1 {strides = array<i32>} : memref<64x128xf32, #tpu.memory_space<vmem>>, vector<16xf32>,
      %mul3A_250 = arith.constant 8 : i32
      %mul3A_251 = arith.muli %scan3A_138, %mul3A_250 : i32
      %add3A_252 = arith.constant 2 : i32
      %add3A_253 = arith.addi %mul3A_251, %add3A_252 : i32
      %swap3A_254 = arith.index_cast %add3A_253 : i32 to index
      %swap3A_255 = arith.constant 0 : index
      %swap3A_256 = tpu.vector_load %arg15[%swap3A_254, %swap3A_255] {strides = array<i32>} : memref<64x128xf32, #tpu.memory_space<vmem>>, vector<16xf32>,
      tpu.vector_store %arg15[%swap3A_254, %swap3A_255], %broadcast_in_dim3A_1 {strides = array<i32>} : memref<64x128xf32, #tpu.memory_space<vmem>>, vector<16xf32>,
      %mul3A_257 = arith.constant 8 : i32
      %mul3A_258 = arith.muli %scan3A_138, %mul3A_257 : i32
      %add3A_259 = arith.constant 2 : i32
      %add3A_260 = arith.addi %mul3A_258, %add3A_259 : i32
      %swap3A_261 = arith.index_cast %add3A_260 : i32 to index
      %swap3A_262 = arith.constant 16 : index
      %swap3A_263 = tpu.vector_load %arg15[%swap3A_261, %swap3A_262] {strides = array<i32>} : memref<64x128xf32, #tpu.memory_space<vmem>>, vector<16xf32>,
      tpu.vector_store %arg15[%swap3A_261, %swap3A_262], %broadcast_in_dim3A_1 {strides = array<i32>} : memref<64x128xf32, #tpu.memory_space<vmem>>, vector<16xf32>,
      %mul3A_264 = arith.constant 8 : i32
      %mul3A_265 = arith.muli %scan3A_138, %mul3A_264 : i32
      %add3A_266 = arith.constant 2 : i32
      %add3A_267 = arith.addi %mul3A_265, %add3A_266 : i32
      %swap3A_268 = arith.index_cast %add3A_267 : i32 to index
      %swap3A_269 = arith.constant 32 : index
      %swap3A_270 = tpu.vector_load %arg15[%swap3A_268, %swap3A_269] {strides = array<i32>} : memref<64x128xf32, #tpu.memory_space<vmem>>, vector<16xf32>,
      tpu.vector_store %arg15[%swap3A_268, %swap3A_269], %broadcast_in_dim3A_1 {strides = array<i32>} : memref<64x128xf32, #tpu.memory_space<vmem>>, vector<16xf32>,
      %mul3A_271 = arith.constant 8 : i32
      %mul3A_272 = arith.muli %scan3A_138, %mul3A_271 : i32
      %add3A_273 = arith.constant 2 : i32
      %add3A_274 = arith.addi %mul3A_272, %add3A_273 : i32
      %swap3A_275 = arith.index_cast %add3A_274 : i32 to index
      %swap3A_276 = arith.constant 48 : index
      %swap3A_277 = tpu.vector_load %arg15[%swap3A_275, %swap3A_276] {strides = array<i32>} : memref<64x128xf32, #tpu.memory_space<vmem>>, vector<16xf32>,
      tpu.vector_store %arg15[%swap3A_275, %swap3A_276], %broadcast_in_dim3A_1 {strides = array<i32>} : memref<64x128xf32, #tpu.memory_space<vmem>>, vector<16xf32>,
      %mul3A_278 = arith.constant 8 : i32
      %mul3A_279 = arith.muli %scan3A_138, %mul3A_278 : i32
      %add3A_280 = arith.constant 2 : i32
      %add3A_281 = arith.addi %mul3A_279, %add3A_280 : i32
      %swap3A_282 = arith.index_cast %add3A_281 : i32 to index
      %swap3A_283 = arith.constant 64 : index
      %swap3A_284 = tpu.vector_load %arg15[%swap3A_282, %swap3A_283] {strides = array<i32>} : memref<64x128xf32, #tpu.memory_space<vmem>>, vector<16xf32>,
      tpu.vector_store %arg15[%swap3A_282, %swap3A_283], %broadcast_in_dim3A_1 {strides = array<i32>} : memref<64x128xf32, #tpu.memory_space<vmem>>, vector<16xf32>,
      %mul3A_285 = arith.constant 8 : i32
      %mul3A_286 = arith.muli %scan3A_138, %mul3A_285 : i32
      %add3A_287 = arith.constant 2 : i32
      %add3A_288 = arith.addi %mul3A_286, %add3A_287 : i32
      %swap3A_289 = arith.index_cast %add3A_288 : i32 to index
      %swap3A_290 = arith.constant 80 : index
      %swap3A_291 = tpu.vector_load %arg15[%swap3A_289, %swap3A_290] {strides = array<i32>} : memref<64x128xf32, #tpu.memory_space<vmem>>, vector<16xf32>,
      tpu.vector_store %arg15[%swap3A_289, %swap3A_290], %broadcast_in_dim3A_1 {strides = array<i32>} : memref<64x128xf32, #tpu.memory_space<vmem>>, vector<16xf32>,
      %mul3A_292 = arith.constant 8 : i32
      %mul3A_293 = arith.muli %scan3A_138, %mul3A_292 : i32
      %add3A_294 = arith.constant 2 : i32
      %add3A_295 = arith.addi %mul3A_293, %add3A_294 : i32
      %swap3A_296 = arith.index_cast %add3A_295 : i32 to index
      %swap3A_297 = arith.constant 96 : index
      %swap3A_298 = tpu.vector_load %arg15[%swap3A_296, %swap3A_297] {strides = array<i32>} : memref<64x128xf32, #tpu.memory_space<vmem>>, vector<16xf32>,
      tpu.vector_store %arg15[%swap3A_296, %swap3A_297], %broadcast_in_dim3A_1 {strides = array<i32>} : memref<64x128xf32, #tpu.memory_space<vmem>>, vector<16xf32>,
      %mul3A_299 = arith.constant 8 : i32
      %mul3A_300 = arith.muli %scan3A_138, %mul3A_299 : i32
      %add3A_301 = arith.constant 2 : i32
      %add3A_302 = arith.addi %mul3A_300, %add3A_301 : i32
      %swap3A_303 = arith.index_cast %add3A_302 : i32 to index
      %swap3A_304 = arith.constant 112 : index
      %swap3A_305 = tpu.vector_load %arg15[%swap3A_303, %swap3A_304] {strides = array<i32>} : memref<64x128xf32, #tpu.memory_space<vmem>>, vector<16xf32>,
      tpu.vector_store %arg15[%swap3A_303, %swap3A_304], %broadcast_in_dim3A_1 {strides = array<i32>} : memref<64x128xf32, #tpu.memory_space<vmem>>, vector<16xf32>,
      %mul3A_306 = arith.constant 8 : i32
      %mul3A_307 = arith.muli %scan3A_138, %mul3A_306 : i32
      %add3A_308 = arith.constant 3 : i32
      %add3A_309 = arith.addi %mul3A_307, %add3A_308 : i32
      %swap3A_310 = arith.index_cast %add3A_309 : i32 to index
      %swap3A_311 = arith.constant 0 : index
      %swap3A_312 = tpu.vector_load %arg15[%swap3A_310, %swap3A_311] {strides = array<i32>} : memref<64x128xf32, #tpu.memory_space<vmem>>, vector<16xf32>,
      tpu.vector_store %arg15[%swap3A_310, %swap3A_311], %broadcast_in_dim3A_1 {strides = array<i32>} : memref<64x128xf32, #tpu.memory_space<vmem>>, vector<16xf32>,
      %mul3A_313 = arith.constant 8 : i32
      %mul3A_314 = arith.muli %scan3A_138, %mul3A_313 : i32
      %add3A_315 = arith.constant 3 : i32
      %add3A_316 = arith.addi %mul3A_314, %add3A_315 : i32
      %swap3A_317 = arith.index_cast %add3A_316 : i32 to index
      %swap3A_318 = arith.constant 16 : index
      %swap3A_319 = tpu.vector_load %arg15[%swap3A_317, %swap3A_318] {strides = array<i32>} : memref<64x128xf32, #tpu.memory_space<vmem>>, vector<16xf32>,
      tpu.vector_store %arg15[%swap3A_317, %swap3A_318], %broadcast_in_dim3A_1 {strides = array<i32>} : memref<64x128xf32, #tpu.memory_space<vmem>>, vector<16xf32>,
      %mul3A_320 = arith.constant 8 : i32
      %mul3A_321 = arith.muli %scan3A_138, %mul3A_320 : i32
      %add3A_322 = arith.constant 3 : i32
      %add3A_323 = arith.addi %mul3A_321, %add3A_322 : i32
      %swap3A_324 = arith.index_cast %add3A_323 : i32 to index
      %swap3A_325 = arith.constant 32 : index
      %swap3A_326 = tpu.vector_load %arg15[%swap3A_324, %swap3A_325] {strides = array<i32>} : memref<64x128xf32, #tpu.memory_space<vmem>>, vector<16xf32>,
      tpu.vector_store %arg15[%swap3A_324, %swap3A_325], %broadcast_in_dim3A_1 {strides = array<i32>} : memref<64x128xf32, #tpu.memory_space<vmem>>, vector<16xf32>,
      %mul3A_327 = arith.constant 8 : i32
      %mul3A_328 = arith.muli %scan3A_138, %mul3A_327 : i32
      %add3A_329 = arith.constant 3 : i32
      %add3A_330 = arith.addi %mul3A_328, %add3A_329 : i32
      %swap3A_331 = arith.index_cast %add3A_330 : i32 to index
      %swap3A_332 = arith.constant 48 : index
      %swap3A_333 = tpu.vector_load %arg15[%swap3A_331, %swap3A_332] {strides = array<i32>} : memref<64x128xf32, #tpu.memory_space<vmem>>, vector<16xf32>,
      tpu.vector_store %arg15[%swap3A_331, %swap3A_332], %broadcast_in_dim3A_1 {strides = array<i32>} : memref<64x128xf32, #tpu.memory_space<vmem>>, vector<16xf32>,
      %mul3A_334 = arith.constant 8 : i32
      %mul3A_335 = arith.muli %scan3A_138, %mul3A_334 : i32
      %add3A_336 = arith.constant 3 : i32
      %add3A_337 = arith.addi %mul3A_335, %add3A_336 : i32
      %swap3A_338 = arith.index_cast %add3A_337 : i32 to index
      %swap3A_339 = arith.constant 64 : index
      %swap3A_340 = tpu.vector_load %arg15[%swap3A_338, %swap3A_339] {strides = array<i32>} : memref<64x128xf32, #tpu.memory_space<vmem>>, vector<16xf32>,
      tpu.vector_store %arg15[%swap3A_338, %swap3A_339], %broadcast_in_dim3A_1 {strides = array<i32>} : memref<64x128xf32, #tpu.memory_space<vmem>>, vector<16xf32>,
      %mul3A_341 = arith.constant 8 : i32
      %mul3A_342 = arith.muli %scan3A_138, %mul3A_341 : i32
      %add3A_343 = arith.constant 3 : i32
      %add3A_344 = arith.addi %mul3A_342, %add3A_343 : i32
      %swap3A_345 = arith.index_cast %add3A_344 : i32 to index
      %swap3A_346 = arith.constant 80 : index
      %swap3A_347 = tpu.vector_load %arg15[%swap3A_345, %swap3A_346] {strides = array<i32>} : memref<64x128xf32, #tpu.memory_space<vmem>>, vector<16xf32>,
      tpu.vector_store %arg15[%swap3A_345, %swap3A_346], %broadcast_in_dim3A_1 {strides = array<i32>} : memref<64x128xf32, #tpu.memory_space<vmem>>, vector<16xf32>,
      %mul3A_348 = arith.constant 8 : i32
      %mul3A_349 = arith.muli %scan3A_138, %mul3A_348 : i32
      %add3A_350 = arith.constant 3 : i32
      %add3A_351 = arith.addi %mul3A_349, %add3A_350 : i32
      %swap3A_352 = arith.index_cast %add3A_351 : i32 to index
      %swap3A_353 = arith.constant 96 : index
      %swap3A_354 = tpu.vector_load %arg15[%swap3A_352, %swap3A_353] {strides = array<i32>} : memref<64x128xf32, #tpu.memory_space<vmem>>, vector<16xf32>,
      tpu.vector_store %arg15[%swap3A_352, %swap3A_353], %broadcast_in_dim3A_1 {strides = array<i32>} : memref<64x128xf32, #tpu.memory_space<vmem>>, vector<16xf32>,
      %mul3A_355 = arith.constant 8 : i32
      %mul3A_356 = arith.muli %scan3A_138, %mul3A_355 : i32
      %add3A_357 = arith.constant 3 : i32
      %add3A_358 = arith.addi %mul3A_356, %add3A_357 : i32
      %swap3A_359 = arith.index_cast %add3A_358 : i32 to index
      %swap3A_360 = arith.constant 112 : index
      %swap3A_361 = tpu.vector_load %arg15[%swap3A_359, %swap3A_360] {strides = array<i32>} : memref<64x128xf32, #tpu.memory_space<vmem>>, vector<16xf32>,
      tpu.vector_store %arg15[%swap3A_359, %swap3A_360], %broadcast_in_dim3A_1 {strides = array<i32>} : memref<64x128xf32, #tpu.memory_space<vmem>>, vector<16xf32>,
      %mul3A_362 = arith.constant 8 : i32
      %mul3A_363 = arith.muli %scan3A_138, %mul3A_362 : i32
      %add3A_364 = arith.constant 4 : i32
      %add3A_365 = arith.addi %mul3A_363, %add3A_364 : i32
      %swap3A_366 = arith.index_cast %add3A_365 : i32 to index
      %swap3A_367 = arith.constant 0 : index
      %swap3A_368 = tpu.vector_load %arg15[%swap3A_366, %swap3A_367] {strides = array<i32>} : memref<64x128xf32, #tpu.memory_space<vmem>>, vector<16xf32>,
      tpu.vector_store %arg15[%swap3A_366, %swap3A_367], %broadcast_in_dim3A_1 {strides = array<i32>} : memref<64x128xf32, #tpu.memory_space<vmem>>, vector<16xf32>,
      %mul3A_369 = arith.constant 8 : i32
      %mul3A_370 = arith.muli %scan3A_138, %mul3A_369 : i32
      %add3A_371 = arith.constant 4 : i32
      %add3A_372 = arith.addi %mul3A_370, %add3A_371 : i32
      %swap3A_373 = arith.index_cast %add3A_372 : i32 to index
      %swap3A_374 = arith.constant 16 : index
      %swap3A_375 = tpu.vector_load %arg15[%swap3A_373, %swap3A_374] {strides = array<i32>} : memref<64x128xf32, #tpu.memory_space<vmem>>, vector<16xf32>,
      tpu.vector_store %arg15[%swap3A_373, %swap3A_374], %broadcast_in_dim3A_1 {strides = array<i32>} : memref<64x128xf32, #tpu.memory_space<vmem>>, vector<16xf32>,
      %mul3A_376 = arith.constant 8 : i32
      %mul3A_377 = arith.muli %scan3A_138, %mul3A_376 : i32
      %add3A_378 = arith.constant 4 : i32
      %add3A_379 = arith.addi %mul3A_377, %add3A_378 : i32
      %swap3A_380 = arith.index_cast %add3A_379 : i32 to index
      %swap3A_381 = arith.constant 32 : index
      %swap3A_382 = tpu.vector_load %arg15[%swap3A_380, %swap3A_381] {strides = array<i32>} : memref<64x128xf32, #tpu.memory_space<vmem>>, vector<16xf32>,
      tpu.vector_store %arg15[%swap3A_380, %swap3A_381], %broadcast_in_dim3A_1 {strides = array<i32>} : memref<64x128xf32, #tpu.memory_space<vmem>>, vector<16xf32>,
      %mul3A_383 = arith.constant 8 : i32
      %mul3A_384 = arith.muli %scan3A_138, %mul3A_383 : i32
      %add3A_385 = arith.constant 4 : i32
      %add3A_386 = arith.addi %mul3A_384, %add3A_385 : i32
      %swap3A_387 = arith.index_cast %add3A_386 : i32 to index
      %swap3A_388 = arith.constant 48 : index
      %swap3A_389 = tpu.vector_load %arg15[%swap3A_387, %swap3A_388] {strides = array<i32>} : memref<64x128xf32, #tpu.memory_space<vmem>>, vector<16xf32>,
      tpu.vector_store %arg15[%swap3A_387, %swap3A_388], %broadcast_in_dim3A_1 {strides = array<i32>} : memref<64x128xf32, #tpu.memory_space<vmem>>, vector<16xf32>,
      %mul3A_390 = arith.constant 8 : i32
      %mul3A_391 = arith.muli %scan3A_138, %mul3A_390 : i32
      %add3A_392 = arith.constant 4 : i32
      %add3A_393 = arith.addi %mul3A_391, %add3A_392 : i32
      %swap3A_394 = arith.index_cast %add3A_393 : i32 to index
      %swap3A_395 = arith.constant 64 : index
      %swap3A_396 = tpu.vector_load %arg15[%swap3A_394, %swap3A_395] {strides = array<i32>} : memref<64x128xf32, #tpu.memory_space<vmem>>, vector<16xf32>,
      tpu.vector_store %arg15[%swap3A_394, %swap3A_395], %broadcast_in_dim3A_1 {strides = array<i32>} : memref<64x128xf32, #tpu.memory_space<vmem>>, vector<16xf32>,
      %mul3A_397 = arith.constant 8 : i32
      %mul3A_398 = arith.muli %scan3A_138, %mul3A_397 : i32
      %add3A_399 = arith.constant 4 : i32
      %add3A_400 = arith.addi %mul3A_398, %add3A_399 : i32
      %swap3A_401 = arith.index_cast %add3A_400 : i32 to index
      %swap3A_402 = arith.constant 80 : index
      %swap3A_403 = tpu.vector_load %arg15[%swap3A_401, %swap3A_402] {strides = array<i32>} : memref<64x128xf32, #tpu.memory_space<vmem>>, vector<16xf32>,
      tpu.vector_store %arg15[%swap3A_401, %swap3A_402], %broadcast_in_dim3A_1 {strides = array<i32>} : memref<64x128xf32, #tpu.memory_space<vmem>>, vector<16xf32>,
      %mul3A_404 = arith.constant 8 : i32
      %mul3A_405 = arith.muli %scan3A_138, %mul3A_404 : i32
      %add3A_406 = arith.constant 4 : i32
      %add3A_407 = arith.addi %mul3A_405, %add3A_406 : i32
      %swap3A_408 = arith.index_cast %add3A_407 : i32 to index
      %swap3A_409 = arith.constant 96 : index
      %swap3A_410 = tpu.vector_load %arg15[%swap3A_408, %swap3A_409] {strides = array<i32>} : memref<64x128xf32, #tpu.memory_space<vmem>>, vector<16xf32>,
      tpu.vector_store %arg15[%swap3A_408, %swap3A_409], %broadcast_in_dim3A_1 {strides = array<i32>} : memref<64x128xf32, #tpu.memory_space<vmem>>, vector<16xf32>,
      %mul3A_411 = arith.constant 8 : i32
      %mul3A_412 = arith.muli %scan3A_138, %mul3A_411 : i32
      %add3A_413 = arith.constant 4 : i32
      %add3A_414 = arith.addi %mul3A_412, %add3A_413 : i32
      %swap3A_415 = arith.index_cast %add3A_414 : i32 to index
      %swap3A_416 = arith.constant 112 : index
      %swap3A_417 = tpu.vector_load %arg15[%swap3A_415, %swap3A_416] {strides = array<i32>} : memref<64x128xf32, #tpu.memory_space<vmem>>, vector<16xf32>,
      tpu.vector_store %arg15[%swap3A_415, %swap3A_416], %broadcast_in_dim3A_1 {strides = array<i32>} : memref<64x128xf32, #tpu.memory_space<vmem>>, vector<16xf32>,
      %mul3A_418 = arith.constant 8 : i32
      %mul3A_419 = arith.muli %scan3A_138, %mul3A_418 : i32
      %add3A_420 = arith.constant 5 : i32
      %add3A_421 = arith.addi %mul3A_419, %add3A_420 : i32
      %swap3A_422 = arith.index_cast %add3A_421 : i32 to index
      %swap3A_423 = arith.constant 0 : index
      %swap3A_424 = tpu.vector_load %arg15[%swap3A_422, %swap3A_423] {strides = array<i32>} : memref<64x128xf32, #tpu.memory_space<vmem>>, vector<16xf32>,
      tpu.vector_store %arg15[%swap3A_422, %swap3A_423], %broadcast_in_dim3A_1 {strides = array<i32>} : memref<64x128xf32, #tpu.memory_space<vmem>>, vector<16xf32>,
      %mul3A_425 = arith.constant 8 : i32
      %mul3A_426 = arith.muli %scan3A_138, %mul3A_425 : i32
      %add3A_427 = arith.constant 5 : i32
      %add3A_428 = arith.addi %mul3A_426, %add3A_427 : i32
      %swap3A_429 = arith.index_cast %add3A_428 : i32 to index
      %swap3A_430 = arith.constant 16 : index
      %swap3A_431 = tpu.vector_load %arg15[%swap3A_429, %swap3A_430] {strides = array<i32>} : memref<64x128xf32, #tpu.memory_space<vmem>>, vector<16xf32>,
      tpu.vector_store %arg15[%swap3A_429, %swap3A_430], %broadcast_in_dim3A_1 {strides = array<i32>} : memref<64x128xf32, #tpu.memory_space<vmem>>, vector<16xf32>,
      %mul3A_432 = arith.constant 8 : i32
      %mul3A_433 = arith.muli %scan3A_138, %mul3A_432 : i32
      %add3A_434 = arith.constant 5 : i32
      %add3A_435 = arith.addi %mul3A_433, %add3A_434 : i32
      %swap3A_436 = arith.index_cast %add3A_435 : i32 to index
      %swap3A_437 = arith.constant 32 : index
      %swap3A_438 = tpu.vector_load %arg15[%swap3A_436, %swap3A_437] {strides = array<i32>} : memref<64x128xf32, #tpu.memory_space<vmem>>, vector<16xf32>,
      tpu.vector_store %arg15[%swap3A_436, %swap3A_437], %broadcast_in_dim3A_1 {strides = array<i32>} : memref<64x128xf32, #tpu.memory_space<vmem>>, vector<16xf32>,
      %mul3A_439 = arith.constant 8 : i32
      %mul3A_440 = arith.muli %scan3A_138, %mul3A_439 : i32
      %add3A_441 = arith.constant 5 : i32
      %add3A_442 = arith.addi %mul3A_440, %add3A_441 : i32
      %swap3A_443 = arith.index_cast %add3A_442 : i32 to index
      %swap3A_444 = arith.constant 48 : index
      %swap3A_445 = tpu.vector_load %arg15[%swap3A_443, %swap3A_444] {strides = array<i32>} : memref<64x128xf32, #tpu.memory_space<vmem>>, vector<16xf32>,
      tpu.vector_store %arg15[%swap3A_443, %swap3A_444], %broadcast_in_dim3A_1 {strides = array<i32>} : memref<64x128xf32, #tpu.memory_space<vmem>>, vector<16xf32>,
      %mul3A_446 = arith.constant 8 : i32
      %mul3A_447 = arith.muli %scan3A_138, %mul3A_446 : i32
      %add3A_448 = arith.constant 5 : i32
      %add3A_449 = arith.addi %mul3A_447, %add3A_448 : i32
      %swap3A_450 = arith.index_cast %add3A_449 : i32 to index
      %swap3A_451 = arith.constant 64 : index
      %swap3A_452 = tpu.vector_load %arg15[%swap3A_450, %swap3A_451] {strides = array<i32>} : memref<64x128xf32, #tpu.memory_space<vmem>>, vector<16xf32>,
      tpu.vector_store %arg15[%swap3A_450, %swap3A_451], %broadcast_in_dim3A_1 {strides = array<i32>} : memref<64x128xf32, #tpu.memory_space<vmem>>, vector<16xf32>,
      %mul3A_453 = arith.constant 8 : i32
      %mul3A_454 = arith.muli %scan3A_138, %mul3A_453 : i32
      %add3A_455 = arith.constant 5 : i32
      %add3A_456 = arith.addi %mul3A_454, %add3A_455 : i32
      %swap3A_457 = arith.index_cast %add3A_456 : i32 to index
      %swap3A_458 = arith.constant 80 : index
      %swap3A_459 = tpu.vector_load %arg15[%swap3A_457, %swap3A_458] {strides = array<i32>} : memref<64x128xf32, #tpu.memory_space<vmem>>, vector<16xf32>,
      tpu.vector_store %arg15[%swap3A_457, %swap3A_458], %broadcast_in_dim3A_1 {strides = array<i32>} : memref<64x128xf32, #tpu.memory_space<vmem>>, vector<16xf32>,
      %mul3A_460 = arith.constant 8 : i32
      %mul3A_461 = arith.muli %scan3A_138, %mul3A_460 : i32
      %add3A_462 = arith.constant 5 : i32
      %add3A_463 = arith.addi %mul3A_461, %add3A_462 : i32
      %swap3A_464 = arith.index_cast %add3A_463 : i32 to index
      %swap3A_465 = arith.constant 96 : index
      %swap3A_466 = tpu.vector_load %arg15[%swap3A_464, %swap3A_465] {strides = array<i32>} : memref<64x128xf32, #tpu.memory_space<vmem>>, vector<16xf32>,
      tpu.vector_store %arg15[%swap3A_464, %swap3A_465], %broadcast_in_dim3A_1 {strides = array<i32>} : memref<64x128xf32, #tpu.memory_space<vmem>>, vector<16xf32>,
      %mul3A_467 = arith.constant 8 : i32
      %mul3A_468 = arith.muli %scan3A_138, %mul3A_467 : i32
      %add3A_469 = arith.constant 5 : i32
      %add3A_470 = arith.addi %mul3A_468, %add3A_469 : i32
      %swap3A_471 = arith.index_cast %add3A_470 : i32 to index
      %swap3A_472 = arith.constant 112 : index
      %swap3A_473 = tpu.vector_load %arg15[%swap3A_471, %swap3A_472] {strides = array<i32>} : memref<64x128xf32, #tpu.memory_space<vmem>>, vector<16xf32>,
      tpu.vector_store %arg15[%swap3A_471, %swap3A_472], %broadcast_in_dim3A_1 {strides = array<i32>} : memref<64x128xf32, #tpu.memory_space<vmem>>, vector<16xf32>,
      %mul3A_474 = arith.constant 8 : i32
      %mul3A_475 = arith.muli %scan3A_138, %mul3A_474 : i32
      %add3A_476 = arith.constant 6 : i32
      %add3A_477 = arith.addi %mul3A_475, %add3A_476 : i32
      %swap3A_478 = arith.index_cast %add3A_477 : i32 to index
      %swap3A_479 = arith.constant 0 : index
      %swap3A_480 = tpu.vector_load %arg15[%swap3A_478, %swap3A_479] {strides = array<i32>} : memref<64x128xf32, #tpu.memory_space<vmem>>, vector<16xf32>,
      tpu.vector_store %arg15[%swap3A_478, %swap3A_479], %broadcast_in_dim3A_1 {strides = array<i32>} : memref<64x128xf32, #tpu.memory_space<vmem>>, vector<16xf32>,
      %mul3A_481 = arith.constant 8 : i32
      %mul3A_482 = arith.muli %scan3A_138, %mul3A_481 : i32
      %add3A_483 = arith.constant 6 : i32
      %add3A_484 = arith.addi %mul3A_482, %add3A_483 : i32
      %swap3A_485 = arith.index_cast %add3A_484 : i32 to index
      %swap3A_486 = arith.constant 16 : index
      %swap3A_487 = tpu.vector_load %arg15[%swap3A_485, %swap3A_486] {strides = array<i32>} : memref<64x128xf32, #tpu.memory_space<vmem>>, vector<16xf32>,
      tpu.vector_store %arg15[%swap3A_485, %swap3A_486], %broadcast_in_dim3A_1 {strides = array<i32>} : memref<64x128xf32, #tpu.memory_space<vmem>>, vector<16xf32>,
      %mul3A_488 = arith.constant 8 : i32
      %mul3A_489 = arith.muli %scan3A_138, %mul3A_488 : i32
      %add3A_490 = arith.constant 6 : i32
      %add3A_491 = arith.addi %mul3A_489, %add3A_490 : i32
      %swap3A_492 = arith.index_cast %add3A_491 : i32 to index
      %swap3A_493 = arith.constant 32 : index
      %swap3A_494 = tpu.vector_load %arg15[%swap3A_492, %swap3A_493] {strides = array<i32>} : memref<64x128xf32, #tpu.memory_space<vmem>>, vector<16xf32>,
      tpu.vector_store %arg15[%swap3A_492, %swap3A_493], %broadcast_in_dim3A_1 {strides = array<i32>} : memref<64x128xf32, #tpu.memory_space<vmem>>, vector<16xf32>,
      %mul3A_495 = arith.constant 8 : i32
      %mul3A_496 = arith.muli %scan3A_138, %mul3A_495 : i32
      %add3A_497 = arith.constant 6 : i32
      %add3A_498 = arith.addi %mul3A_496, %add3A_497 : i32
      %swap3A_499 = arith.index_cast %add3A_498 : i32 to index
      %swap3A_500 = arith.constant 48 : index
      %swap3A_501 = tpu.vector_load %arg15[%swap3A_499, %swap3A_500] {strides = array<i32>} : memref<64x128xf32, #tpu.memory_space<vmem>>, vector<16xf32>,
      tpu.vector_store %arg15[%swap3A_499, %swap3A_500], %broadcast_in_dim3A_1 {strides = array<i32>} : memref<64x128xf32, #tpu.memory_space<vmem>>, vector<16xf32>,
      %mul3A_502 = arith.constant 8 : i32
      %mul3A_503 = arith.muli %scan3A_138, %mul3A_502 : i32
      %add3A_504 = arith.constant 6 : i32
      %add3A_505 = arith.addi %mul3A_503, %add3A_504 : i32
      %swap3A_506 = arith.index_cast %add3A_505 : i32 to index
      %swap3A_507 = arith.constant 64 : index
      %swap3A_508 = tpu.vector_load %arg15[%swap3A_506, %swap3A_507] {strides = array<i32>} : memref<64x128xf32, #tpu.memory_space<vmem>>, vector<16xf32>,
      tpu.vector_store %arg15[%swap3A_506, %swap3A_507], %broadcast_in_dim3A_1 {strides = array<i32>} : memref<64x128xf32, #tpu.memory_space<vmem>>, vector<16xf32>,
      %mul3A_509 = arith.constant 8 : i32
      %mul3A_510 = arith.muli %scan3A_138, %mul3A_509 : i32
      %add3A_511 = arith.constant 6 : i32
      %add3A_512 = arith.addi %mul3A_510, %add3A_511 : i32
      %swap3A_513 = arith.index_cast %add3A_512 : i32 to index
      %swap3A_514 = arith.constant 80 : index
      %swap3A_515 = tpu.vector_load %arg15[%swap3A_513, %swap3A_514] {strides = array<i32>} : memref<64x128xf32, #tpu.memory_space<vmem>>, vector<16xf32>,
      tpu.vector_store %arg15[%swap3A_513, %swap3A_514], %broadcast_in_dim3A_1 {strides = array<i32>} : memref<64x128xf32, #tpu.memory_space<vmem>>, vector<16xf32>,
      %mul3A_516 = arith.constant 8 : i32
      %mul3A_517 = arith.muli %scan3A_138, %mul3A_516 : i32
      %add3A_518 = arith.constant 6 : i32
      %add3A_519 = arith.addi %mul3A_517, %add3A_518 : i32
      %swap3A_520 = arith.index_cast %add3A_519 : i32 to index
      %swap3A_521 = arith.constant 96 : index
      %swap3A_522 = tpu.vector_load %arg15[%swap3A_520, %swap3A_521] {strides = array<i32>} : memref<64x128xf32, #tpu.memory_space<vmem>>, vector<16xf32>,
      tpu.vector_store %arg15[%swap3A_520, %swap3A_521], %broadcast_in_dim3A_1 {strides = array<i32>} : memref<64x128xf32, #tpu.memory_space<vmem>>, vector<16xf32>,
      %mul3A_523 = arith.constant 8 : i32
      %mul3A_524 = arith.muli %scan3A_138, %mul3A_523 : i32
      %add3A_525 = arith.constant 6 : i32
      %add3A_526 = arith.addi %mul3A_524, %add3A_525 : i32
      %swap3A_527 = arith.index_cast %add3A_526 : i32 to index
      %swap3A_528 = arith.constant 112 : index
      %swap3A_529 = tpu.vector_load %arg15[%swap3A_527, %swap3A_528] {strides = array<i32>} : memref<64x128xf32, #tpu.memory_space<vmem>>, vector<16xf32>,
      tpu.vector_store %arg15[%swap3A_527, %swap3A_528], %broadcast_in_dim3A_1 {strides = array<i32>} : memref<64x128xf32, #tpu.memory_space<vmem>>, vector<16xf32>,
      %mul3A_530 = arith.constant 8 : i32
      %mul3A_531 = arith.muli %scan3A_138, %mul3A_530 : i32
      %add3A_532 = arith.constant 7 : i32
      %add3A_533 = arith.addi %mul3A_531, %add3A_532 : i32
      %swap3A_534 = arith.index_cast %add3A_533 : i32 to index
      %swap3A_535 = arith.constant 0 : index
      %swap3A_536 = tpu.vector_load %arg15[%swap3A_534, %swap3A_535] {strides = array<i32>} : memref<64x128xf32, #tpu.memory_space<vmem>>, vector<16xf32>,
      tpu.vector_store %arg15[%swap3A_534, %swap3A_535], %broadcast_in_dim3A_1 {strides = array<i32>} : memref<64x128xf32, #tpu.memory_space<vmem>>, vector<16xf32>,
      %mul3A_537 = arith.constant 8 : i32
      %mul3A_538 = arith.muli %scan3A_138, %mul3A_537 : i32
      %add3A_539 = arith.constant 7 : i32
      %add3A_540 = arith.addi %mul3A_538, %add3A_539 : i32
      %swap3A_541 = arith.index_cast %add3A_540 : i32 to index
      %swap3A_542 = arith.constant 16 : index
      %swap3A_543 = tpu.vector_load %arg15[%swap3A_541, %swap3A_542] {strides = array<i32>} : memref<64x128xf32, #tpu.memory_space<vmem>>, vector<16xf32>,
      tpu.vector_store %arg15[%swap3A_541, %swap3A_542], %broadcast_in_dim3A_1 {strides = array<i32>} : memref<64x128xf32, #tpu.memory_space<vmem>>, vector<16xf32>,
      %mul3A_544 = arith.constant 8 : i32
      %mul3A_545 = arith.muli %scan3A_138, %mul3A_544 : i32
      %add3A_546 = arith.constant 7 : i32
      %add3A_547 = arith.addi %mul3A_545, %add3A_546 : i32
      %swap3A_548 = arith.index_cast %add3A_547 : i32 to index
      %swap3A_549 = arith.constant 32 : index
      %swap3A_550 = tpu.vector_load %arg15[%swap3A_548, %swap3A_549] {strides = array<i32>} : memref<64x128xf32, #tpu.memory_space<vmem>>, vector<16xf32>,
      tpu.vector_store %arg15[%swap3A_548, %swap3A_549], %broadcast_in_dim3A_1 {strides = array<i32>} : memref<64x128xf32, #tpu.memory_space<vmem>>, vector<16xf32>,
      %mul3A_551 = arith.constant 8 : i32
      %mul3A_552 = arith.muli %scan3A_138, %mul3A_551 : i32
      %add3A_553 = arith.constant 7 : i32
      %add3A_554 = arith.addi %mul3A_552, %add3A_553 : i32
      %swap3A_555 = arith.index_cast %add3A_554 : i32 to index
      %swap3A_556 = arith.constant 48 : index
      %swap3A_557 = tpu.vector_load %arg15[%swap3A_555, %swap3A_556] {strides = array<i32>} : memref<64x128xf32, #tpu.memory_space<vmem>>, vector<16xf32>,
      tpu.vector_store %arg15[%swap3A_555, %swap3A_556], %broadcast_in_dim3A_1 {strides = array<i32>} : memref<64x128xf32, #tpu.memory_space<vmem>>, vector<16xf32>,
      %mul3A_558 = arith.constant 8 : i32
      %mul3A_559 = arith.muli %scan3A_138, %mul3A_558 : i32
      %add3A_560 = arith.constant 7 : i32
      %add3A_561 = arith.addi %mul3A_559, %add3A_560 : i32
      %swap3A_562 = arith.index_cast %add3A_561 : i32 to index
      %swap3A_563 = arith.constant 64 : index
      %swap3A_564 = tpu.vector_load %arg15[%swap3A_562, %swap3A_563] {strides = array<i32>} : memref<64x128xf32, #tpu.memory_space<vmem>>, vector<16xf32>,
      tpu.vector_store %arg15[%swap3A_562, %swap3A_563], %broadcast_in_dim3A_1 {strides = array<i32>} : memref<64x128xf32, #tpu.memory_space<vmem>>, vector<16xf32>,
      %mul3A_565 = arith.constant 8 : i32
      %mul3A_566 = arith.muli %scan3A_138, %mul3A_565 : i32
      %add3A_567 = arith.constant 7 : i32
      %add3A_568 = arith.addi %mul3A_566, %add3A_567 : i32
      %swap3A_569 = arith.index_cast %add3A_568 : i32 to index
      %swap3A_570 = arith.constant 80 : index
      %swap3A_571 = tpu.vector_load %arg15[%swap3A_569, %swap3A_570] {strides = array<i32>} : memref<64x128xf32, #tpu.memory_space<vmem>>, vector<16xf32>,
      tpu.vector_store %arg15[%swap3A_569, %swap3A_570], %broadcast_in_dim3A_1 {strides = array<i32>} : memref<64x128xf32, #tpu.memory_space<vmem>>, vector<16xf32>,
      %mul3A_572 = arith.constant 8 : i32
      %mul3A_573 = arith.muli %scan3A_138, %mul3A_572 : i32
      %add3A_574 = arith.constant 7 : i32
      %add3A_575 = arith.addi %mul3A_573, %add3A_574 : i32
      %swap3A_576 = arith.index_cast %add3A_575 : i32 to index
      %swap3A_577 = arith.constant 96 : index
      %swap3A_578 = tpu.vector_load %arg15[%swap3A_576, %swap3A_577] {strides = array<i32>} : memref<64x128xf32, #tpu.memory_space<vmem>>, vector<16xf32>,
      tpu.vector_store %arg15[%swap3A_576, %swap3A_577], %broadcast_in_dim3A_1 {strides = array<i32>} : memref<64x128xf32, #tpu.memory_space<vmem>>, vector<16xf32>,
      %mul3A_579 = arith.constant 8 : i32
      %mul3A_580 = arith.muli %scan3A_138, %mul3A_579 : i32
      %add3A_581 = arith.constant 7 : i32
      %add3A_582 = arith.addi %mul3A_580, %add3A_581 : i32
      %swap3A_583 = arith.index_cast %add3A_582 : i32 to index
      %swap3A_584 = arith.constant 112 : index
      %swap3A_585 = tpu.vector_load %arg15[%swap3A_583, %swap3A_584] {strides = array<i32>} : memref<64x128xf32, #tpu.memory_space<vmem>>, vector<16xf32>,
      tpu.vector_store %arg15[%swap3A_583, %swap3A_584], %broadcast_in_dim3A_1 {strides = array<i32>} : memref<64x128xf32, #tpu.memory_space<vmem>>, vector<16xf32>,
    }
    %scan3A_12 = arith.constant 8 : i32
    %mul3A = arith.constant 640 : i32
    %mul3A_13 = arith.muli %arg1, %mul3A : i32
    %add3A = arith.constant 0 : i32
    %add3A_14 = arith.addi %mul3A_13, %add3A : i32
    "tpu.region"() ({
      %run_scoped3A_138 = tpu.sem_alloc : memref<!tpu.dma_semaphore, #tpu.memory_space<semaphore_mem>>
      %dma_start3A = arith.constant 0 : i32
      %dma_start3A_139 = tpu.memref_slice %arg16[%add3A_14, %dma_start3A] : memref<10240x128xf32, #tpu.memory_space<vmem_shared>> -> memref<64x128xf32, #tpu.memory_space<vmem_shared>>
      %dma_start3A_140 = arith.constant 0 : i32
      %dma_start3A_141 = tpu.memref_slice %arg16[%add3A_14, %dma_start3A_140] : memref<10240x128xf32, #tpu.memory_space<vmem_shared>> -> memref<64x128xf32, #tpu.memory_space<vmem_shared>>
      tpu.enqueue_dma source(%arg15 : memref<64x128xf32, #tpu.memory_space<vmem>>) target(%dma_start3A_141 : memref<64x128xf32, #tpu.memory_space<vmem_shared>>) target_semaphore(%run_scoped3A_138 : memref<!tpu.dma_semaphore, #tpu.memory_space<semaphore_mem>>)
      %dma_wait3A = arith.constant 0 : i32
      %dma_wait3A_142 = tpu.memref_slice %arg16[%add3A_14, %dma_wait3A] : memref<10240x128xf32, #tpu.memory_space<vmem_shared>> -> memref<64x128xf32, #tpu.memory_space<vmem_shared>>
      %dma_wait3A_143 = arith.constant 0 : i32
      %dma_wait3A_144 = tpu.memref_slice %arg16[%add3A_14, %dma_wait3A_143] : memref<10240x128xf32, #tpu.memory_space<vmem_shared>> -> memref<64x128xf32, #tpu.memory_space<vmem_shared>>
      tpu.wait_dma2 semaphore(%run_scoped3A_138 : memref<!tpu.dma_semaphore, #tpu.memory_space<semaphore_mem>>) src(%arg15 : memref<64x128xf32, #tpu.memory_space<vmem>>) dst(%dma_wait3A_144 : memref<64x128xf32, #tpu.memory_space<vmem_shared>>)
      tpu.yield
    }) : () -> ()
    %mul3A_15 = arith.constant 640 : i32
    %mul3A_16 = arith.muli %arg1, %mul3A_15 : i32
    %add3A_17 = arith.constant 64 : i32
    %add3A_18 = arith.addi %mul3A_16, %add3A_17 : i32
    "tpu.region"() ({
      %run_scoped3A_138 = tpu.sem_alloc : memref<!tpu.dma_semaphore, #tpu.memory_space<semaphore_mem>>
      %dma_start3A = arith.constant 0 : i32
      %dma_start3A_139 = tpu.memref_slice %arg16[%add3A_18, %dma_start3A] : memref<10240x128xf32, #tpu.memory_space<vmem_shared>> -> memref<64x128xf32, #tpu.memory_space<vmem_shared>>
      %dma_start3A_140 = arith.constant 0 : i32
      %dma_start3A_141 = tpu.memref_slice %arg16[%add3A_18, %dma_start3A_140] : memref<10240x128xf32, #tpu.memory_space<vmem_shared>> -> memref<64x128xf32, #tpu.memory_space<vmem_shared>>
      tpu.enqueue_dma source(%arg15 : memref<64x128xf32, #tpu.memory_space<vmem>>) target(%dma_start3A_141 : memref<64x128xf32, #tpu.memory_space<vmem_shared>>) target_semaphore(%run_scoped3A_138 : memref<!tpu.dma_semaphore, #tpu.memory_space<semaphore_mem>>)
      %dma_wait3A = arith.constant 0 : i32
      %dma_wait3A_142 = tpu.memref_slice %arg16[%add3A_18, %dma_wait3A] : memref<10240x128xf32, #tpu.memory_space<vmem_shared>> -> memref<64x128xf32, #tpu.memory_space<vmem_shared>>
      %dma_wait3A_143 = arith.constant 0 : i32
      %dma_wait3A_144 = tpu.memref_slice %arg16[%add3A_18, %dma_wait3A_143] : memref<10240x128xf32, #tpu.memory_space<vmem_shared>> -> memref<64x128xf32, #tpu.memory_space<vmem_shared>>
      tpu.wait_dma2 semaphore(%run_scoped3A_138 : memref<!tpu.dma_semaphore, #tpu.memory_space<semaphore_mem>>) src(%arg15 : memref<64x128xf32, #tpu.memory_space<vmem>>) dst(%dma_wait3A_144 : memref<64x128xf32, #tpu.memory_space<vmem_shared>>)
      tpu.yield
    }) : () -> ()
    %mul3A_19 = arith.constant 640 : i32
    %mul3A_20 = arith.muli %arg1, %mul3A_19 : i32
    %add3A_21 = arith.constant 128 : i32
    %add3A_22 = arith.addi %mul3A_20, %add3A_21 : i32
    "tpu.region"() ({
      %run_scoped3A_138 = tpu.sem_alloc : memref<!tpu.dma_semaphore, #tpu.memory_space<semaphore_mem>>
      %dma_start3A = arith.constant 0 : i32
      %dma_start3A_139 = tpu.memref_slice %arg16[%add3A_22, %dma_start3A] : memref<10240x128xf32, #tpu.memory_space<vmem_shared>> -> memref<64x128xf32, #tpu.memory_space<vmem_shared>>
      %dma_start3A_140 = arith.constant 0 : i32
      %dma_start3A_141 = tpu.memref_slice %arg16[%add3A_22, %dma_start3A_140] : memref<10240x128xf32, #tpu.memory_space<vmem_shared>> -> memref<64x128xf32, #tpu.memory_space<vmem_shared>>
      tpu.enqueue_dma source(%arg15 : memref<64x128xf32, #tpu.memory_space<vmem>>) target(%dma_start3A_141 : memref<64x128xf32, #tpu.memory_space<vmem_shared>>) target_semaphore(%run_scoped3A_138 : memref<!tpu.dma_semaphore, #tpu.memory_space<semaphore_mem>>)
      %dma_wait3A = arith.constant 0 : i32
      %dma_wait3A_142 = tpu.memref_slice %arg16[%add3A_22, %dma_wait3A] : memref<10240x128xf32, #tpu.memory_space<vmem_shared>> -> memref<64x128xf32, #tpu.memory_space<vmem_shared>>
      %dma_wait3A_143 = arith.constant 0 : i32
      %dma_wait3A_144 = tpu.memref_slice %arg16[%add3A_22, %dma_wait3A_143] : memref<10240x128xf32, #tpu.memory_space<vmem_shared>> -> memref<64x128xf32, #tpu.memory_space<vmem_shared>>
      tpu.wait_dma2 semaphore(%run_scoped3A_138 : memref<!tpu.dma_semaphore, #tpu.memory_space<semaphore_mem>>) src(%arg15 : memref<64x128xf32, #tpu.memory_space<vmem>>) dst(%dma_wait3A_144 : memref<64x128xf32, #tpu.memory_space<vmem_shared>>)
      tpu.yield
    }) : () -> ()
    %mul3A_23 = arith.constant 640 : i32
    %mul3A_24 = arith.muli %arg1, %mul3A_23 : i32
    %add3A_25 = arith.constant 192 : i32
    %add3A_26 = arith.addi %mul3A_24, %add3A_25 : i32
    "tpu.region"() ({
      %run_scoped3A_138 = tpu.sem_alloc : memref<!tpu.dma_semaphore, #tpu.memory_space<semaphore_mem>>
      %dma_start3A = arith.constant 0 : i32
      %dma_start3A_139 = tpu.memref_slice %arg16[%add3A_26, %dma_start3A] : memref<10240x128xf32, #tpu.memory_space<vmem_shared>> -> memref<64x128xf32, #tpu.memory_space<vmem_shared>>
      %dma_start3A_140 = arith.constant 0 : i32
      %dma_start3A_141 = tpu.memref_slice %arg16[%add3A_26, %dma_start3A_140] : memref<10240x128xf32, #tpu.memory_space<vmem_shared>> -> memref<64x128xf32, #tpu.memory_space<vmem_shared>>
      tpu.enqueue_dma source(%arg15 : memref<64x128xf32, #tpu.memory_space<vmem>>) target(%dma_start3A_141 : memref<64x128xf32, #tpu.memory_space<vmem_shared>>) target_semaphore(%run_scoped3A_138 : memref<!tpu.dma_semaphore, #tpu.memory_space<semaphore_mem>>)
      %dma_wait3A = arith.constant 0 : i32
      %dma_wait3A_142 = tpu.memref_slice %arg16[%add3A_26, %dma_wait3A] : memref<10240x128xf32, #tpu.memory_space<vmem_shared>> -> memref<64x128xf32, #tpu.memory_space<vmem_shared>>
      %dma_wait3A_143 = arith.constant 0 : i32
      %dma_wait3A_144 = tpu.memref_slice %arg16[%add3A_26, %dma_wait3A_143] : memref<10240x128xf32, #tpu.memory_space<vmem_shared>> -> memref<64x128xf32, #tpu.memory_space<vmem_shared>>
      tpu.wait_dma2 semaphore(%run_scoped3A_138 : memref<!tpu.dma_semaphore, #tpu.memory_space<semaphore_mem>>) src(%arg15 : memref<64x128xf32, #tpu.memory_space<vmem>>) dst(%dma_wait3A_144 : memref<64x128xf32, #tpu.memory_space<vmem_shared>>)
      tpu.yield
    }) : () -> ()
    %mul3A_27 = arith.constant 640 : i32
    %mul3A_28 = arith.muli %arg1, %mul3A_27 : i32
    %add3A_29 = arith.constant 256 : i32
    %add3A_30 = arith.addi %mul3A_28, %add3A_29 : i32
    "tpu.region"() ({
      %run_scoped3A_138 = tpu.sem_alloc : memref<!tpu.dma_semaphore, #tpu.memory_space<semaphore_mem>>
      %dma_start3A = arith.constant 0 : i32
      %dma_start3A_139 = tpu.memref_slice %arg16[%add3A_30, %dma_start3A] : memref<10240x128xf32, #tpu.memory_space<vmem_shared>> -> memref<64x128xf32, #tpu.memory_space<vmem_shared>>
      %dma_start3A_140 = arith.constant 0 : i32
      %dma_start3A_141 = tpu.memref_slice %arg16[%add3A_30, %dma_start3A_140] : memref<10240x128xf32, #tpu.memory_space<vmem_shared>> -> memref<64x128xf32, #tpu.memory_space<vmem_shared>>
      tpu.enqueue_dma source(%arg15 : memref<64x128xf32, #tpu.memory_space<vmem>>) target(%dma_start3A_141 : memref<64x128xf32, #tpu.memory_space<vmem_shared>>) target_semaphore(%run_scoped3A_138 : memref<!tpu.dma_semaphore, #tpu.memory_space<semaphore_mem>>)
      %dma_wait3A = arith.constant 0 : i32
      %dma_wait3A_142 = tpu.memref_slice %arg16[%add3A_30, %dma_wait3A] : memref<10240x128xf32, #tpu.memory_space<vmem_shared>> -> memref<64x128xf32, #tpu.memory_space<vmem_shared>>
      %dma_wait3A_143 = arith.constant 0 : i32
      %dma_wait3A_144 = tpu.memref_slice %arg16[%add3A_30, %dma_wait3A_143] : memref<10240x128xf32, #tpu.memory_space<vmem_shared>> -> memref<64x128xf32, #tpu.memory_space<vmem_shared>>
      tpu.wait_dma2 semaphore(%run_scoped3A_138 : memref<!tpu.dma_semaphore, #tpu.memory_space<semaphore_mem>>) src(%arg15 : memref<64x128xf32, #tpu.memory_space<vmem>>) dst(%dma_wait3A_144 : memref<64x128xf32, #tpu.memory_space<vmem_shared>>)
      tpu.yield
    }) : () -> ()
    %mul3A_31 = arith.constant 640 : i32
    %mul3A_32 = arith.muli %arg1, %mul3A_31 : i32
    %add3A_33 = arith.constant 320 : i32
    %add3A_34 = arith.addi %mul3A_32, %add3A_33 : i32
    "tpu.region"() ({
      %run_scoped3A_138 = tpu.sem_alloc : memref<!tpu.dma_semaphore, #tpu.memory_space<semaphore_mem>>
      %dma_start3A = arith.constant 0 : i32
      %dma_start3A_139 = tpu.memref_slice %arg16[%add3A_34, %dma_start3A] : memref<10240x128xf32, #tpu.memory_space<vmem_shared>> -> memref<64x128xf32, #tpu.memory_space<vmem_shared>>
      %dma_start3A_140 = arith.constant 0 : i32
      %dma_start3A_141 = tpu.memref_slice %arg16[%add3A_34, %dma_start3A_140] : memref<10240x128xf32, #tpu.memory_space<vmem_shared>> -> memref<64x128xf32, #tpu.memory_space<vmem_shared>>
      tpu.enqueue_dma source(%arg15 : memref<64x128xf32, #tpu.memory_space<vmem>>) target(%dma_start3A_141 : memref<64x128xf32, #tpu.memory_space<vmem_shared>>) target_semaphore(%run_scoped3A_138 : memref<!tpu.dma_semaphore, #tpu.memory_space<semaphore_mem>>)
      %dma_wait3A = arith.constant 0 : i32
      %dma_wait3A_142 = tpu.memref_slice %arg16[%add3A_34, %dma_wait3A] : memref<10240x128xf32, #tpu.memory_space<vmem_shared>> -> memref<64x128xf32, #tpu.memory_space<vmem_shared>>
      %dma_wait3A_143 = arith.constant 0 : i32
      %dma_wait3A_144 = tpu.memref_slice %arg16[%add3A_34, %dma_wait3A_143] : memref<10240x128xf32, #tpu.memory_space<vmem_shared>> -> memref<64x128xf32, #tpu.memory_space<vmem_shared>>
      tpu.wait_dma2 semaphore(%run_scoped3A_138 : memref<!tpu.dma_semaphore, #tpu.memory_space<semaphore_mem>>) src(%arg15 : memref<64x128xf32, #tpu.memory_space<vmem>>) dst(%dma_wait3A_144 : memref<64x128xf32, #tpu.memory_space<vmem_shared>>)
      tpu.yield
    }) : () -> ()
    %mul3A_35 = arith.constant 640 : i32
    %mul3A_36 = arith.muli %arg1, %mul3A_35 : i32
    %add3A_37 = arith.constant 384 : i32
    %add3A_38 = arith.addi %mul3A_36, %add3A_37 : i32
    "tpu.region"() ({
      %run_scoped3A_138 = tpu.sem_alloc : memref<!tpu.dma_semaphore, #tpu.memory_space<semaphore_mem>>
      %dma_start3A = arith.constant 0 : i32
      %dma_start3A_139 = tpu.memref_slice %arg16[%add3A_38, %dma_start3A] : memref<10240x128xf32, #tpu.memory_space<vmem_shared>> -> memref<64x128xf32, #tpu.memory_space<vmem_shared>>
      %dma_start3A_140 = arith.constant 0 : i32
      %dma_start3A_141 = tpu.memref_slice %arg16[%add3A_38, %dma_start3A_140] : memref<10240x128xf32, #tpu.memory_space<vmem_shared>> -> memref<64x128xf32, #tpu.memory_space<vmem_shared>>
      tpu.enqueue_dma source(%arg15 : memref<64x128xf32, #tpu.memory_space<vmem>>) target(%dma_start3A_141 : memref<64x128xf32, #tpu.memory_space<vmem_shared>>) target_semaphore(%run_scoped3A_138 : memref<!tpu.dma_semaphore, #tpu.memory_space<semaphore_mem>>)
      %dma_wait3A = arith.constant 0 : i32
      %dma_wait3A_142 = tpu.memref_slice %arg16[%add3A_38, %dma_wait3A] : memref<10240x128xf32, #tpu.memory_space<vmem_shared>> -> memref<64x128xf32, #tpu.memory_space<vmem_shared>>
      %dma_wait3A_143 = arith.constant 0 : i32
      %dma_wait3A_144 = tpu.memref_slice %arg16[%add3A_38, %dma_wait3A_143] : memref<10240x128xf32, #tpu.memory_space<vmem_shared>> -> memref<64x128xf32, #tpu.memory_space<vmem_shared>>
      tpu.wait_dma2 semaphore(%run_scoped3A_138 : memref<!tpu.dma_semaphore, #tpu.memory_space<semaphore_mem>>) src(%arg15 : memref<64x128xf32, #tpu.memory_space<vmem>>) dst(%dma_wait3A_144 : memref<64x128xf32, #tpu.memory_space<vmem_shared>>)
      tpu.yield
    }) : () -> ()
    %mul3A_39 = arith.constant 640 : i32
    %mul3A_40 = arith.muli %arg1, %mul3A_39 : i32
    %add3A_41 = arith.constant 448 : i32
    %add3A_42 = arith.addi %mul3A_40, %add3A_41 : i32
    "tpu.region"() ({
      %run_scoped3A_138 = tpu.sem_alloc : memref<!tpu.dma_semaphore, #tpu.memory_space<semaphore_mem>>
      %dma_start3A = arith.constant 0 : i32
      %dma_start3A_139 = tpu.memref_slice %arg16[%add3A_42, %dma_start3A] : memref<10240x128xf32, #tpu.memory_space<vmem_shared>> -> memref<64x128xf32, #tpu.memory_space<vmem_shared>>
      %dma_start3A_140 = arith.constant 0 : i32
      %dma_start3A_141 = tpu.memref_slice %arg16[%add3A_42, %dma_start3A_140] : memref<10240x128xf32, #tpu.memory_space<vmem_shared>> -> memref<64x128xf32, #tpu.memory_space<vmem_shared>>
      tpu.enqueue_dma source(%arg15 : memref<64x128xf32, #tpu.memory_space<vmem>>) target(%dma_start3A_141 : memref<64x128xf32, #tpu.memory_space<vmem_shared>>) target_semaphore(%run_scoped3A_138 : memref<!tpu.dma_semaphore, #tpu.memory_space<semaphore_mem>>)
      %dma_wait3A = arith.constant 0 : i32
      %dma_wait3A_142 = tpu.memref_slice %arg16[%add3A_42, %dma_wait3A] : memref<10240x128xf32, #tpu.memory_space<vmem_shared>> -> memref<64x128xf32, #tpu.memory_space<vmem_shared>>
      %dma_wait3A_143 = arith.constant 0 : i32
      %dma_wait3A_144 = tpu.memref_slice %arg16[%add3A_42, %dma_wait3A_143] : memref<10240x128xf32, #tpu.memory_space<vmem_shared>> -> memref<64x128xf32, #tpu.memory_space<vmem_shared>>
      tpu.wait_dma2 semaphore(%run_scoped3A_138 : memref<!tpu.dma_semaphore, #tpu.memory_space<semaphore_mem>>) src(%arg15 : memref<64x128xf32, #tpu.memory_space<vmem>>) dst(%dma_wait3A_144 : memref<64x128xf32, #tpu.memory_space<vmem_shared>>)
      tpu.yield
    }) : () -> ()
    %mul3A_43 = arith.constant 640 : i32
    %mul3A_44 = arith.muli %arg1, %mul3A_43 : i32
    %add3A_45 = arith.constant 512 : i32
    %add3A_46 = arith.addi %mul3A_44, %add3A_45 : i32
    "tpu.region"() ({
      %run_scoped3A_138 = tpu.sem_alloc : memref<!tpu.dma_semaphore, #tpu.memory_space<semaphore_mem>>
      %dma_start3A = arith.constant 0 : i32
      %dma_start3A_139 = tpu.memref_slice %arg16[%add3A_46, %dma_start3A] : memref<10240x128xf32, #tpu.memory_space<vmem_shared>> -> memref<64x128xf32, #tpu.memory_space<vmem_shared>>
      %dma_start3A_140 = arith.constant 0 : i32
      %dma_start3A_141 = tpu.memref_slice %arg16[%add3A_46, %dma_start3A_140] : memref<10240x128xf32, #tpu.memory_space<vmem_shared>> -> memref<64x128xf32, #tpu.memory_space<vmem_shared>>
      tpu.enqueue_dma source(%arg15 : memref<64x128xf32, #tpu.memory_space<vmem>>) target(%dma_start3A_141 : memref<64x128xf32, #tpu.memory_space<vmem_shared>>) target_semaphore(%run_scoped3A_138 : memref<!tpu.dma_semaphore, #tpu.memory_space<semaphore_mem>>)
      %dma_wait3A = arith.constant 0 : i32
      %dma_wait3A_142 = tpu.memref_slice %arg16[%add3A_46, %dma_wait3A] : memref<10240x128xf32, #tpu.memory_space<vmem_shared>> -> memref<64x128xf32, #tpu.memory_space<vmem_shared>>
      %dma_wait3A_143 = arith.constant 0 : i32
      %dma_wait3A_144 = tpu.memref_slice %arg16[%add3A_46, %dma_wait3A_143] : memref<10240x128xf32, #tpu.memory_space<vmem_shared>> -> memref<64x128xf32, #tpu.memory_space<vmem_shared>>
      tpu.wait_dma2 semaphore(%run_scoped3A_138 : memref<!tpu.dma_semaphore, #tpu.memory_space<semaphore_mem>>) src(%arg15 : memref<64x128xf32, #tpu.memory_space<vmem>>) dst(%dma_wait3A_144 : memref<64x128xf32, #tpu.memory_space<vmem_shared>>)
      tpu.yield
    }) : () -> ()
    %mul3A_47 = arith.constant 640 : i32
    %mul3A_48 = arith.muli %arg1, %mul3A_47 : i32
    %add3A_49 = arith.constant 576 : i32
    %add3A_50 = arith.addi %mul3A_48, %add3A_49 : i32
    "tpu.region"() ({
      %run_scoped3A_138 = tpu.sem_alloc : memref<!tpu.dma_semaphore, #tpu.memory_space<semaphore_mem>>
      %dma_start3A = arith.constant 0 : i32
      %dma_start3A_139 = tpu.memref_slice %arg16[%add3A_50, %dma_start3A] : memref<10240x128xf32, #tpu.memory_space<vmem_shared>> -> memref<64x128xf32, #tpu.memory_space<vmem_shared>>
      %dma_start3A_140 = arith.constant 0 : i32
      %dma_start3A_141 = tpu.memref_slice %arg16[%add3A_50, %dma_start3A_140] : memref<10240x128xf32, #tpu.memory_space<vmem_shared>> -> memref<64x128xf32, #tpu.memory_space<vmem_shared>>
      tpu.enqueue_dma source(%arg15 : memref<64x128xf32, #tpu.memory_space<vmem>>) target(%dma_start3A_141 : memref<64x128xf32, #tpu.memory_space<vmem_shared>>) target_semaphore(%run_scoped3A_138 : memref<!tpu.dma_semaphore, #tpu.memory_space<semaphore_mem>>)
      %dma_wait3A = arith.constant 0 : i32
      %dma_wait3A_142 = tpu.memref_slice %arg16[%add3A_50, %dma_wait3A] : memref<10240x128xf32, #tpu.memory_space<vmem_shared>> -> memref<64x128xf32, #tpu.memory_space<vmem_shared>>
      %dma_wait3A_143 = arith.constant 0 : i32
      %dma_wait3A_144 = tpu.memref_slice %arg16[%add3A_50, %dma_wait3A_143] : memref<10240x128xf32, #tpu.memory_space<vmem_shared>> -> memref<64x128xf32, #tpu.memory_space<vmem_shared>>
      tpu.wait_dma2 semaphore(%run_scoped3A_138 : memref<!tpu.dma_semaphore, #tpu.memory_space<semaphore_mem>>) src(%arg15 : memref<64x128xf32, #tpu.memory_space<vmem>>) dst(%dma_wait3A_144 : memref<64x128xf32, #tpu.memory_space<vmem_shared>>)
      tpu.yield
    }) : () -> ()
    %barrier3A = arith.constant 0 : index
    tpu.barrier barrier_id(%barrier3A)
    %scan3A_51 = arith.constant 0 : i32
    %scan3A_52 = arith.constant 0 : i32
    %scan3A_53 = arith.constant 40 : i32
    %scan3A_54 = arith.addi %scan3A_52, %scan3A_53 : i32
    %scan3A_55 = arith.constant 1 : i32
    scf.for %scan3A_138 = %scan3A_52 to %scan3A_54 step %scan3A_55  : i32 {
      %mul3A_139 = arith.constant 8 : i32
      %mul3A_140 = arith.muli %scan3A_138, %mul3A_139 : i32
      "tpu.region"() ({
        %run_scoped3A_157 = tpu.sem_alloc : memref<!tpu.dma_semaphore, #tpu.memory_space<semaphore_mem>>
        %dma_start3A = arith.constant 0 : i32
        %dma_start3A_158 = tpu.memref_slice %arg4[%arg0, %arg1, %mul3A_140, %dma_start3A] : memref<2x16x320x64xi32, #tpu.memory_space<hbm>> -> memref<1x1x8x64xi32, #tpu.memory_space<hbm>>
        %dma_start3A_159 = tpu.memref_squeeze %dma_start3A_158 : memref<1x1x8x64xi32, #tpu.memory_space<hbm>> -> memref<8x64xi32, #tpu.memory_space<hbm>>
        %dma_start3A_160 = arith.constant 0 : i32
        %dma_start3A_161 = tpu.memref_slice %arg4[%arg0, %arg1, %mul3A_140, %dma_start3A_160] : memref<2x16x320x64xi32, #tpu.memory_space<hbm>> -> memref<1x1x8x64xi32, #tpu.memory_space<hbm>>
        %dma_start3A_162 = tpu.memref_squeeze %dma_start3A_161 : memref<1x1x8x64xi32, #tpu.memory_space<hbm>> -> memref<8x64xi32, #tpu.memory_space<hbm>>
        tpu.enqueue_dma source(%dma_start3A_162 : memref<8x64xi32, #tpu.memory_space<hbm>>) target(%arg12 : memref<8x64xi32, #tpu.memory_space<vmem>>) target_semaphore(%run_scoped3A_157 : memref<!tpu.dma_semaphore, #tpu.memory_space<semaphore_mem>>)
        %dma_wait3A = arith.constant 0 : i32
        %dma_wait3A_163 = tpu.memref_slice %arg4[%arg0, %arg1, %mul3A_140, %dma_wait3A] : memref<2x16x320x64xi32, #tpu.memory_space<hbm>> -> memref<1x1x8x64xi32, #tpu.memory_space<hbm>>
        %dma_wait3A_164 = tpu.memref_squeeze %dma_wait3A_163 : memref<1x1x8x64xi32, #tpu.memory_space<hbm>> -> memref<8x64xi32, #tpu.memory_space<hbm>>
        %dma_wait3A_165 = arith.constant 0 : i32
        %dma_wait3A_166 = tpu.memref_slice %arg4[%arg0, %arg1, %mul3A_140, %dma_wait3A_165] : memref<2x16x320x64xi32, #tpu.memory_space<hbm>> -> memref<1x1x8x64xi32, #tpu.memory_space<hbm>>
        %dma_wait3A_167 = tpu.memref_squeeze %dma_wait3A_166 : memref<1x1x8x64xi32, #tpu.memory_space<hbm>> -> memref<8x64xi32, #tpu.memory_space<hbm>>
        tpu.wait_dma2 semaphore(%run_scoped3A_157 : memref<!tpu.dma_semaphore, #tpu.memory_space<semaphore_mem>>) src(%dma_wait3A_167 : memref<8x64xi32, #tpu.memory_space<hbm>>) dst(%arg12 : memref<8x64xi32, #tpu.memory_space<vmem>>)
        tpu.yield
      }) : () -> ()
      %mul3A_141 = arith.constant 8 : i32
      %mul3A_142 = arith.muli %scan3A_138, %mul3A_141 : i32
      "tpu.region"() ({
        %run_scoped3A_157 = tpu.sem_alloc : memref<!tpu.dma_semaphore, #tpu.memory_space<semaphore_mem>>
        %dma_start3A = arith.constant 0 : i32
        %dma_start3A_158 = tpu.memref_slice %arg5[%arg0, %arg1, %mul3A_142, %dma_start3A] : memref<2x16x320x64xi32, #tpu.memory_space<hbm>> -> memref<1x1x8x64xi32, #tpu.memory_space<hbm>>
        %dma_start3A_159 = tpu.memref_squeeze %dma_start3A_158 : memref<1x1x8x64xi32, #tpu.memory_space<hbm>> -> memref<8x64xi32, #tpu.memory_space<hbm>>
        %dma_start3A_160 = arith.constant 0 : i32
        %dma_start3A_161 = tpu.memref_slice %arg5[%arg0, %arg1, %mul3A_142, %dma_start3A_160] : memref<2x16x320x64xi32, #tpu.memory_space<hbm>> -> memref<1x1x8x64xi32, #tpu.memory_space<hbm>>
        %dma_start3A_162 = tpu.memref_squeeze %dma_start3A_161 : memref<1x1x8x64xi32, #tpu.memory_space<hbm>> -> memref<8x64xi32, #tpu.memory_space<hbm>>
        tpu.enqueue_dma source(%dma_start3A_162 : memref<8x64xi32, #tpu.memory_space<hbm>>) target(%arg13 : memref<8x64xi32, #tpu.memory_space<vmem>>) target_semaphore(%run_scoped3A_157 : memref<!tpu.dma_semaphore, #tpu.memory_space<semaphore_mem>>)
        %dma_wait3A = arith.constant 0 : i32
        %dma_wait3A_163 = tpu.memref_slice %arg5[%arg0, %arg1, %mul3A_142, %dma_wait3A] : memref<2x16x320x64xi32, #tpu.memory_space<hbm>> -> memref<1x1x8x64xi32, #tpu.memory_space<hbm>>
        %dma_wait3A_164 = tpu.memref_squeeze %dma_wait3A_163 : memref<1x1x8x64xi32, #tpu.memory_space<hbm>> -> memref<8x64xi32, #tpu.memory_space<hbm>>
        %dma_wait3A_165 = arith.constant 0 : i32
        %dma_wait3A_166 = tpu.memref_slice %arg5[%arg0, %arg1, %mul3A_142, %dma_wait3A_165] : memref<2x16x320x64xi32, #tpu.memory_space<hbm>> -> memref<1x1x8x64xi32, #tpu.memory_space<hbm>>
        %dma_wait3A_167 = tpu.memref_squeeze %dma_wait3A_166 : memref<1x1x8x64xi32, #tpu.memory_space<hbm>> -> memref<8x64xi32, #tpu.memory_space<hbm>>
        tpu.wait_dma2 semaphore(%run_scoped3A_157 : memref<!tpu.dma_semaphore, #tpu.memory_space<semaphore_mem>>) src(%dma_wait3A_167 : memref<8x64xi32, #tpu.memory_space<hbm>>) dst(%arg13 : memref<8x64xi32, #tpu.memory_space<vmem>>)
        tpu.yield
      }) : () -> ()
      %mul3A_143 = arith.constant 8 : i32
      %mul3A_144 = arith.muli %scan3A_138, %mul3A_143 : i32
      "tpu.region"() ({
        %run_scoped3A_157 = tpu.sem_alloc : memref<!tpu.dma_semaphore, #tpu.memory_space<semaphore_mem>>
        %dma_start3A = arith.constant 0 : i32
        %dma_start3A_158 = tpu.memref_slice %arg6[%arg0, %arg1, %mul3A_144, %dma_start3A] : memref<2x16x320x64xf32, #tpu.memory_space<hbm>> -> memref<1x1x8x64xf32, #tpu.memory_space<hbm>>
        %dma_start3A_159 = tpu.memref_squeeze %dma_start3A_158 : memref<1x1x8x64xf32, #tpu.memory_space<hbm>> -> memref<8x64xf32, #tpu.memory_space<hbm>>
        %dma_start3A_160 = arith.constant 0 : i32
        %dma_start3A_161 = tpu.memref_slice %arg6[%arg0, %arg1, %mul3A_144, %dma_start3A_160] : memref<2x16x320x64xf32, #tpu.memory_space<hbm>> -> memref<1x1x8x64xf32, #tpu.memory_space<hbm>>
        %dma_start3A_162 = tpu.memref_squeeze %dma_start3A_161 : memref<1x1x8x64xf32, #tpu.memory_space<hbm>> -> memref<8x64xf32, #tpu.memory_space<hbm>>
        tpu.enqueue_dma source(%dma_start3A_162 : memref<8x64xf32, #tpu.memory_space<hbm>>) target(%arg14 : memref<8x64xf32, #tpu.memory_space<vmem>>) target_semaphore(%run_scoped3A_157 : memref<!tpu.dma_semaphore, #tpu.memory_space<semaphore_mem>>)
        %dma_wait3A = arith.constant 0 : i32
        %dma_wait3A_163 = tpu.memref_slice %arg6[%arg0, %arg1, %mul3A_144, %dma_wait3A] : memref<2x16x320x64xf32, #tpu.memory_space<hbm>> -> memref<1x1x8x64xf32, #tpu.memory_space<hbm>>
        %dma_wait3A_164 = tpu.memref_squeeze %dma_wait3A_163 : memref<1x1x8x64xf32, #tpu.memory_space<hbm>> -> memref<8x64xf32, #tpu.memory_space<hbm>>
        %dma_wait3A_165 = arith.constant 0 : i32
        %dma_wait3A_166 = tpu.memref_slice %arg6[%arg0, %arg1, %mul3A_144, %dma_wait3A_165] : memref<2x16x320x64xf32, #tpu.memory_space<hbm>> -> memref<1x1x8x64xf32, #tpu.memory_space<hbm>>
        %dma_wait3A_167 = tpu.memref_squeeze %dma_wait3A_166 : memref<1x1x8x64xf32, #tpu.memory_space<hbm>> -> memref<8x64xf32, #tpu.memory_space<hbm>>
        tpu.wait_dma2 semaphore(%run_scoped3A_157 : memref<!tpu.dma_semaphore, #tpu.memory_space<semaphore_mem>>) src(%dma_wait3A_167 : memref<8x64xf32, #tpu.memory_space<hbm>>) dst(%arg14 : memref<8x64xf32, #tpu.memory_space<vmem>>)
        tpu.yield
      }) : () -> ()
      %scan3A_145 = arith.constant 0 : i32
      %scan3A_146 = arith.constant 0 : i32
      %scan3A_147 = arith.constant 8 : i32
      %scan3A_148 = arith.addi %scan3A_146, %scan3A_147 : i32
      %scan3A_149 = arith.constant 1 : i32
      scf.for %scan3A_157 = %scan3A_146 to %scan3A_148 step %scan3A_149  : i32 {
        %get3A = arith.index_cast %scan3A_157 : i32 to index
        %get3A_158 = arith.constant 0 : index
        %get3A_159 = tpu.vector_load %arg12[%get3A, %get3A_158] {strides = array<i32>} : memref<8x64xi32, #tpu.memory_space<vmem>>, vector<16xi32>,
        %get3A_160 = arith.index_cast %scan3A_157 : i32 to index
        %get3A_161 = arith.constant 0 : index
        %get3A_162 = tpu.vector_load %arg13[%get3A_160, %get3A_161] {strides = array<i32>} : memref<8x64xi32, #tpu.memory_space<vmem>>, vector<16xi32>,
        %gather3A = tpu.vector_load_idx %arg9[%get3A_159] : memref<10240xf32, #tpu.memory_space<vmem>>[vector<16xi32>], vector<16xf32>,
        %gather3A_163 = tpu.vector_load_idx %arg10[%get3A_162] : memref<10240xf32, #tpu.memory_space<vmem>>[vector<16xi32>], vector<16xf32>,
        %add3A_164 = arith.addf %gather3A, %gather3A_163 : vector<16xf32>
        %gt3A = arith.constant 0.000000e+00 : f32
        %gt3A_165 = vector.broadcast %gt3A : f32 to vector<16xf32>
        %gt3A_166 = arith.cmpf ogt, %add3A_164, %gt3A_165 : vector<16xf32>
        %mul3A_167 = arith.constant 0.00999999977 : f32
        %mul3A_168 = vector.broadcast %mul3A_167 : f32 to vector<16xf32>
        %mul3A_169 = arith.mulf %add3A_164, %mul3A_168 : vector<16xf32>
        %select_n3A = arith.select %gt3A_166, %add3A_164, %mul3A_169 : vector<16xi1>, vector<16xf32>
        %get3A_170 = arith.index_cast %scan3A_157 : i32 to index
        %get3A_171 = arith.constant 0 : index
        %get3A_172 = tpu.vector_load %arg14[%get3A_170, %get3A_171] {strides = array<i32>} : memref<8x64xf32, #tpu.memory_space<vmem>>, vector<16xf32>,
        %mul3A_173 = arith.mulf %select_n3A, %get3A_172 : vector<16xf32>
        %exp3A = math.exp %mul3A_173 : vector<16xf32>
        %mul3A_174 = arith.constant 512 : i32
        %mul3A_175 = arith.muli %scan3A_138, %mul3A_174 : i32
        %mul3A_176 = arith.constant 64 : i32
        %mul3A_177 = arith.muli %scan3A_157, %mul3A_176 : i32
        %add3A_178 = arith.addi %mul3A_175, %mul3A_177 : i32
        %add3A_179 = arith.constant 0 : i32
        %add3A_180 = arith.addi %add3A_178, %add3A_179 : i32
        %add3A_181 = vector.broadcast %add3A_180 : i32 to vector<16xi32>
        %add3A_182 = arith.addi %add3A_181, %iota3A : vector<16xi32>
        %lt3A = arith.constant 20000 : i32
        %lt3A_183 = vector.broadcast %lt3A : i32 to vector<16xi32>
        %lt3A_184 = arith.cmpi slt, %add3A_182, %lt3A_183 : vector<16xi32>
        %jit3A = arith.constant 0.000000e+00 : f32
        %broadcast_in_dim3A_185 = vector.broadcast %jit3A : f32 to vector<16xf32>
        %select_n3A_186 = arith.select %lt3A_184, %exp3A, %broadcast_in_dim3A_185 : vector<16xi1>, vector<16xf32>
        %swap3A = arith.index_cast %scan3A_157 : i32 to index
        %swap3A_187 = arith.constant 0 : index
        %swap3A_188 = tpu.vector_load %arg14[%swap3A, %swap3A_187] {strides = array<i32>} : memref<8x64xf32, #tpu.memory_space<vmem>>, vector<16xf32>,
        tpu.vector_store %arg14[%swap3A, %swap3A_187], %select_n3A_186 {strides = array<i32>} : memref<8x64xf32, #tpu.memory_space<vmem>>, vector<16xf32>,
        tpu.vector_store_idx %arg11[%get3A_162], %select_n3A_186 {add = true} : memref<10240xf32, #tpu.memory_space<vmem>>[vector<16xi32>], vector<16xf32>,
        %get3A_189 = arith.index_cast %scan3A_157 : i32 to index
        %get3A_190 = arith.constant 16 : index
        %get3A_191 = tpu.vector_load %arg12[%get3A_189, %get3A_190] {strides = array<i32>} : memref<8x64xi32, #tpu.memory_space<vmem>>, vector<16xi32>,
        %get3A_192 = arith.index_cast %scan3A_157 : i32 to index
        %get3A_193 = arith.constant 16 : index
        %get3A_194 = tpu.vector_load %arg13[%get3A_192, %get3A_193] {strides = array<i32>} : memref<8x64xi32, #tpu.memory_space<vmem>>, vector<16xi32>,
        %gather3A_195 = tpu.vector_load_idx %arg9[%get3A_191] : memref<10240xf32, #tpu.memory_space<vmem>>[vector<16xi32>], vector<16xf32>,
        %gather3A_196 = tpu.vector_load_idx %arg10[%get3A_194] : memref<10240xf32, #tpu.memory_space<vmem>>[vector<16xi32>], vector<16xf32>,
        %add3A_197 = arith.addf %gather3A_195, %gather3A_196 : vector<16xf32>
        %gt3A_198 = arith.constant 0.000000e+00 : f32
        %gt3A_199 = vector.broadcast %gt3A_198 : f32 to vector<16xf32>
        %gt3A_200 = arith.cmpf ogt, %add3A_197, %gt3A_199 : vector<16xf32>
        %mul3A_201 = arith.constant 0.00999999977 : f32
        %mul3A_202 = vector.broadcast %mul3A_201 : f32 to vector<16xf32>
        %mul3A_203 = arith.mulf %add3A_197, %mul3A_202 : vector<16xf32>
        %select_n3A_204 = arith.select %gt3A_200, %add3A_197, %mul3A_203 : vector<16xi1>, vector<16xf32>
        %get3A_205 = arith.index_cast %scan3A_157 : i32 to index
        %get3A_206 = arith.constant 16 : index
        %get3A_207 = tpu.vector_load %arg14[%get3A_205, %get3A_206] {strides = array<i32>} : memref<8x64xf32, #tpu.memory_space<vmem>>, vector<16xf32>,
        %mul3A_208 = arith.mulf %select_n3A_204, %get3A_207 : vector<16xf32>
        %exp3A_209 = math.exp %mul3A_208 : vector<16xf32>
        %mul3A_210 = arith.constant 512 : i32
        %mul3A_211 = arith.muli %scan3A_138, %mul3A_210 : i32
        %mul3A_212 = arith.constant 64 : i32
        %mul3A_213 = arith.muli %scan3A_157, %mul3A_212 : i32
        %add3A_214 = arith.addi %mul3A_211, %mul3A_213 : i32
        %add3A_215 = arith.constant 16 : i32
        %add3A_216 = arith.addi %add3A_214, %add3A_215 : i32
        %add3A_217 = vector.broadcast %add3A_216 : i32 to vector<16xi32>
        %add3A_218 = arith.addi %add3A_217, %iota3A : vector<16xi32>
        %lt3A_219 = arith.constant 20000 : i32
        %lt3A_220 = vector.broadcast %lt3A_219 : i32 to vector<16xi32>
        %lt3A_221 = arith.cmpi slt, %add3A_218, %lt3A_220 : vector<16xi32>
        %jit3A_222 = arith.constant 0.000000e+00 : f32
        %broadcast_in_dim3A_223 = vector.broadcast %jit3A_222 : f32 to vector<16xf32>
        %select_n3A_224 = arith.select %lt3A_221, %exp3A_209, %broadcast_in_dim3A_223 : vector<16xi1>, vector<16xf32>
        %swap3A_225 = arith.index_cast %scan3A_157 : i32 to index
        %swap3A_226 = arith.constant 16 : index
        %swap3A_227 = tpu.vector_load %arg14[%swap3A_225, %swap3A_226] {strides = array<i32>} : memref<8x64xf32, #tpu.memory_space<vmem>>, vector<16xf32>,
        tpu.vector_store %arg14[%swap3A_225, %swap3A_226], %select_n3A_224 {strides = array<i32>} : memref<8x64xf32, #tpu.memory_space<vmem>>, vector<16xf32>,
        tpu.vector_store_idx %arg11[%get3A_194], %select_n3A_224 {add = true} : memref<10240xf32, #tpu.memory_space<vmem>>[vector<16xi32>], vector<16xf32>,
        %get3A_228 = arith.index_cast %scan3A_157 : i32 to index
        %get3A_229 = arith.constant 32 : index
        %get3A_230 = tpu.vector_load %arg12[%get3A_228, %get3A_229] {strides = array<i32>} : memref<8x64xi32, #tpu.memory_space<vmem>>, vector<16xi32>,
        %get3A_231 = arith.index_cast %scan3A_157 : i32 to index
        %get3A_232 = arith.constant 32 : index
        %get3A_233 = tpu.vector_load %arg13[%get3A_231, %get3A_232] {strides = array<i32>} : memref<8x64xi32, #tpu.memory_space<vmem>>, vector<16xi32>,
        %gather3A_234 = tpu.vector_load_idx %arg9[%get3A_230] : memref<10240xf32, #tpu.memory_space<vmem>>[vector<16xi32>], vector<16xf32>,
        %gather3A_235 = tpu.vector_load_idx %arg10[%get3A_233] : memref<10240xf32, #tpu.memory_space<vmem>>[vector<16xi32>], vector<16xf32>,
        %add3A_236 = arith.addf %gather3A_234, %gather3A_235 : vector<16xf32>
        %gt3A_237 = arith.constant 0.000000e+00 : f32
        %gt3A_238 = vector.broadcast %gt3A_237 : f32 to vector<16xf32>
        %gt3A_239 = arith.cmpf ogt, %add3A_236, %gt3A_238 : vector<16xf32>
        %mul3A_240 = arith.constant 0.00999999977 : f32
        %mul3A_241 = vector.broadcast %mul3A_240 : f32 to vector<16xf32>
        %mul3A_242 = arith.mulf %add3A_236, %mul3A_241 : vector<16xf32>
        %select_n3A_243 = arith.select %gt3A_239, %add3A_236, %mul3A_242 : vector<16xi1>, vector<16xf32>
        %get3A_244 = arith.index_cast %scan3A_157 : i32 to index
        %get3A_245 = arith.constant 32 : index
        %get3A_246 = tpu.vector_load %arg14[%get3A_244, %get3A_245] {strides = array<i32>} : memref<8x64xf32, #tpu.memory_space<vmem>>, vector<16xf32>,
        %mul3A_247 = arith.mulf %select_n3A_243, %get3A_246 : vector<16xf32>
        %exp3A_248 = math.exp %mul3A_247 : vector<16xf32>
        %mul3A_249 = arith.constant 512 : i32
        %mul3A_250 = arith.muli %scan3A_138, %mul3A_249 : i32
        %mul3A_251 = arith.constant 64 : i32
        %mul3A_252 = arith.muli %scan3A_157, %mul3A_251 : i32
        %add3A_253 = arith.addi %mul3A_250, %mul3A_252 : i32
        %add3A_254 = arith.constant 32 : i32
        %add3A_255 = arith.addi %add3A_253, %add3A_254 : i32
        %add3A_256 = vector.broadcast %add3A_255 : i32 to vector<16xi32>
        %add3A_257 = arith.addi %add3A_256, %iota3A : vector<16xi32>
        %lt3A_258 = arith.constant 20000 : i32
        %lt3A_259 = vector.broadcast %lt3A_258 : i32 to vector<16xi32>
        %lt3A_260 = arith.cmpi slt, %add3A_257, %lt3A_259 : vector<16xi32>
        %jit3A_261 = arith.constant 0.000000e+00 : f32
        %broadcast_in_dim3A_262 = vector.broadcast %jit3A_261 : f32 to vector<16xf32>
        %select_n3A_263 = arith.select %lt3A_260, %exp3A_248, %broadcast_in_dim3A_262 : vector<16xi1>, vector<16xf32>
        %swap3A_264 = arith.index_cast %scan3A_157 : i32 to index
        %swap3A_265 = arith.constant 32 : index
        %swap3A_266 = tpu.vector_load %arg14[%swap3A_264, %swap3A_265] {strides = array<i32>} : memref<8x64xf32, #tpu.memory_space<vmem>>, vector<16xf32>,
        tpu.vector_store %arg14[%swap3A_264, %swap3A_265], %select_n3A_263 {strides = array<i32>} : memref<8x64xf32, #tpu.memory_space<vmem>>, vector<16xf32>,
        tpu.vector_store_idx %arg11[%get3A_233], %select_n3A_263 {add = true} : memref<10240xf32, #tpu.memory_space<vmem>>[vector<16xi32>], vector<16xf32>,
        %get3A_267 = arith.index_cast %scan3A_157 : i32 to index
        %get3A_268 = arith.constant 48 : index
        %get3A_269 = tpu.vector_load %arg12[%get3A_267, %get3A_268] {strides = array<i32>} : memref<8x64xi32, #tpu.memory_space<vmem>>, vector<16xi32>,
        %get3A_270 = arith.index_cast %scan3A_157 : i32 to index
        %get3A_271 = arith.constant 48 : index
        %get3A_272 = tpu.vector_load %arg13[%get3A_270, %get3A_271] {strides = array<i32>} : memref<8x64xi32, #tpu.memory_space<vmem>>, vector<16xi32>,
        %gather3A_273 = tpu.vector_load_idx %arg9[%get3A_269] : memref<10240xf32, #tpu.memory_space<vmem>>[vector<16xi32>], vector<16xf32>,
        %gather3A_274 = tpu.vector_load_idx %arg10[%get3A_272] : memref<10240xf32, #tpu.memory_space<vmem>>[vector<16xi32>], vector<16xf32>,
        %add3A_275 = arith.addf %gather3A_273, %gather3A_274 : vector<16xf32>
        %gt3A_276 = arith.constant 0.000000e+00 : f32
        %gt3A_277 = vector.broadcast %gt3A_276 : f32 to vector<16xf32>
        %gt3A_278 = arith.cmpf ogt, %add3A_275, %gt3A_277 : vector<16xf32>
        %mul3A_279 = arith.constant 0.00999999977 : f32
        %mul3A_280 = vector.broadcast %mul3A_279 : f32 to vector<16xf32>
        %mul3A_281 = arith.mulf %add3A_275, %mul3A_280 : vector<16xf32>
        %select_n3A_282 = arith.select %gt3A_278, %add3A_275, %mul3A_281 : vector<16xi1>, vector<16xf32>
        %get3A_283 = arith.index_cast %scan3A_157 : i32 to index
        %get3A_284 = arith.constant 48 : index
        %get3A_285 = tpu.vector_load %arg14[%get3A_283, %get3A_284] {strides = array<i32>} : memref<8x64xf32, #tpu.memory_space<vmem>>, vector<16xf32>,
        %mul3A_286 = arith.mulf %select_n3A_282, %get3A_285 : vector<16xf32>
        %exp3A_287 = math.exp %mul3A_286 : vector<16xf32>
        %mul3A_288 = arith.constant 512 : i32
        %mul3A_289 = arith.muli %scan3A_138, %mul3A_288 : i32
        %mul3A_290 = arith.constant 64 : i32
        %mul3A_291 = arith.muli %scan3A_157, %mul3A_290 : i32
        %add3A_292 = arith.addi %mul3A_289, %mul3A_291 : i32
        %add3A_293 = arith.constant 48 : i32
        %add3A_294 = arith.addi %add3A_292, %add3A_293 : i32
        %add3A_295 = vector.broadcast %add3A_294 : i32 to vector<16xi32>
        %add3A_296 = arith.addi %add3A_295, %iota3A : vector<16xi32>
        %lt3A_297 = arith.constant 20000 : i32
        %lt3A_298 = vector.broadcast %lt3A_297 : i32 to vector<16xi32>
        %lt3A_299 = arith.cmpi slt, %add3A_296, %lt3A_298 : vector<16xi32>
        %jit3A_300 = arith.constant 0.000000e+00 : f32
        %broadcast_in_dim3A_301 = vector.broadcast %jit3A_300 : f32 to vector<16xf32>
        %select_n3A_302 = arith.select %lt3A_299, %exp3A_287, %broadcast_in_dim3A_301 : vector<16xi1>, vector<16xf32>
        %swap3A_303 = arith.index_cast %scan3A_157 : i32 to index
        %swap3A_304 = arith.constant 48 : index
        %swap3A_305 = tpu.vector_load %arg14[%swap3A_303, %swap3A_304] {strides = array<i32>} : memref<8x64xf32, #tpu.memory_space<vmem>>, vector<16xf32>,
        tpu.vector_store %arg14[%swap3A_303, %swap3A_304], %select_n3A_302 {strides = array<i32>} : memref<8x64xf32, #tpu.memory_space<vmem>>, vector<16xf32>,
        tpu.vector_store_idx %arg11[%get3A_272], %select_n3A_302 {add = true} : memref<10240xf32, #tpu.memory_space<vmem>>[vector<16xi32>], vector<16xf32>,
      }
      %scan3A_150 = arith.constant 8 : i32
      %scan3A_151 = arith.constant 0 : i32
      %scan3A_152 = arith.constant 0 : i32
      %scan3A_153 = arith.constant 8 : i32
      %scan3A_154 = arith.addi %scan3A_152, %scan3A_153 : i32
      %scan3A_155 = arith.constant 1 : i32
      scf.for %scan3A_157 = %scan3A_152 to %scan3A_154 step %scan3A_155  : i32 {
        "tpu.region"() ({
          %run_scoped3A_164 = tpu.sem_alloc : memref<!tpu.dma_semaphore, #tpu.memory_space<semaphore_mem>>
          %dma_start3A = arith.constant 0 : i32
          %dma_start3A_165 = tpu.memref_slice %arg12[%scan3A_157, %dma_start3A] : memref<8x64xi32, #tpu.memory_space<vmem>> -> memref<1x64xi32, #tpu.memory_space<vmem>>
          %dma_start3A_166 = tpu.memref_squeeze %dma_start3A_165 : memref<1x64xi32, #tpu.memory_space<vmem>> -> memref<64xi32, #tpu.memory_space<vmem>>
          %dma_start3A_167 = arith.constant 0 : i32
          %dma_start3A_168 = arith.constant 0 : i32
          %dma_start3A_169 = tpu.memref_slice %arg2[%arg0, %dma_start3A_167, %dma_start3A_168] : memref<3x10240x128xf32, #tpu.memory_space<hbm>> -> memref<1x10240x128xf32, #tpu.memory_space<hbm>>
          %dma_start3A_170 = tpu.memref_squeeze %dma_start3A_169 : memref<1x10240x128xf32, #tpu.memory_space<hbm>> -> memref<10240x128xf32, #tpu.memory_space<hbm>>
          %dma_start3A_171 = arith.constant 0 : i32
          %dma_start3A_172 = arith.constant 0 : i32
          %dma_start3A_173 = tpu.memref_slice %dma_start3A_170[%dma_start3A_171, %dma_start3A_172] : memref<10240x128xf32, #tpu.memory_space<hbm>> -> memref<10240x128xf32, #tpu.memory_space<hbm>>
          tpu.enqueue_indirect_dma source(%dma_start3A_173 : memref<10240x128xf32, #tpu.memory_space<hbm>>) target(%arg15 : memref<64x128xf32, #tpu.memory_space<vmem>>) offsets(%dma_start3A_166 : memref<64xi32, #tpu.memory_space<vmem>>) semaphore(%run_scoped3A_164 : memref<!tpu.dma_semaphore, #tpu.memory_space<semaphore_mem>>)
          %dma_wait3A = arith.constant 0 : i32
          %dma_wait3A_174 = tpu.memref_slice %arg12[%scan3A_157, %dma_wait3A] : memref<8x64xi32, #tpu.memory_space<vmem>> -> memref<1x64xi32, #tpu.memory_space<vmem>>
          %dma_wait3A_175 = tpu.memref_squeeze %dma_wait3A_174 : memref<1x64xi32, #tpu.memory_space<vmem>> -> memref<64xi32, #tpu.memory_space<vmem>>
          %dma_wait3A_176 = arith.constant 0 : i32
          %dma_wait3A_177 = arith.constant 0 : i32
          %dma_wait3A_178 = tpu.memref_slice %arg2[%arg0, %dma_wait3A_176, %dma_wait3A_177] : memref<3x10240x128xf32, #tpu.memory_space<hbm>> -> memref<1x10240x128xf32, #tpu.memory_space<hbm>>
          %dma_wait3A_179 = tpu.memref_squeeze %dma_wait3A_178 : memref<1x10240x128xf32, #tpu.memory_space<hbm>> -> memref<10240x128xf32, #tpu.memory_space<hbm>>
          %dma_wait3A_180 = arith.constant 0 : i32
          %dma_wait3A_181 = arith.constant 0 : i32
          %dma_wait3A_182 = tpu.memref_slice %dma_wait3A_179[%dma_wait3A_180, %dma_wait3A_181] : memref<10240x128xf32, #tpu.memory_space<hbm>> -> memref<10240x128xf32, #tpu.memory_space<hbm>>
          tpu.wait_indirect_dma semaphore(%run_scoped3A_164 : memref<!tpu.dma_semaphore, #tpu.memory_space<semaphore_mem>>) src(%dma_wait3A_182 : memref<10240x128xf32, #tpu.memory_space<hbm>>) dst(%arg15 : memref<64x128xf32, #tpu.memory_space<vmem>>)
          tpu.yield
        }) : () -> ()
        %scan3A_158 = arith.constant 0 : i32
        %scan3A_159 = arith.constant 0 : i32
        %scan3A_160 = arith.constant 8 : i32
        %scan3A_161 = arith.addi %scan3A_159, %scan3A_160 : i32
        %scan3A_162 = arith.constant 1 : i32
        scf.for %scan3A_164 = %scan3A_159 to %scan3A_161 step %scan3A_162  : i32 {
          %mul3A_165 = arith.constant 8 : i32
          %mul3A_166 = arith.muli %scan3A_164, %mul3A_165 : i32
          %add3A_167 = arith.constant 0 : i32
          %add3A_168 = arith.addi %mul3A_166, %add3A_167 : i32
          %mul3A_169 = arith.constant 0 : i32
          %mul3A_170 = vector.broadcast %mul3A_169 : i32 to vector<16xi32>
          %mul3A_171 = arith.muli %iota3A, %mul3A_170 : vector<16xi32>
          %add3A_172 = vector.broadcast %add3A_168 : i32 to vector<16xi32>
          %add3A_173 = arith.addi %mul3A_171, %add3A_172 : vector<16xi32>
          %gather3A = arith.constant 0 : i32
          %gather3A_174 = tpu.memref_slice %arg14[%scan3A_157, %gather3A] : memref<8x64xf32, #tpu.memory_space<vmem>> -> memref<1x64xf32, #tpu.memory_space<vmem>>
          %gather3A_175 = tpu.memref_squeeze %gather3A_174 : memref<1x64xf32, #tpu.memory_space<vmem>> -> memref<64xf32, #tpu.memory_space<vmem>>
          %gather3A_176 = tpu.vector_load_idx %gather3A_175[%add3A_173] : memref<64xf32, #tpu.memory_space<vmem>>[vector<16xi32>], vector<16xf32>,
          %get3A = arith.index_cast %add3A_168 : i32 to index
          %get3A_177 = arith.constant 0 : index
          %get3A_178 = tpu.vector_load %arg15[%get3A, %get3A_177] {strides = array<i32>} : memref<64x128xf32, #tpu.memory_space<vmem>>, vector<16xf32>,
          %mul3A_179 = arith.mulf %get3A_178, %gather3A_176 : vector<16xf32>
          %swap3A = arith.index_cast %add3A_168 : i32 to index
          %swap3A_180 = arith.constant 0 : index
          %swap3A_181 = tpu.vector_load %arg15[%swap3A, %swap3A_180] {strides = array<i32>} : memref<64x128xf32, #tpu.memory_space<vmem>>, vector<16xf32>,
          tpu.vector_store %arg15[%swap3A, %swap3A_180], %mul3A_179 {strides = array<i32>} : memref<64x128xf32, #tpu.memory_space<vmem>>, vector<16xf32>,
          %get3A_182 = arith.index_cast %add3A_168 : i32 to index
          %get3A_183 = arith.constant 16 : index
          %get3A_184 = tpu.vector_load %arg15[%get3A_182, %get3A_183] {strides = array<i32>} : memref<64x128xf32, #tpu.memory_space<vmem>>, vector<16xf32>,
          %mul3A_185 = arith.mulf %get3A_184, %gather3A_176 : vector<16xf32>
          %swap3A_186 = arith.index_cast %add3A_168 : i32 to index
          %swap3A_187 = arith.constant 16 : index
          %swap3A_188 = tpu.vector_load %arg15[%swap3A_186, %swap3A_187] {strides = array<i32>} : memref<64x128xf32, #tpu.memory_space<vmem>>, vector<16xf32>,
          tpu.vector_store %arg15[%swap3A_186, %swap3A_187], %mul3A_185 {strides = array<i32>} : memref<64x128xf32, #tpu.memory_space<vmem>>, vector<16xf32>,
          %get3A_189 = arith.index_cast %add3A_168 : i32 to index
          %get3A_190 = arith.constant 32 : index
          %get3A_191 = tpu.vector_load %arg15[%get3A_189, %get3A_190] {strides = array<i32>} : memref<64x128xf32, #tpu.memory_space<vmem>>, vector<16xf32>,
          %mul3A_192 = arith.mulf %get3A_191, %gather3A_176 : vector<16xf32>
          %swap3A_193 = arith.index_cast %add3A_168 : i32 to index
          %swap3A_194 = arith.constant 32 : index
          %swap3A_195 = tpu.vector_load %arg15[%swap3A_193, %swap3A_194] {strides = array<i32>} : memref<64x128xf32, #tpu.memory_space<vmem>>, vector<16xf32>,
          tpu.vector_store %arg15[%swap3A_193, %swap3A_194], %mul3A_192 {strides = array<i32>} : memref<64x128xf32, #tpu.memory_space<vmem>>, vector<16xf32>,
          %get3A_196 = arith.index_cast %add3A_168 : i32 to index
          %get3A_197 = arith.constant 48 : index
          %get3A_198 = tpu.vector_load %arg15[%get3A_196, %get3A_197] {strides = array<i32>} : memref<64x128xf32, #tpu.memory_space<vmem>>, vector<16xf32>,
          %mul3A_199 = arith.mulf %get3A_198, %gather3A_176 : vector<16xf32>
          %swap3A_200 = arith.index_cast %add3A_168 : i32 to index
          %swap3A_201 = arith.constant 48 : index
          %swap3A_202 = tpu.vector_load %arg15[%swap3A_200, %swap3A_201] {strides = array<i32>} : memref<64x128xf32, #tpu.memory_space<vmem>>, vector<16xf32>,
          tpu.vector_store %arg15[%swap3A_200, %swap3A_201], %mul3A_199 {strides = array<i32>} : memref<64x128xf32, #tpu.memory_space<vmem>>, vector<16xf32>,
          %get3A_203 = arith.index_cast %add3A_168 : i32 to index
          %get3A_204 = arith.constant 64 : index
          %get3A_205 = tpu.vector_load %arg15[%get3A_203, %get3A_204] {strides = array<i32>} : memref<64x128xf32, #tpu.memory_space<vmem>>, vector<16xf32>,
          %mul3A_206 = arith.mulf %get3A_205, %gather3A_176 : vector<16xf32>
          %swap3A_207 = arith.index_cast %add3A_168 : i32 to index
          %swap3A_208 = arith.constant 64 : index
          %swap3A_209 = tpu.vector_load %arg15[%swap3A_207, %swap3A_208] {strides = array<i32>} : memref<64x128xf32, #tpu.memory_space<vmem>>, vector<16xf32>,
          tpu.vector_store %arg15[%swap3A_207, %swap3A_208], %mul3A_206 {strides = array<i32>} : memref<64x128xf32, #tpu.memory_space<vmem>>, vector<16xf32>,
          %get3A_210 = arith.index_cast %add3A_168 : i32 to index
          %get3A_211 = arith.constant 80 : index
          %get3A_212 = tpu.vector_load %arg15[%get3A_210, %get3A_211] {strides = array<i32>} : memref<64x128xf32, #tpu.memory_space<vmem>>, vector<16xf32>,
          %mul3A_213 = arith.mulf %get3A_212, %gather3A_176 : vector<16xf32>
          %swap3A_214 = arith.index_cast %add3A_168 : i32 to index
          %swap3A_215 = arith.constant 80 : index
          %swap3A_216 = tpu.vector_load %arg15[%swap3A_214, %swap3A_215] {strides = array<i32>} : memref<64x128xf32, #tpu.memory_space<vmem>>, vector<16xf32>,
          tpu.vector_store %arg15[%swap3A_214, %swap3A_215], %mul3A_213 {strides = array<i32>} : memref<64x128xf32, #tpu.memory_space<vmem>>, vector<16xf32>,
          %get3A_217 = arith.index_cast %add3A_168 : i32 to index
          %get3A_218 = arith.constant 96 : index
          %get3A_219 = tpu.vector_load %arg15[%get3A_217, %get3A_218] {strides = array<i32>} : memref<64x128xf32, #tpu.memory_space<vmem>>, vector<16xf32>,
          %mul3A_220 = arith.mulf %get3A_219, %gather3A_176 : vector<16xf32>
          %swap3A_221 = arith.index_cast %add3A_168 : i32 to index
          %swap3A_222 = arith.constant 96 : index
          %swap3A_223 = tpu.vector_load %arg15[%swap3A_221, %swap3A_222] {strides = array<i32>} : memref<64x128xf32, #tpu.memory_space<vmem>>, vector<16xf32>,
          tpu.vector_store %arg15[%swap3A_221, %swap3A_222], %mul3A_220 {strides = array<i32>} : memref<64x128xf32, #tpu.memory_space<vmem>>, vector<16xf32>,
          %get3A_224 = arith.index_cast %add3A_168 : i32 to index
          %get3A_225 = arith.constant 112 : index
          %get3A_226 = tpu.vector_load %arg15[%get3A_224, %get3A_225] {strides = array<i32>} : memref<64x128xf32, #tpu.memory_space<vmem>>, vector<16xf32>,
          %mul3A_227 = arith.mulf %get3A_226, %gather3A_176 : vector<16xf32>
          %swap3A_228 = arith.index_cast %add3A_168 : i32 to index
          %swap3A_229 = arith.constant 112 : index
          %swap3A_230 = tpu.vector_load %arg15[%swap3A_228, %swap3A_229] {strides = array<i32>} : memref<64x128xf32, #tpu.memory_space<vmem>>, vector<16xf32>,
          tpu.vector_store %arg15[%swap3A_228, %swap3A_229], %mul3A_227 {strides = array<i32>} : memref<64x128xf32, #tpu.memory_space<vmem>>, vector<16xf32>,
          %mul3A_231 = arith.constant 8 : i32
          %mul3A_232 = arith.muli %scan3A_164, %mul3A_231 : i32
          %add3A_233 = arith.constant 1 : i32
          %add3A_234 = arith.addi %mul3A_232, %add3A_233 : i32
          %mul3A_235 = arith.constant 0 : i32
          %mul3A_236 = vector.broadcast %mul3A_235 : i32 to vector<16xi32>
          %mul3A_237 = arith.muli %iota3A, %mul3A_236 : vector<16xi32>
          %add3A_238 = vector.broadcast %add3A_234 : i32 to vector<16xi32>
          %add3A_239 = arith.addi %mul3A_237, %add3A_238 : vector<16xi32>
          %gather3A_240 = arith.constant 0 : i32
          %gather3A_241 = tpu.memref_slice %arg14[%scan3A_157, %gather3A_240] : memref<8x64xf32, #tpu.memory_space<vmem>> -> memref<1x64xf32, #tpu.memory_space<vmem>>
          %gather3A_242 = tpu.memref_squeeze %gather3A_241 : memref<1x64xf32, #tpu.memory_space<vmem>> -> memref<64xf32, #tpu.memory_space<vmem>>
          %gather3A_243 = tpu.vector_load_idx %gather3A_242[%add3A_239] : memref<64xf32, #tpu.memory_space<vmem>>[vector<16xi32>], vector<16xf32>,
          %get3A_244 = arith.index_cast %add3A_234 : i32 to index
          %get3A_245 = arith.constant 0 : index
          %get3A_246 = tpu.vector_load %arg15[%get3A_244, %get3A_245] {strides = array<i32>} : memref<64x128xf32, #tpu.memory_space<vmem>>, vector<16xf32>,
          %mul3A_247 = arith.mulf %get3A_246, %gather3A_243 : vector<16xf32>
          %swap3A_248 = arith.index_cast %add3A_234 : i32 to index
          %swap3A_249 = arith.constant 0 : index
          %swap3A_250 = tpu.vector_load %arg15[%swap3A_248, %swap3A_249] {strides = array<i32>} : memref<64x128xf32, #tpu.memory_space<vmem>>, vector<16xf32>,
          tpu.vector_store %arg15[%swap3A_248, %swap3A_249], %mul3A_247 {strides = array<i32>} : memref<64x128xf32, #tpu.memory_space<vmem>>, vector<16xf32>,
          %get3A_251 = arith.index_cast %add3A_234 : i32 to index
          %get3A_252 = arith.constant 16 : index
          %get3A_253 = tpu.vector_load %arg15[%get3A_251, %get3A_252] {strides = array<i32>} : memref<64x128xf32, #tpu.memory_space<vmem>>, vector<16xf32>,
          %mul3A_254 = arith.mulf %get3A_253, %gather3A_243 : vector<16xf32>
          %swap3A_255 = arith.index_cast %add3A_234 : i32 to index
          %swap3A_256 = arith.constant 16 : index
          %swap3A_257 = tpu.vector_load %arg15[%swap3A_255, %swap3A_256] {strides = array<i32>} : memref<64x128xf32, #tpu.memory_space<vmem>>, vector<16xf32>,
          tpu.vector_store %arg15[%swap3A_255, %swap3A_256], %mul3A_254 {strides = array<i32>} : memref<64x128xf32, #tpu.memory_space<vmem>>, vector<16xf32>,
          %get3A_258 = arith.index_cast %add3A_234 : i32 to index
          %get3A_259 = arith.constant 32 : index
          %get3A_260 = tpu.vector_load %arg15[%get3A_258, %get3A_259] {strides = array<i32>} : memref<64x128xf32, #tpu.memory_space<vmem>>, vector<16xf32>,
          %mul3A_261 = arith.mulf %get3A_260, %gather3A_243 : vector<16xf32>
          %swap3A_262 = arith.index_cast %add3A_234 : i32 to index
          %swap3A_263 = arith.constant 32 : index
          %swap3A_264 = tpu.vector_load %arg15[%swap3A_262, %swap3A_263] {strides = array<i32>} : memref<64x128xf32, #tpu.memory_space<vmem>>, vector<16xf32>,
          tpu.vector_store %arg15[%swap3A_262, %swap3A_263], %mul3A_261 {strides = array<i32>} : memref<64x128xf32, #tpu.memory_space<vmem>>, vector<16xf32>,
          %get3A_265 = arith.index_cast %add3A_234 : i32 to index
          %get3A_266 = arith.constant 48 : index
          %get3A_267 = tpu.vector_load %arg15[%get3A_265, %get3A_266] {strides = array<i32>} : memref<64x128xf32, #tpu.memory_space<vmem>>, vector<16xf32>,
          %mul3A_268 = arith.mulf %get3A_267, %gather3A_243 : vector<16xf32>
          %swap3A_269 = arith.index_cast %add3A_234 : i32 to index
          %swap3A_270 = arith.constant 48 : index
          %swap3A_271 = tpu.vector_load %arg15[%swap3A_269, %swap3A_270] {strides = array<i32>} : memref<64x128xf32, #tpu.memory_space<vmem>>, vector<16xf32>,
          tpu.vector_store %arg15[%swap3A_269, %swap3A_270], %mul3A_268 {strides = array<i32>} : memref<64x128xf32, #tpu.memory_space<vmem>>, vector<16xf32>,
          %get3A_272 = arith.index_cast %add3A_234 : i32 to index
          %get3A_273 = arith.constant 64 : index
          %get3A_274 = tpu.vector_load %arg15[%get3A_272, %get3A_273] {strides = array<i32>} : memref<64x128xf32, #tpu.memory_space<vmem>>, vector<16xf32>,
          %mul3A_275 = arith.mulf %get3A_274, %gather3A_243 : vector<16xf32>
          %swap3A_276 = arith.index_cast %add3A_234 : i32 to index
          %swap3A_277 = arith.constant 64 : index
          %swap3A_278 = tpu.vector_load %arg15[%swap3A_276, %swap3A_277] {strides = array<i32>} : memref<64x128xf32, #tpu.memory_space<vmem>>, vector<16xf32>,
          tpu.vector_store %arg15[%swap3A_276, %swap3A_277], %mul3A_275 {strides = array<i32>} : memref<64x128xf32, #tpu.memory_space<vmem>>, vector<16xf32>,
          %get3A_279 = arith.index_cast %add3A_234 : i32 to index
          %get3A_280 = arith.constant 80 : index
          %get3A_281 = tpu.vector_load %arg15[%get3A_279, %get3A_280] {strides = array<i32>} : memref<64x128xf32, #tpu.memory_space<vmem>>, vector<16xf32>,
          %mul3A_282 = arith.mulf %get3A_281, %gather3A_243 : vector<16xf32>
          %swap3A_283 = arith.index_cast %add3A_234 : i32 to index
          %swap3A_284 = arith.constant 80 : index
          %swap3A_285 = tpu.vector_load %arg15[%swap3A_283, %swap3A_284] {strides = array<i32>} : memref<64x128xf32, #tpu.memory_space<vmem>>, vector<16xf32>,
          tpu.vector_store %arg15[%swap3A_283, %swap3A_284], %mul3A_282 {strides = array<i32>} : memref<64x128xf32, #tpu.memory_space<vmem>>, vector<16xf32>,
          %get3A_286 = arith.index_cast %add3A_234 : i32 to index
          %get3A_287 = arith.constant 96 : index
          %get3A_288 = tpu.vector_load %arg15[%get3A_286, %get3A_287] {strides = array<i32>} : memref<64x128xf32, #tpu.memory_space<vmem>>, vector<16xf32>,
          %mul3A_289 = arith.mulf %get3A_288, %gather3A_243 : vector<16xf32>
          %swap3A_290 = arith.index_cast %add3A_234 : i32 to index
          %swap3A_291 = arith.constant 96 : index
          %swap3A_292 = tpu.vector_load %arg15[%swap3A_290, %swap3A_291] {strides = array<i32>} : memref<64x128xf32, #tpu.memory_space<vmem>>, vector<16xf32>,
          tpu.vector_store %arg15[%swap3A_290, %swap3A_291], %mul3A_289 {strides = array<i32>} : memref<64x128xf32, #tpu.memory_space<vmem>>, vector<16xf32>,
          %get3A_293 = arith.index_cast %add3A_234 : i32 to index
          %get3A_294 = arith.constant 112 : index
          %get3A_295 = tpu.vector_load %arg15[%get3A_293, %get3A_294] {strides = array<i32>} : memref<64x128xf32, #tpu.memory_space<vmem>>, vector<16xf32>,
          %mul3A_296 = arith.mulf %get3A_295, %gather3A_243 : vector<16xf32>
          %swap3A_297 = arith.index_cast %add3A_234 : i32 to index
          %swap3A_298 = arith.constant 112 : index
          %swap3A_299 = tpu.vector_load %arg15[%swap3A_297, %swap3A_298] {strides = array<i32>} : memref<64x128xf32, #tpu.memory_space<vmem>>, vector<16xf32>,
          tpu.vector_store %arg15[%swap3A_297, %swap3A_298], %mul3A_296 {strides = array<i32>} : memref<64x128xf32, #tpu.memory_space<vmem>>, vector<16xf32>,
          %mul3A_300 = arith.constant 8 : i32
          %mul3A_301 = arith.muli %scan3A_164, %mul3A_300 : i32
          %add3A_302 = arith.constant 2 : i32
          %add3A_303 = arith.addi %mul3A_301, %add3A_302 : i32
          %mul3A_304 = arith.constant 0 : i32
          %mul3A_305 = vector.broadcast %mul3A_304 : i32 to vector<16xi32>
          %mul3A_306 = arith.muli %iota3A, %mul3A_305 : vector<16xi32>
          %add3A_307 = vector.broadcast %add3A_303 : i32 to vector<16xi32>
          %add3A_308 = arith.addi %mul3A_306, %add3A_307 : vector<16xi32>
          %gather3A_309 = arith.constant 0 : i32
          %gather3A_310 = tpu.memref_slice %arg14[%scan3A_157, %gather3A_309] : memref<8x64xf32, #tpu.memory_space<vmem>> -> memref<1x64xf32, #tpu.memory_space<vmem>>
          %gather3A_311 = tpu.memref_squeeze %gather3A_310 : memref<1x64xf32, #tpu.memory_space<vmem>> -> memref<64xf32, #tpu.memory_space<vmem>>
          %gather3A_312 = tpu.vector_load_idx %gather3A_311[%add3A_308] : memref<64xf32, #tpu.memory_space<vmem>>[vector<16xi32>], vector<16xf32>,
          %get3A_313 = arith.index_cast %add3A_303 : i32 to index
          %get3A_314 = arith.constant 0 : index
          %get3A_315 = tpu.vector_load %arg15[%get3A_313, %get3A_314] {strides = array<i32>} : memref<64x128xf32, #tpu.memory_space<vmem>>, vector<16xf32>,
          %mul3A_316 = arith.mulf %get3A_315, %gather3A_312 : vector<16xf32>
          %swap3A_317 = arith.index_cast %add3A_303 : i32 to index
          %swap3A_318 = arith.constant 0 : index
          %swap3A_319 = tpu.vector_load %arg15[%swap3A_317, %swap3A_318] {strides = array<i32>} : memref<64x128xf32, #tpu.memory_space<vmem>>, vector<16xf32>,
          tpu.vector_store %arg15[%swap3A_317, %swap3A_318], %mul3A_316 {strides = array<i32>} : memref<64x128xf32, #tpu.memory_space<vmem>>, vector<16xf32>,
          %get3A_320 = arith.index_cast %add3A_303 : i32 to index
          %get3A_321 = arith.constant 16 : index
          %get3A_322 = tpu.vector_load %arg15[%get3A_320, %get3A_321] {strides = array<i32>} : memref<64x128xf32, #tpu.memory_space<vmem>>, vector<16xf32>,
          %mul3A_323 = arith.mulf %get3A_322, %gather3A_312 : vector<16xf32>
          %swap3A_324 = arith.index_cast %add3A_303 : i32 to index
          %swap3A_325 = arith.constant 16 : index
          %swap3A_326 = tpu.vector_load %arg15[%swap3A_324, %swap3A_325] {strides = array<i32>} : memref<64x128xf32, #tpu.memory_space<vmem>>, vector<16xf32>,
          tpu.vector_store %arg15[%swap3A_324, %swap3A_325], %mul3A_323 {strides = array<i32>} : memref<64x128xf32, #tpu.memory_space<vmem>>, vector<16xf32>,
          %get3A_327 = arith.index_cast %add3A_303 : i32 to index
          %get3A_328 = arith.constant 32 : index
          %get3A_329 = tpu.vector_load %arg15[%get3A_327, %get3A_328] {strides = array<i32>} : memref<64x128xf32, #tpu.memory_space<vmem>>, vector<16xf32>,
          %mul3A_330 = arith.mulf %get3A_329, %gather3A_312 : vector<16xf32>
          %swap3A_331 = arith.index_cast %add3A_303 : i32 to index
          %swap3A_332 = arith.constant 32 : index
          %swap3A_333 = tpu.vector_load %arg15[%swap3A_331, %swap3A_332] {strides = array<i32>} : memref<64x128xf32, #tpu.memory_space<vmem>>, vector<16xf32>,
          tpu.vector_store %arg15[%swap3A_331, %swap3A_332], %mul3A_330 {strides = array<i32>} : memref<64x128xf32, #tpu.memory_space<vmem>>, vector<16xf32>,
          %get3A_334 = arith.index_cast %add3A_303 : i32 to index
          %get3A_335 = arith.constant 48 : index
          %get3A_336 = tpu.vector_load %arg15[%get3A_334, %get3A_335] {strides = array<i32>} : memref<64x128xf32, #tpu.memory_space<vmem>>, vector<16xf32>,
          %mul3A_337 = arith.mulf %get3A_336, %gather3A_312 : vector<16xf32>
          %swap3A_338 = arith.index_cast %add3A_303 : i32 to index
          %swap3A_339 = arith.constant 48 : index
          %swap3A_340 = tpu.vector_load %arg15[%swap3A_338, %swap3A_339] {strides = array<i32>} : memref<64x128xf32, #tpu.memory_space<vmem>>, vector<16xf32>,
          tpu.vector_store %arg15[%swap3A_338, %swap3A_339], %mul3A_337 {strides = array<i32>} : memref<64x128xf32, #tpu.memory_space<vmem>>, vector<16xf32>,
          %get3A_341 = arith.index_cast %add3A_303 : i32 to index
          %get3A_342 = arith.constant 64 : index
          %get3A_343 = tpu.vector_load %arg15[%get3A_341, %get3A_342] {strides = array<i32>} : memref<64x128xf32, #tpu.memory_space<vmem>>, vector<16xf32>,
          %mul3A_344 = arith.mulf %get3A_343, %gather3A_312 : vector<16xf32>
          %swap3A_345 = arith.index_cast %add3A_303 : i32 to index
          %swap3A_346 = arith.constant 64 : index
          %swap3A_347 = tpu.vector_load %arg15[%swap3A_345, %swap3A_346] {strides = array<i32>} : memref<64x128xf32, #tpu.memory_space<vmem>>, vector<16xf32>,
          tpu.vector_store %arg15[%swap3A_345, %swap3A_346], %mul3A_344 {strides = array<i32>} : memref<64x128xf32, #tpu.memory_space<vmem>>, vector<16xf32>,
          %get3A_348 = arith.index_cast %add3A_303 : i32 to index
          %get3A_349 = arith.constant 80 : index
          %get3A_350 = tpu.vector_load %arg15[%get3A_348, %get3A_349] {strides = array<i32>} : memref<64x128xf32, #tpu.memory_space<vmem>>, vector<16xf32>,
          %mul3A_351 = arith.mulf %get3A_350, %gather3A_312 : vector<16xf32>
          %swap3A_352 = arith.index_cast %add3A_303 : i32 to index
          %swap3A_353 = arith.constant 80 : index
          %swap3A_354 = tpu.vector_load %arg15[%swap3A_352, %swap3A_353] {strides = array<i32>} : memref<64x128xf32, #tpu.memory_space<vmem>>, vector<16xf32>,
          tpu.vector_store %arg15[%swap3A_352, %swap3A_353], %mul3A_351 {strides = array<i32>} : memref<64x128xf32, #tpu.memory_space<vmem>>, vector<16xf32>,
          %get3A_355 = arith.index_cast %add3A_303 : i32 to index
          %get3A_356 = arith.constant 96 : index
          %get3A_357 = tpu.vector_load %arg15[%get3A_355, %get3A_356] {strides = array<i32>} : memref<64x128xf32, #tpu.memory_space<vmem>>, vector<16xf32>,
          %mul3A_358 = arith.mulf %get3A_357, %gather3A_312 : vector<16xf32>
          %swap3A_359 = arith.index_cast %add3A_303 : i32 to index
          %swap3A_360 = arith.constant 96 : index
          %swap3A_361 = tpu.vector_load %arg15[%swap3A_359, %swap3A_360] {strides = array<i32>} : memref<64x128xf32, #tpu.memory_space<vmem>>, vector<16xf32>,
          tpu.vector_store %arg15[%swap3A_359, %swap3A_360], %mul3A_358 {strides = array<i32>} : memref<64x128xf32, #tpu.memory_space<vmem>>, vector<16xf32>,
          %get3A_362 = arith.index_cast %add3A_303 : i32 to index
          %get3A_363 = arith.constant 112 : index
          %get3A_364 = tpu.vector_load %arg15[%get3A_362, %get3A_363] {strides = array<i32>} : memref<64x128xf32, #tpu.memory_space<vmem>>, vector<16xf32>,
          %mul3A_365 = arith.mulf %get3A_364, %gather3A_312 : vector<16xf32>
          %swap3A_366 = arith.index_cast %add3A_303 : i32 to index
          %swap3A_367 = arith.constant 112 : index
          %swap3A_368 = tpu.vector_load %arg15[%swap3A_366, %swap3A_367] {strides = array<i32>} : memref<64x128xf32, #tpu.memory_space<vmem>>, vector<16xf32>,
          tpu.vector_store %arg15[%swap3A_366, %swap3A_367], %mul3A_365 {strides = array<i32>} : memref<64x128xf32, #tpu.memory_space<vmem>>, vector<16xf32>,
          %mul3A_369 = arith.constant 8 : i32
          %mul3A_370 = arith.muli %scan3A_164, %mul3A_369 : i32
          %add3A_371 = arith.constant 3 : i32
          %add3A_372 = arith.addi %mul3A_370, %add3A_371 : i32
          %mul3A_373 = arith.constant 0 : i32
          %mul3A_374 = vector.broadcast %mul3A_373 : i32 to vector<16xi32>
          %mul3A_375 = arith.muli %iota3A, %mul3A_374 : vector<16xi32>
          %add3A_376 = vector.broadcast %add3A_372 : i32 to vector<16xi32>
          %add3A_377 = arith.addi %mul3A_375, %add3A_376 : vector<16xi32>
          %gather3A_378 = arith.constant 0 : i32
          %gather3A_379 = tpu.memref_slice %arg14[%scan3A_157, %gather3A_378] : memref<8x64xf32, #tpu.memory_space<vmem>> -> memref<1x64xf32, #tpu.memory_space<vmem>>
          %gather3A_380 = tpu.memref_squeeze %gather3A_379 : memref<1x64xf32, #tpu.memory_space<vmem>> -> memref<64xf32, #tpu.memory_space<vmem>>
          %gather3A_381 = tpu.vector_load_idx %gather3A_380[%add3A_377] : memref<64xf32, #tpu.memory_space<vmem>>[vector<16xi32>], vector<16xf32>,
          %get3A_382 = arith.index_cast %add3A_372 : i32 to index
          %get3A_383 = arith.constant 0 : index
          %get3A_384 = tpu.vector_load %arg15[%get3A_382, %get3A_383] {strides = array<i32>} : memref<64x128xf32, #tpu.memory_space<vmem>>, vector<16xf32>,
          %mul3A_385 = arith.mulf %get3A_384, %gather3A_381 : vector<16xf32>
          %swap3A_386 = arith.index_cast %add3A_372 : i32 to index
          %swap3A_387 = arith.constant 0 : index
          %swap3A_388 = tpu.vector_load %arg15[%swap3A_386, %swap3A_387] {strides = array<i32>} : memref<64x128xf32, #tpu.memory_space<vmem>>, vector<16xf32>,
          tpu.vector_store %arg15[%swap3A_386, %swap3A_387], %mul3A_385 {strides = array<i32>} : memref<64x128xf32, #tpu.memory_space<vmem>>, vector<16xf32>,
          %get3A_389 = arith.index_cast %add3A_372 : i32 to index
          %get3A_390 = arith.constant 16 : index
          %get3A_391 = tpu.vector_load %arg15[%get3A_389, %get3A_390] {strides = array<i32>} : memref<64x128xf32, #tpu.memory_space<vmem>>, vector<16xf32>,
          %mul3A_392 = arith.mulf %get3A_391, %gather3A_381 : vector<16xf32>
          %swap3A_393 = arith.index_cast %add3A_372 : i32 to index
          %swap3A_394 = arith.constant 16 : index
          %swap3A_395 = tpu.vector_load %arg15[%swap3A_393, %swap3A_394] {strides = array<i32>} : memref<64x128xf32, #tpu.memory_space<vmem>>, vector<16xf32>,
          tpu.vector_store %arg15[%swap3A_393, %swap3A_394], %mul3A_392 {strides = array<i32>} : memref<64x128xf32, #tpu.memory_space<vmem>>, vector<16xf32>,
          %get3A_396 = arith.index_cast %add3A_372 : i32 to index
          %get3A_397 = arith.constant 32 : index
          %get3A_398 = tpu.vector_load %arg15[%get3A_396, %get3A_397] {strides = array<i32>} : memref<64x128xf32, #tpu.memory_space<vmem>>, vector<16xf32>,
          %mul3A_399 = arith.mulf %get3A_398, %gather3A_381 : vector<16xf32>
          %swap3A_400 = arith.index_cast %add3A_372 : i32 to index
          %swap3A_401 = arith.constant 32 : index
          %swap3A_402 = tpu.vector_load %arg15[%swap3A_400, %swap3A_401] {strides = array<i32>} : memref<64x128xf32, #tpu.memory_space<vmem>>, vector<16xf32>,
          tpu.vector_store %arg15[%swap3A_400, %swap3A_401], %mul3A_399 {strides = array<i32>} : memref<64x128xf32, #tpu.memory_space<vmem>>, vector<16xf32>,
          %get3A_403 = arith.index_cast %add3A_372 : i32 to index
          %get3A_404 = arith.constant 48 : index
          %get3A_405 = tpu.vector_load %arg15[%get3A_403, %get3A_404] {strides = array<i32>} : memref<64x128xf32, #tpu.memory_space<vmem>>, vector<16xf32>,
          %mul3A_406 = arith.mulf %get3A_405, %gather3A_381 : vector<16xf32>
          %swap3A_407 = arith.index_cast %add3A_372 : i32 to index
          %swap3A_408 = arith.constant 48 : index
          %swap3A_409 = tpu.vector_load %arg15[%swap3A_407, %swap3A_408] {strides = array<i32>} : memref<64x128xf32, #tpu.memory_space<vmem>>, vector<16xf32>,
          tpu.vector_store %arg15[%swap3A_407, %swap3A_408], %mul3A_406 {strides = array<i32>} : memref<64x128xf32, #tpu.memory_space<vmem>>, vector<16xf32>,
          %get3A_410 = arith.index_cast %add3A_372 : i32 to index
          %get3A_411 = arith.constant 64 : index
          %get3A_412 = tpu.vector_load %arg15[%get3A_410, %get3A_411] {strides = array<i32>} : memref<64x128xf32, #tpu.memory_space<vmem>>, vector<16xf32>,
          %mul3A_413 = arith.mulf %get3A_412, %gather3A_381 : vector<16xf32>
          %swap3A_414 = arith.index_cast %add3A_372 : i32 to index
          %swap3A_415 = arith.constant 64 : index
          %swap3A_416 = tpu.vector_load %arg15[%swap3A_414, %swap3A_415] {strides = array<i32>} : memref<64x128xf32, #tpu.memory_space<vmem>>, vector<16xf32>,
          tpu.vector_store %arg15[%swap3A_414, %swap3A_415], %mul3A_413 {strides = array<i32>} : memref<64x128xf32, #tpu.memory_space<vmem>>, vector<16xf32>,
          %get3A_417 = arith.index_cast %add3A_372 : i32 to index
          %get3A_418 = arith.constant 80 : index
          %get3A_419 = tpu.vector_load %arg15[%get3A_417, %get3A_418] {strides = array<i32>} : memref<64x128xf32, #tpu.memory_space<vmem>>, vector<16xf32>,
          %mul3A_420 = arith.mulf %get3A_419, %gather3A_381 : vector<16xf32>
          %swap3A_421 = arith.index_cast %add3A_372 : i32 to index
          %swap3A_422 = arith.constant 80 : index
          %swap3A_423 = tpu.vector_load %arg15[%swap3A_421, %swap3A_422] {strides = array<i32>} : memref<64x128xf32, #tpu.memory_space<vmem>>, vector<16xf32>,
          tpu.vector_store %arg15[%swap3A_421, %swap3A_422], %mul3A_420 {strides = array<i32>} : memref<64x128xf32, #tpu.memory_space<vmem>>, vector<16xf32>,
          %get3A_424 = arith.index_cast %add3A_372 : i32 to index
          %get3A_425 = arith.constant 96 : index
          %get3A_426 = tpu.vector_load %arg15[%get3A_424, %get3A_425] {strides = array<i32>} : memref<64x128xf32, #tpu.memory_space<vmem>>, vector<16xf32>,
          %mul3A_427 = arith.mulf %get3A_426, %gather3A_381 : vector<16xf32>
          %swap3A_428 = arith.index_cast %add3A_372 : i32 to index
          %swap3A_429 = arith.constant 96 : index
          %swap3A_430 = tpu.vector_load %arg15[%swap3A_428, %swap3A_429] {strides = array<i32>} : memref<64x128xf32, #tpu.memory_space<vmem>>, vector<16xf32>,
          tpu.vector_store %arg15[%swap3A_428, %swap3A_429], %mul3A_427 {strides = array<i32>} : memref<64x128xf32, #tpu.memory_space<vmem>>, vector<16xf32>,
          %get3A_431 = arith.index_cast %add3A_372 : i32 to index
          %get3A_432 = arith.constant 112 : index
          %get3A_433 = tpu.vector_load %arg15[%get3A_431, %get3A_432] {strides = array<i32>} : memref<64x128xf32, #tpu.memory_space<vmem>>, vector<16xf32>,
          %mul3A_434 = arith.mulf %get3A_433, %gather3A_381 : vector<16xf32>
          %swap3A_435 = arith.index_cast %add3A_372 : i32 to index
          %swap3A_436 = arith.constant 112 : index
          %swap3A_437 = tpu.vector_load %arg15[%swap3A_435, %swap3A_436] {strides = array<i32>} : memref<64x128xf32, #tpu.memory_space<vmem>>, vector<16xf32>,
          tpu.vector_store %arg15[%swap3A_435, %swap3A_436], %mul3A_434 {strides = array<i32>} : memref<64x128xf32, #tpu.memory_space<vmem>>, vector<16xf32>,
          %mul3A_438 = arith.constant 8 : i32
          %mul3A_439 = arith.muli %scan3A_164, %mul3A_438 : i32
          %add3A_440 = arith.constant 4 : i32
          %add3A_441 = arith.addi %mul3A_439, %add3A_440 : i32
          %mul3A_442 = arith.constant 0 : i32
          %mul3A_443 = vector.broadcast %mul3A_442 : i32 to vector<16xi32>
          %mul3A_444 = arith.muli %iota3A, %mul3A_443 : vector<16xi32>
          %add3A_445 = vector.broadcast %add3A_441 : i32 to vector<16xi32>
          %add3A_446 = arith.addi %mul3A_444, %add3A_445 : vector<16xi32>
          %gather3A_447 = arith.constant 0 : i32
          %gather3A_448 = tpu.memref_slice %arg14[%scan3A_157, %gather3A_447] : memref<8x64xf32, #tpu.memory_space<vmem>> -> memref<1x64xf32, #tpu.memory_space<vmem>>
          %gather3A_449 = tpu.memref_squeeze %gather3A_448 : memref<1x64xf32, #tpu.memory_space<vmem>> -> memref<64xf32, #tpu.memory_space<vmem>>
          %gather3A_450 = tpu.vector_load_idx %gather3A_449[%add3A_446] : memref<64xf32, #tpu.memory_space<vmem>>[vector<16xi32>], vector<16xf32>,
          %get3A_451 = arith.index_cast %add3A_441 : i32 to index
          %get3A_452 = arith.constant 0 : index
          %get3A_453 = tpu.vector_load %arg15[%get3A_451, %get3A_452] {strides = array<i32>} : memref<64x128xf32, #tpu.memory_space<vmem>>, vector<16xf32>,
          %mul3A_454 = arith.mulf %get3A_453, %gather3A_450 : vector<16xf32>
          %swap3A_455 = arith.index_cast %add3A_441 : i32 to index
          %swap3A_456 = arith.constant 0 : index
          %swap3A_457 = tpu.vector_load %arg15[%swap3A_455, %swap3A_456] {strides = array<i32>} : memref<64x128xf32, #tpu.memory_space<vmem>>, vector<16xf32>,
          tpu.vector_store %arg15[%swap3A_455, %swap3A_456], %mul3A_454 {strides = array<i32>} : memref<64x128xf32, #tpu.memory_space<vmem>>, vector<16xf32>,
          %get3A_458 = arith.index_cast %add3A_441 : i32 to index
          %get3A_459 = arith.constant 16 : index
          %get3A_460 = tpu.vector_load %arg15[%get3A_458, %get3A_459] {strides = array<i32>} : memref<64x128xf32, #tpu.memory_space<vmem>>, vector<16xf32>,
          %mul3A_461 = arith.mulf %get3A_460, %gather3A_450 : vector<16xf32>
          %swap3A_462 = arith.index_cast %add3A_441 : i32 to index
          %swap3A_463 = arith.constant 16 : index
          %swap3A_464 = tpu.vector_load %arg15[%swap3A_462, %swap3A_463] {strides = array<i32>} : memref<64x128xf32, #tpu.memory_space<vmem>>, vector<16xf32>,
          tpu.vector_store %arg15[%swap3A_462, %swap3A_463], %mul3A_461 {strides = array<i32>} : memref<64x128xf32, #tpu.memory_space<vmem>>, vector<16xf32>,
          %get3A_465 = arith.index_cast %add3A_441 : i32 to index
          %get3A_466 = arith.constant 32 : index
          %get3A_467 = tpu.vector_load %arg15[%get3A_465, %get3A_466] {strides = array<i32>} : memref<64x128xf32, #tpu.memory_space<vmem>>, vector<16xf32>,
          %mul3A_468 = arith.mulf %get3A_467, %gather3A_450 : vector<16xf32>
          %swap3A_469 = arith.index_cast %add3A_441 : i32 to index
          %swap3A_470 = arith.constant 32 : index
          %swap3A_471 = tpu.vector_load %arg15[%swap3A_469, %swap3A_470] {strides = array<i32>} : memref<64x128xf32, #tpu.memory_space<vmem>>, vector<16xf32>,
          tpu.vector_store %arg15[%swap3A_469, %swap3A_470], %mul3A_468 {strides = array<i32>} : memref<64x128xf32, #tpu.memory_space<vmem>>, vector<16xf32>,
          %get3A_472 = arith.index_cast %add3A_441 : i32 to index
          %get3A_473 = arith.constant 48 : index
          %get3A_474 = tpu.vector_load %arg15[%get3A_472, %get3A_473] {strides = array<i32>} : memref<64x128xf32, #tpu.memory_space<vmem>>, vector<16xf32>,
          %mul3A_475 = arith.mulf %get3A_474, %gather3A_450 : vector<16xf32>
          %swap3A_476 = arith.index_cast %add3A_441 : i32 to index
          %swap3A_477 = arith.constant 48 : index
          %swap3A_478 = tpu.vector_load %arg15[%swap3A_476, %swap3A_477] {strides = array<i32>} : memref<64x128xf32, #tpu.memory_space<vmem>>, vector<16xf32>,
          tpu.vector_store %arg15[%swap3A_476, %swap3A_477], %mul3A_475 {strides = array<i32>} : memref<64x128xf32, #tpu.memory_space<vmem>>, vector<16xf32>,
          %get3A_479 = arith.index_cast %add3A_441 : i32 to index
          %get3A_480 = arith.constant 64 : index
          %get3A_481 = tpu.vector_load %arg15[%get3A_479, %get3A_480] {strides = array<i32>} : memref<64x128xf32, #tpu.memory_space<vmem>>, vector<16xf32>,
          %mul3A_482 = arith.mulf %get3A_481, %gather3A_450 : vector<16xf32>
          %swap3A_483 = arith.index_cast %add3A_441 : i32 to index
          %swap3A_484 = arith.constant 64 : index
          %swap3A_485 = tpu.vector_load %arg15[%swap3A_483, %swap3A_484] {strides = array<i32>} : memref<64x128xf32, #tpu.memory_space<vmem>>, vector<16xf32>,
          tpu.vector_store %arg15[%swap3A_483, %swap3A_484], %mul3A_482 {strides = array<i32>} : memref<64x128xf32, #tpu.memory_space<vmem>>, vector<16xf32>,
          %get3A_486 = arith.index_cast %add3A_441 : i32 to index
          %get3A_487 = arith.constant 80 : index
          %get3A_488 = tpu.vector_load %arg15[%get3A_486, %get3A_487] {strides = array<i32>} : memref<64x128xf32, #tpu.memory_space<vmem>>, vector<16xf32>,
          %mul3A_489 = arith.mulf %get3A_488, %gather3A_450 : vector<16xf32>
          %swap3A_490 = arith.index_cast %add3A_441 : i32 to index
          %swap3A_491 = arith.constant 80 : index
          %swap3A_492 = tpu.vector_load %arg15[%swap3A_490, %swap3A_491] {strides = array<i32>} : memref<64x128xf32, #tpu.memory_space<vmem>>, vector<16xf32>,
          tpu.vector_store %arg15[%swap3A_490, %swap3A_491], %mul3A_489 {strides = array<i32>} : memref<64x128xf32, #tpu.memory_space<vmem>>, vector<16xf32>,
          %get3A_493 = arith.index_cast %add3A_441 : i32 to index
          %get3A_494 = arith.constant 96 : index
          %get3A_495 = tpu.vector_load %arg15[%get3A_493, %get3A_494] {strides = array<i32>} : memref<64x128xf32, #tpu.memory_space<vmem>>, vector<16xf32>,
          %mul3A_496 = arith.mulf %get3A_495, %gather3A_450 : vector<16xf32>
          %swap3A_497 = arith.index_cast %add3A_441 : i32 to index
          %swap3A_498 = arith.constant 96 : index
          %swap3A_499 = tpu.vector_load %arg15[%swap3A_497, %swap3A_498] {strides = array<i32>} : memref<64x128xf32, #tpu.memory_space<vmem>>, vector<16xf32>,
          tpu.vector_store %arg15[%swap3A_497, %swap3A_498], %mul3A_496 {strides = array<i32>} : memref<64x128xf32, #tpu.memory_space<vmem>>, vector<16xf32>,
          %get3A_500 = arith.index_cast %add3A_441 : i32 to index
          %get3A_501 = arith.constant 112 : index
          %get3A_502 = tpu.vector_load %arg15[%get3A_500, %get3A_501] {strides = array<i32>} : memref<64x128xf32, #tpu.memory_space<vmem>>, vector<16xf32>,
          %mul3A_503 = arith.mulf %get3A_502, %gather3A_450 : vector<16xf32>
          %swap3A_504 = arith.index_cast %add3A_441 : i32 to index
          %swap3A_505 = arith.constant 112 : index
          %swap3A_506 = tpu.vector_load %arg15[%swap3A_504, %swap3A_505] {strides = array<i32>} : memref<64x128xf32, #tpu.memory_space<vmem>>, vector<16xf32>,
          tpu.vector_store %arg15[%swap3A_504, %swap3A_505], %mul3A_503 {strides = array<i32>} : memref<64x128xf32, #tpu.memory_space<vmem>>, vector<16xf32>,
          %mul3A_507 = arith.constant 8 : i32
          %mul3A_508 = arith.muli %scan3A_164, %mul3A_507 : i32
          %add3A_509 = arith.constant 5 : i32
          %add3A_510 = arith.addi %mul3A_508, %add3A_509 : i32
          %mul3A_511 = arith.constant 0 : i32
          %mul3A_512 = vector.broadcast %mul3A_511 : i32 to vector<16xi32>
          %mul3A_513 = arith.muli %iota3A, %mul3A_512 : vector<16xi32>
          %add3A_514 = vector.broadcast %add3A_510 : i32 to vector<16xi32>
          %add3A_515 = arith.addi %mul3A_513, %add3A_514 : vector<16xi32>
          %gather3A_516 = arith.constant 0 : i32
          %gather3A_517 = tpu.memref_slice %arg14[%scan3A_157, %gather3A_516] : memref<8x64xf32, #tpu.memory_space<vmem>> -> memref<1x64xf32, #tpu.memory_space<vmem>>
          %gather3A_518 = tpu.memref_squeeze %gather3A_517 : memref<1x64xf32, #tpu.memory_space<vmem>> -> memref<64xf32, #tpu.memory_space<vmem>>
          %gather3A_519 = tpu.vector_load_idx %gather3A_518[%add3A_515] : memref<64xf32, #tpu.memory_space<vmem>>[vector<16xi32>], vector<16xf32>,
          %get3A_520 = arith.index_cast %add3A_510 : i32 to index
          %get3A_521 = arith.constant 0 : index
          %get3A_522 = tpu.vector_load %arg15[%get3A_520, %get3A_521] {strides = array<i32>} : memref<64x128xf32, #tpu.memory_space<vmem>>, vector<16xf32>,
          %mul3A_523 = arith.mulf %get3A_522, %gather3A_519 : vector<16xf32>
          %swap3A_524 = arith.index_cast %add3A_510 : i32 to index
          %swap3A_525 = arith.constant 0 : index
          %swap3A_526 = tpu.vector_load %arg15[%swap3A_524, %swap3A_525] {strides = array<i32>} : memref<64x128xf32, #tpu.memory_space<vmem>>, vector<16xf32>,
          tpu.vector_store %arg15[%swap3A_524, %swap3A_525], %mul3A_523 {strides = array<i32>} : memref<64x128xf32, #tpu.memory_space<vmem>>, vector<16xf32>,
          %get3A_527 = arith.index_cast %add3A_510 : i32 to index
          %get3A_528 = arith.constant 16 : index
          %get3A_529 = tpu.vector_load %arg15[%get3A_527, %get3A_528] {strides = array<i32>} : memref<64x128xf32, #tpu.memory_space<vmem>>, vector<16xf32>,
          %mul3A_530 = arith.mulf %get3A_529, %gather3A_519 : vector<16xf32>
          %swap3A_531 = arith.index_cast %add3A_510 : i32 to index
          %swap3A_532 = arith.constant 16 : index
          %swap3A_533 = tpu.vector_load %arg15[%swap3A_531, %swap3A_532] {strides = array<i32>} : memref<64x128xf32, #tpu.memory_space<vmem>>, vector<16xf32>,
          tpu.vector_store %arg15[%swap3A_531, %swap3A_532], %mul3A_530 {strides = array<i32>} : memref<64x128xf32, #tpu.memory_space<vmem>>, vector<16xf32>,
          %get3A_534 = arith.index_cast %add3A_510 : i32 to index
          %get3A_535 = arith.constant 32 : index
          %get3A_536 = tpu.vector_load %arg15[%get3A_534, %get3A_535] {strides = array<i32>} : memref<64x128xf32, #tpu.memory_space<vmem>>, vector<16xf32>,
          %mul3A_537 = arith.mulf %get3A_536, %gather3A_519 : vector<16xf32>
          %swap3A_538 = arith.index_cast %add3A_510 : i32 to index
          %swap3A_539 = arith.constant 32 : index
          %swap3A_540 = tpu.vector_load %arg15[%swap3A_538, %swap3A_539] {strides = array<i32>} : memref<64x128xf32, #tpu.memory_space<vmem>>, vector<16xf32>,
          tpu.vector_store %arg15[%swap3A_538, %swap3A_539], %mul3A_537 {strides = array<i32>} : memref<64x128xf32, #tpu.memory_space<vmem>>, vector<16xf32>,
          %get3A_541 = arith.index_cast %add3A_510 : i32 to index
          %get3A_542 = arith.constant 48 : index
          %get3A_543 = tpu.vector_load %arg15[%get3A_541, %get3A_542] {strides = array<i32>} : memref<64x128xf32, #tpu.memory_space<vmem>>, vector<16xf32>,
          %mul3A_544 = arith.mulf %get3A_543, %gather3A_519 : vector<16xf32>
          %swap3A_545 = arith.index_cast %add3A_510 : i32 to index
          %swap3A_546 = arith.constant 48 : index
          %swap3A_547 = tpu.vector_load %arg15[%swap3A_545, %swap3A_546] {strides = array<i32>} : memref<64x128xf32, #tpu.memory_space<vmem>>, vector<16xf32>,
          tpu.vector_store %arg15[%swap3A_545, %swap3A_546], %mul3A_544 {strides = array<i32>} : memref<64x128xf32, #tpu.memory_space<vmem>>, vector<16xf32>,
          %get3A_548 = arith.index_cast %add3A_510 : i32 to index
          %get3A_549 = arith.constant 64 : index
          %get3A_550 = tpu.vector_load %arg15[%get3A_548, %get3A_549] {strides = array<i32>} : memref<64x128xf32, #tpu.memory_space<vmem>>, vector<16xf32>,
          %mul3A_551 = arith.mulf %get3A_550, %gather3A_519 : vector<16xf32>
          %swap3A_552 = arith.index_cast %add3A_510 : i32 to index
          %swap3A_553 = arith.constant 64 : index
          %swap3A_554 = tpu.vector_load %arg15[%swap3A_552, %swap3A_553] {strides = array<i32>} : memref<64x128xf32, #tpu.memory_space<vmem>>, vector<16xf32>,
          tpu.vector_store %arg15[%swap3A_552, %swap3A_553], %mul3A_551 {strides = array<i32>} : memref<64x128xf32, #tpu.memory_space<vmem>>, vector<16xf32>,
          %get3A_555 = arith.index_cast %add3A_510 : i32 to index
          %get3A_556 = arith.constant 80 : index
          %get3A_557 = tpu.vector_load %arg15[%get3A_555, %get3A_556] {strides = array<i32>} : memref<64x128xf32, #tpu.memory_space<vmem>>, vector<16xf32>,
          %mul3A_558 = arith.mulf %get3A_557, %gather3A_519 : vector<16xf32>
          %swap3A_559 = arith.index_cast %add3A_510 : i32 to index
          %swap3A_560 = arith.constant 80 : index
          %swap3A_561 = tpu.vector_load %arg15[%swap3A_559, %swap3A_560] {strides = array<i32>} : memref<64x128xf32, #tpu.memory_space<vmem>>, vector<16xf32>,
          tpu.vector_store %arg15[%swap3A_559, %swap3A_560], %mul3A_558 {strides = array<i32>} : memref<64x128xf32, #tpu.memory_space<vmem>>, vector<16xf32>,
          %get3A_562 = arith.index_cast %add3A_510 : i32 to index
          %get3A_563 = arith.constant 96 : index
          %get3A_564 = tpu.vector_load %arg15[%get3A_562, %get3A_563] {strides = array<i32>} : memref<64x128xf32, #tpu.memory_space<vmem>>, vector<16xf32>,
          %mul3A_565 = arith.mulf %get3A_564, %gather3A_519 : vector<16xf32>
          %swap3A_566 = arith.index_cast %add3A_510 : i32 to index
          %swap3A_567 = arith.constant 96 : index
          %swap3A_568 = tpu.vector_load %arg15[%swap3A_566, %swap3A_567] {strides = array<i32>} : memref<64x128xf32, #tpu.memory_space<vmem>>, vector<16xf32>,
          tpu.vector_store %arg15[%swap3A_566, %swap3A_567], %mul3A_565 {strides = array<i32>} : memref<64x128xf32, #tpu.memory_space<vmem>>, vector<16xf32>,
          %get3A_569 = arith.index_cast %add3A_510 : i32 to index
          %get3A_570 = arith.constant 112 : index
          %get3A_571 = tpu.vector_load %arg15[%get3A_569, %get3A_570] {strides = array<i32>} : memref<64x128xf32, #tpu.memory_space<vmem>>, vector<16xf32>,
          %mul3A_572 = arith.mulf %get3A_571, %gather3A_519 : vector<16xf32>
          %swap3A_573 = arith.index_cast %add3A_510 : i32 to index
          %swap3A_574 = arith.constant 112 : index
          %swap3A_575 = tpu.vector_load %arg15[%swap3A_573, %swap3A_574] {strides = array<i32>} : memref<64x128xf32, #tpu.memory_space<vmem>>, vector<16xf32>,
          tpu.vector_store %arg15[%swap3A_573, %swap3A_574], %mul3A_572 {strides = array<i32>} : memref<64x128xf32, #tpu.memory_space<vmem>>, vector<16xf32>,
          %mul3A_576 = arith.constant 8 : i32
          %mul3A_577 = arith.muli %scan3A_164, %mul3A_576 : i32
          %add3A_578 = arith.constant 6 : i32
          %add3A_579 = arith.addi %mul3A_577, %add3A_578 : i32
          %mul3A_580 = arith.constant 0 : i32
          %mul3A_581 = vector.broadcast %mul3A_580 : i32 to vector<16xi32>
          %mul3A_582 = arith.muli %iota3A, %mul3A_581 : vector<16xi32>
          %add3A_583 = vector.broadcast %add3A_579 : i32 to vector<16xi32>
          %add3A_584 = arith.addi %mul3A_582, %add3A_583 : vector<16xi32>
          %gather3A_585 = arith.constant 0 : i32
          %gather3A_586 = tpu.memref_slice %arg14[%scan3A_157, %gather3A_585] : memref<8x64xf32, #tpu.memory_space<vmem>> -> memref<1x64xf32, #tpu.memory_space<vmem>>
          %gather3A_587 = tpu.memref_squeeze %gather3A_586 : memref<1x64xf32, #tpu.memory_space<vmem>> -> memref<64xf32, #tpu.memory_space<vmem>>
          %gather3A_588 = tpu.vector_load_idx %gather3A_587[%add3A_584] : memref<64xf32, #tpu.memory_space<vmem>>[vector<16xi32>], vector<16xf32>,
          %get3A_589 = arith.index_cast %add3A_579 : i32 to index
          %get3A_590 = arith.constant 0 : index
          %get3A_591 = tpu.vector_load %arg15[%get3A_589, %get3A_590] {strides = array<i32>} : memref<64x128xf32, #tpu.memory_space<vmem>>, vector<16xf32>,
          %mul3A_592 = arith.mulf %get3A_591, %gather3A_588 : vector<16xf32>
          %swap3A_593 = arith.index_cast %add3A_579 : i32 to index
          %swap3A_594 = arith.constant 0 : index
          %swap3A_595 = tpu.vector_load %arg15[%swap3A_593, %swap3A_594] {strides = array<i32>} : memref<64x128xf32, #tpu.memory_space<vmem>>, vector<16xf32>,
          tpu.vector_store %arg15[%swap3A_593, %swap3A_594], %mul3A_592 {strides = array<i32>} : memref<64x128xf32, #tpu.memory_space<vmem>>, vector<16xf32>,
          %get3A_596 = arith.index_cast %add3A_579 : i32 to index
          %get3A_597 = arith.constant 16 : index
          %get3A_598 = tpu.vector_load %arg15[%get3A_596, %get3A_597] {strides = array<i32>} : memref<64x128xf32, #tpu.memory_space<vmem>>, vector<16xf32>,
          %mul3A_599 = arith.mulf %get3A_598, %gather3A_588 : vector<16xf32>
          %swap3A_600 = arith.index_cast %add3A_579 : i32 to index
          %swap3A_601 = arith.constant 16 : index
          %swap3A_602 = tpu.vector_load %arg15[%swap3A_600, %swap3A_601] {strides = array<i32>} : memref<64x128xf32, #tpu.memory_space<vmem>>, vector<16xf32>,
          tpu.vector_store %arg15[%swap3A_600, %swap3A_601], %mul3A_599 {strides = array<i32>} : memref<64x128xf32, #tpu.memory_space<vmem>>, vector<16xf32>,
          %get3A_603 = arith.index_cast %add3A_579 : i32 to index
          %get3A_604 = arith.constant 32 : index
          %get3A_605 = tpu.vector_load %arg15[%get3A_603, %get3A_604] {strides = array<i32>} : memref<64x128xf32, #tpu.memory_space<vmem>>, vector<16xf32>,
          %mul3A_606 = arith.mulf %get3A_605, %gather3A_588 : vector<16xf32>
          %swap3A_607 = arith.index_cast %add3A_579 : i32 to index
          %swap3A_608 = arith.constant 32 : index
          %swap3A_609 = tpu.vector_load %arg15[%swap3A_607, %swap3A_608] {strides = array<i32>} : memref<64x128xf32, #tpu.memory_space<vmem>>, vector<16xf32>,
          tpu.vector_store %arg15[%swap3A_607, %swap3A_608], %mul3A_606 {strides = array<i32>} : memref<64x128xf32, #tpu.memory_space<vmem>>, vector<16xf32>,
          %get3A_610 = arith.index_cast %add3A_579 : i32 to index
          %get3A_611 = arith.constant 48 : index
          %get3A_612 = tpu.vector_load %arg15[%get3A_610, %get3A_611] {strides = array<i32>} : memref<64x128xf32, #tpu.memory_space<vmem>>, vector<16xf32>,
          %mul3A_613 = arith.mulf %get3A_612, %gather3A_588 : vector<16xf32>
          %swap3A_614 = arith.index_cast %add3A_579 : i32 to index
          %swap3A_615 = arith.constant 48 : index
          %swap3A_616 = tpu.vector_load %arg15[%swap3A_614, %swap3A_615] {strides = array<i32>} : memref<64x128xf32, #tpu.memory_space<vmem>>, vector<16xf32>,
          tpu.vector_store %arg15[%swap3A_614, %swap3A_615], %mul3A_613 {strides = array<i32>} : memref<64x128xf32, #tpu.memory_space<vmem>>, vector<16xf32>,
          %get3A_617 = arith.index_cast %add3A_579 : i32 to index
          %get3A_618 = arith.constant 64 : index
          %get3A_619 = tpu.vector_load %arg15[%get3A_617, %get3A_618] {strides = array<i32>} : memref<64x128xf32, #tpu.memory_space<vmem>>, vector<16xf32>,
          %mul3A_620 = arith.mulf %get3A_619, %gather3A_588 : vector<16xf32>
          %swap3A_621 = arith.index_cast %add3A_579 : i32 to index
          %swap3A_622 = arith.constant 64 : index
          %swap3A_623 = tpu.vector_load %arg15[%swap3A_621, %swap3A_622] {strides = array<i32>} : memref<64x128xf32, #tpu.memory_space<vmem>>, vector<16xf32>,
          tpu.vector_store %arg15[%swap3A_621, %swap3A_622], %mul3A_620 {strides = array<i32>} : memref<64x128xf32, #tpu.memory_space<vmem>>, vector<16xf32>,
          %get3A_624 = arith.index_cast %add3A_579 : i32 to index
          %get3A_625 = arith.constant 80 : index
          %get3A_626 = tpu.vector_load %arg15[%get3A_624, %get3A_625] {strides = array<i32>} : memref<64x128xf32, #tpu.memory_space<vmem>>, vector<16xf32>,
          %mul3A_627 = arith.mulf %get3A_626, %gather3A_588 : vector<16xf32>
          %swap3A_628 = arith.index_cast %add3A_579 : i32 to index
          %swap3A_629 = arith.constant 80 : index
          %swap3A_630 = tpu.vector_load %arg15[%swap3A_628, %swap3A_629] {strides = array<i32>} : memref<64x128xf32, #tpu.memory_space<vmem>>, vector<16xf32>,
          tpu.vector_store %arg15[%swap3A_628, %swap3A_629], %mul3A_627 {strides = array<i32>} : memref<64x128xf32, #tpu.memory_space<vmem>>, vector<16xf32>,
          %get3A_631 = arith.index_cast %add3A_579 : i32 to index
          %get3A_632 = arith.constant 96 : index
          %get3A_633 = tpu.vector_load %arg15[%get3A_631, %get3A_632] {strides = array<i32>} : memref<64x128xf32, #tpu.memory_space<vmem>>, vector<16xf32>,
          %mul3A_634 = arith.mulf %get3A_633, %gather3A_588 : vector<16xf32>
          %swap3A_635 = arith.index_cast %add3A_579 : i32 to index
          %swap3A_636 = arith.constant 96 : index
          %swap3A_637 = tpu.vector_load %arg15[%swap3A_635, %swap3A_636] {strides = array<i32>} : memref<64x128xf32, #tpu.memory_space<vmem>>, vector<16xf32>,
          tpu.vector_store %arg15[%swap3A_635, %swap3A_636], %mul3A_634 {strides = array<i32>} : memref<64x128xf32, #tpu.memory_space<vmem>>, vector<16xf32>,
          %get3A_638 = arith.index_cast %add3A_579 : i32 to index
          %get3A_639 = arith.constant 112 : index
          %get3A_640 = tpu.vector_load %arg15[%get3A_638, %get3A_639] {strides = array<i32>} : memref<64x128xf32, #tpu.memory_space<vmem>>, vector<16xf32>,
          %mul3A_641 = arith.mulf %get3A_640, %gather3A_588 : vector<16xf32>
          %swap3A_642 = arith.index_cast %add3A_579 : i32 to index
          %swap3A_643 = arith.constant 112 : index
          %swap3A_644 = tpu.vector_load %arg15[%swap3A_642, %swap3A_643] {strides = array<i32>} : memref<64x128xf32, #tpu.memory_space<vmem>>, vector<16xf32>,
          tpu.vector_store %arg15[%swap3A_642, %swap3A_643], %mul3A_641 {strides = array<i32>} : memref<64x128xf32, #tpu.memory_space<vmem>>, vector<16xf32>,
          %mul3A_645 = arith.constant 8 : i32
          %mul3A_646 = arith.muli %scan3A_164, %mul3A_645 : i32
          %add3A_647 = arith.constant 7 : i32
          %add3A_648 = arith.addi %mul3A_646, %add3A_647 : i32
          %mul3A_649 = arith.constant 0 : i32
          %mul3A_650 = vector.broadcast %mul3A_649 : i32 to vector<16xi32>
          %mul3A_651 = arith.muli %iota3A, %mul3A_650 : vector<16xi32>
          %add3A_652 = vector.broadcast %add3A_648 : i32 to vector<16xi32>
          %add3A_653 = arith.addi %mul3A_651, %add3A_652 : vector<16xi32>
          %gather3A_654 = arith.constant 0 : i32
          %gather3A_655 = tpu.memref_slice %arg14[%scan3A_157, %gather3A_654] : memref<8x64xf32, #tpu.memory_space<vmem>> -> memref<1x64xf32, #tpu.memory_space<vmem>>
          %gather3A_656 = tpu.memref_squeeze %gather3A_655 : memref<1x64xf32, #tpu.memory_space<vmem>> -> memref<64xf32, #tpu.memory_space<vmem>>
          %gather3A_657 = tpu.vector_load_idx %gather3A_656[%add3A_653] : memref<64xf32, #tpu.memory_space<vmem>>[vector<16xi32>], vector<16xf32>,
          %get3A_658 = arith.index_cast %add3A_648 : i32 to index
          %get3A_659 = arith.constant 0 : index
          %get3A_660 = tpu.vector_load %arg15[%get3A_658, %get3A_659] {strides = array<i32>} : memref<64x128xf32, #tpu.memory_space<vmem>>, vector<16xf32>,
          %mul3A_661 = arith.mulf %get3A_660, %gather3A_657 : vector<16xf32>
          %swap3A_662 = arith.index_cast %add3A_648 : i32 to index
          %swap3A_663 = arith.constant 0 : index
          %swap3A_664 = tpu.vector_load %arg15[%swap3A_662, %swap3A_663] {strides = array<i32>} : memref<64x128xf32, #tpu.memory_space<vmem>>, vector<16xf32>,
          tpu.vector_store %arg15[%swap3A_662, %swap3A_663], %mul3A_661 {strides = array<i32>} : memref<64x128xf32, #tpu.memory_space<vmem>>, vector<16xf32>,
          %get3A_665 = arith.index_cast %add3A_648 : i32 to index
          %get3A_666 = arith.constant 16 : index
          %get3A_667 = tpu.vector_load %arg15[%get3A_665, %get3A_666] {strides = array<i32>} : memref<64x128xf32, #tpu.memory_space<vmem>>, vector<16xf32>,
          %mul3A_668 = arith.mulf %get3A_667, %gather3A_657 : vector<16xf32>
          %swap3A_669 = arith.index_cast %add3A_648 : i32 to index
          %swap3A_670 = arith.constant 16 : index
          %swap3A_671 = tpu.vector_load %arg15[%swap3A_669, %swap3A_670] {strides = array<i32>} : memref<64x128xf32, #tpu.memory_space<vmem>>, vector<16xf32>,
          tpu.vector_store %arg15[%swap3A_669, %swap3A_670], %mul3A_668 {strides = array<i32>} : memref<64x128xf32, #tpu.memory_space<vmem>>, vector<16xf32>,
          %get3A_672 = arith.index_cast %add3A_648 : i32 to index
          %get3A_673 = arith.constant 32 : index
          %get3A_674 = tpu.vector_load %arg15[%get3A_672, %get3A_673] {strides = array<i32>} : memref<64x128xf32, #tpu.memory_space<vmem>>, vector<16xf32>,
          %mul3A_675 = arith.mulf %get3A_674, %gather3A_657 : vector<16xf32>
          %swap3A_676 = arith.index_cast %add3A_648 : i32 to index
          %swap3A_677 = arith.constant 32 : index
          %swap3A_678 = tpu.vector_load %arg15[%swap3A_676, %swap3A_677] {strides = array<i32>} : memref<64x128xf32, #tpu.memory_space<vmem>>, vector<16xf32>,
          tpu.vector_store %arg15[%swap3A_676, %swap3A_677], %mul3A_675 {strides = array<i32>} : memref<64x128xf32, #tpu.memory_space<vmem>>, vector<16xf32>,
          %get3A_679 = arith.index_cast %add3A_648 : i32 to index
          %get3A_680 = arith.constant 48 : index
          %get3A_681 = tpu.vector_load %arg15[%get3A_679, %get3A_680] {strides = array<i32>} : memref<64x128xf32, #tpu.memory_space<vmem>>, vector<16xf32>,
          %mul3A_682 = arith.mulf %get3A_681, %gather3A_657 : vector<16xf32>
          %swap3A_683 = arith.index_cast %add3A_648 : i32 to index
          %swap3A_684 = arith.constant 48 : index
          %swap3A_685 = tpu.vector_load %arg15[%swap3A_683, %swap3A_684] {strides = array<i32>} : memref<64x128xf32, #tpu.memory_space<vmem>>, vector<16xf32>,
          tpu.vector_store %arg15[%swap3A_683, %swap3A_684], %mul3A_682 {strides = array<i32>} : memref<64x128xf32, #tpu.memory_space<vmem>>, vector<16xf32>,
          %get3A_686 = arith.index_cast %add3A_648 : i32 to index
          %get3A_687 = arith.constant 64 : index
          %get3A_688 = tpu.vector_load %arg15[%get3A_686, %get3A_687] {strides = array<i32>} : memref<64x128xf32, #tpu.memory_space<vmem>>, vector<16xf32>,
          %mul3A_689 = arith.mulf %get3A_688, %gather3A_657 : vector<16xf32>
          %swap3A_690 = arith.index_cast %add3A_648 : i32 to index
          %swap3A_691 = arith.constant 64 : index
          %swap3A_692 = tpu.vector_load %arg15[%swap3A_690, %swap3A_691] {strides = array<i32>} : memref<64x128xf32, #tpu.memory_space<vmem>>, vector<16xf32>,
          tpu.vector_store %arg15[%swap3A_690, %swap3A_691], %mul3A_689 {strides = array<i32>} : memref<64x128xf32, #tpu.memory_space<vmem>>, vector<16xf32>,
          %get3A_693 = arith.index_cast %add3A_648 : i32 to index
          %get3A_694 = arith.constant 80 : index
          %get3A_695 = tpu.vector_load %arg15[%get3A_693, %get3A_694] {strides = array<i32>} : memref<64x128xf32, #tpu.memory_space<vmem>>, vector<16xf32>,
          %mul3A_696 = arith.mulf %get3A_695, %gather3A_657 : vector<16xf32>
          %swap3A_697 = arith.index_cast %add3A_648 : i32 to index
          %swap3A_698 = arith.constant 80 : index
          %swap3A_699 = tpu.vector_load %arg15[%swap3A_697, %swap3A_698] {strides = array<i32>} : memref<64x128xf32, #tpu.memory_space<vmem>>, vector<16xf32>,
          tpu.vector_store %arg15[%swap3A_697, %swap3A_698], %mul3A_696 {strides = array<i32>} : memref<64x128xf32, #tpu.memory_space<vmem>>, vector<16xf32>,
          %get3A_700 = arith.index_cast %add3A_648 : i32 to index
          %get3A_701 = arith.constant 96 : index
          %get3A_702 = tpu.vector_load %arg15[%get3A_700, %get3A_701] {strides = array<i32>} : memref<64x128xf32, #tpu.memory_space<vmem>>, vector<16xf32>,
          %mul3A_703 = arith.mulf %get3A_702, %gather3A_657 : vector<16xf32>
          %swap3A_704 = arith.index_cast %add3A_648 : i32 to index
          %swap3A_705 = arith.constant 96 : index
          %swap3A_706 = tpu.vector_load %arg15[%swap3A_704, %swap3A_705] {strides = array<i32>} : memref<64x128xf32, #tpu.memory_space<vmem>>, vector<16xf32>,
          tpu.vector_store %arg15[%swap3A_704, %swap3A_705], %mul3A_703 {strides = array<i32>} : memref<64x128xf32, #tpu.memory_space<vmem>>, vector<16xf32>,
          %get3A_707 = arith.index_cast %add3A_648 : i32 to index
          %get3A_708 = arith.constant 112 : index
          %get3A_709 = tpu.vector_load %arg15[%get3A_707, %get3A_708] {strides = array<i32>} : memref<64x128xf32, #tpu.memory_space<vmem>>, vector<16xf32>,
          %mul3A_710 = arith.mulf %get3A_709, %gather3A_657 : vector<16xf32>
          %swap3A_711 = arith.index_cast %add3A_648 : i32 to index
          %swap3A_712 = arith.constant 112 : index
          %swap3A_713 = tpu.vector_load %arg15[%swap3A_711, %swap3A_712] {strides = array<i32>} : memref<64x128xf32, #tpu.memory_space<vmem>>, vector<16xf32>,
          tpu.vector_store %arg15[%swap3A_711, %swap3A_712], %mul3A_710 {strides = array<i32>} : memref<64x128xf32, #tpu.memory_space<vmem>>, vector<16xf32>,
        }
        %scan3A_163 = arith.constant 8 : i32
        "tpu.region"() ({
          %run_scoped3A_164 = tpu.sem_alloc : memref<!tpu.dma_semaphore, #tpu.memory_space<semaphore_mem>>
          %dma_start3A = arith.constant 0 : i32
          %dma_start3A_165 = tpu.memref_slice %arg13[%scan3A_157, %dma_start3A] : memref<8x64xi32, #tpu.memory_space<vmem>> -> memref<1x64xi32, #tpu.memory_space<vmem>>
          %dma_start3A_166 = tpu.memref_squeeze %dma_start3A_165 : memref<1x64xi32, #tpu.memory_space<vmem>> -> memref<64xi32, #tpu.memory_space<vmem>>
          %dma_start3A_167 = arith.constant 0 : i32
          %dma_start3A_168 = arith.constant 0 : i32
          %dma_start3A_169 = tpu.memref_slice %arg16[%dma_start3A_167, %dma_start3A_168] : memref<10240x128xf32, #tpu.memory_space<vmem_shared>> -> memref<10240x128xf32, #tpu.memory_space<vmem_shared>>
          tpu.enqueue_indirect_dma source(%arg15 : memref<64x128xf32, #tpu.memory_space<vmem>>) target(%dma_start3A_169 : memref<10240x128xf32, #tpu.memory_space<vmem_shared>>) offsets(%dma_start3A_166 : memref<64xi32, #tpu.memory_space<vmem>>) semaphore(%run_scoped3A_164 : memref<!tpu.dma_semaphore, #tpu.memory_space<semaphore_mem>>) {add = true}
          %dma_wait3A = arith.constant 0 : i32
          %dma_wait3A_170 = tpu.memref_slice %arg13[%scan3A_157, %dma_wait3A] : memref<8x64xi32, #tpu.memory_space<vmem>> -> memref<1x64xi32, #tpu.memory_space<vmem>>
          %dma_wait3A_171 = tpu.memref_squeeze %dma_wait3A_170 : memref<1x64xi32, #tpu.memory_space<vmem>> -> memref<64xi32, #tpu.memory_space<vmem>>
          %dma_wait3A_172 = arith.constant 0 : i32
          %dma_wait3A_173 = arith.constant 0 : i32
          %dma_wait3A_174 = tpu.memref_slice %arg16[%dma_wait3A_172, %dma_wait3A_173] : memref<10240x128xf32, #tpu.memory_space<vmem_shared>> -> memref<10240x128xf32, #tpu.memory_space<vmem_shared>>
          tpu.wait_indirect_dma semaphore(%run_scoped3A_164 : memref<!tpu.dma_semaphore, #tpu.memory_space<semaphore_mem>>) src(%arg15 : memref<64x128xf32, #tpu.memory_space<vmem>>) dst(%dma_wait3A_174 : memref<10240x128xf32, #tpu.memory_space<vmem_shared>>)
          tpu.yield
        }) : () -> ()
      }
      %scan3A_156 = arith.constant 8 : i32
    }
    %scan3A_56 = arith.constant 40 : i32
    "tpu.region"() ({
      %run_scoped3A_138 = tpu.sem_alloc : memref<!tpu.dma_semaphore, #tpu.memory_space<semaphore_mem>>
      %dma_start3A = arith.constant 0 : i32
      %dma_start3A_139 = tpu.memref_slice %arg8[%arg0, %arg1, %dma_start3A] : memref<2x16x10240xf32, #tpu.memory_space<hbm>> -> memref<1x1x10240xf32, #tpu.memory_space<hbm>>
      %dma_start3A_140 = tpu.memref_squeeze %dma_start3A_139 : memref<1x1x10240xf32, #tpu.memory_space<hbm>> -> memref<10240xf32, #tpu.memory_space<hbm>>
      %dma_start3A_141 = arith.constant 0 : i32
      %dma_start3A_142 = tpu.memref_slice %arg8[%arg0, %arg1, %dma_start3A_141] : memref<2x16x10240xf32, #tpu.memory_space<hbm>> -> memref<1x1x10240xf32, #tpu.memory_space<hbm>>
      %dma_start3A_143 = tpu.memref_squeeze %dma_start3A_142 : memref<1x1x10240xf32, #tpu.memory_space<hbm>> -> memref<10240xf32, #tpu.memory_space<hbm>>
      tpu.enqueue_dma source(%arg11 : memref<10240xf32, #tpu.memory_space<vmem>>) target(%dma_start3A_143 : memref<10240xf32, #tpu.memory_space<hbm>>) target_semaphore(%run_scoped3A_138 : memref<!tpu.dma_semaphore, #tpu.memory_space<semaphore_mem>>)
      %dma_wait3A = arith.constant 0 : i32
      %dma_wait3A_144 = tpu.memref_slice %arg8[%arg0, %arg1, %dma_wait3A] : memref<2x16x10240xf32, #tpu.memory_space<hbm>> -> memref<1x1x10240xf32, #tpu.memory_space<hbm>>
      %dma_wait3A_145 = tpu.memref_squeeze %dma_wait3A_144 : memref<1x1x10240xf32, #tpu.memory_space<hbm>> -> memref<10240xf32, #tpu.memory_space<hbm>>
      %dma_wait3A_146 = arith.constant 0 : i32
      %dma_wait3A_147 = tpu.memref_slice %arg8[%arg0, %arg1, %dma_wait3A_146] : memref<2x16x10240xf32, #tpu.memory_space<hbm>> -> memref<1x1x10240xf32, #tpu.memory_space<hbm>>
      %dma_wait3A_148 = tpu.memref_squeeze %dma_wait3A_147 : memref<1x1x10240xf32, #tpu.memory_space<hbm>> -> memref<10240xf32, #tpu.memory_space<hbm>>
      tpu.wait_dma2 semaphore(%run_scoped3A_138 : memref<!tpu.dma_semaphore, #tpu.memory_space<semaphore_mem>>) src(%arg11 : memref<10240xf32, #tpu.memory_space<vmem>>) dst(%dma_wait3A_148 : memref<10240xf32, #tpu.memory_space<hbm>>)
      tpu.yield
    }) : () -> ()
    %barrier3A_57 = arith.constant 0 : index
    tpu.barrier barrier_id(%barrier3A_57)
    %mul3A_58 = arith.constant 640 : i32
    %mul3A_59 = arith.muli %arg1, %mul3A_58 : i32
    %add3A_60 = arith.constant 0 : i32
    %add3A_61 = arith.addi %mul3A_59, %add3A_60 : i32
    %mul3A_62 = arith.constant 640 : i32
    %mul3A_63 = arith.muli %arg1, %mul3A_62 : i32
    %add3A_64 = arith.constant 0 : i32
    %add3A_65 = arith.addi %mul3A_63, %add3A_64 : i32
    "tpu.region"() ({
      %run_scoped3A_138 = tpu.sem_alloc : memref<!tpu.dma_semaphore, #tpu.memory_space<semaphore_mem>>
      %dma_start3A = arith.constant 0 : i32
      %dma_start3A_139 = tpu.memref_slice %arg7[%arg0, %add3A_65, %dma_start3A] : memref<2x10240x128xf32, #tpu.memory_space<hbm>> -> memref<1x64x128xf32, #tpu.memory_space<hbm>>
      %dma_start3A_140 = tpu.memref_squeeze %dma_start3A_139 : memref<1x64x128xf32, #tpu.memory_space<hbm>> -> memref<64x128xf32, #tpu.memory_space<hbm>>
      %dma_start3A_141 = arith.constant 0 : i32
      %dma_start3A_142 = tpu.memref_slice %arg16[%add3A_61, %dma_start3A_141] : memref<10240x128xf32, #tpu.memory_space<vmem_shared>> -> memref<64x128xf32, #tpu.memory_space<vmem_shared>>
      tpu.enqueue_dma source(%dma_start3A_142 : memref<64x128xf32, #tpu.memory_space<vmem_shared>>) target(%dma_start3A_140 : memref<64x128xf32, #tpu.memory_space<hbm>>) target_semaphore(%run_scoped3A_138 : memref<!tpu.dma_semaphore, #tpu.memory_space<semaphore_mem>>)
      %dma_wait3A = arith.constant 0 : i32
      %dma_wait3A_143 = tpu.memref_slice %arg7[%arg0, %add3A_65, %dma_wait3A] : memref<2x10240x128xf32, #tpu.memory_space<hbm>> -> memref<1x64x128xf32, #tpu.memory_space<hbm>>
      %dma_wait3A_144 = tpu.memref_squeeze %dma_wait3A_143 : memref<1x64x128xf32, #tpu.memory_space<hbm>> -> memref<64x128xf32, #tpu.memory_space<hbm>>
      %dma_wait3A_145 = arith.constant 0 : i32
      %dma_wait3A_146 = tpu.memref_slice %arg16[%add3A_61, %dma_wait3A_145] : memref<10240x128xf32, #tpu.memory_space<vmem_shared>> -> memref<64x128xf32, #tpu.memory_space<vmem_shared>>
      tpu.wait_dma2 semaphore(%run_scoped3A_138 : memref<!tpu.dma_semaphore, #tpu.memory_space<semaphore_mem>>) src(%dma_wait3A_146 : memref<64x128xf32, #tpu.memory_space<vmem_shared>>) dst(%dma_wait3A_144 : memref<64x128xf32, #tpu.memory_space<hbm>>)
      tpu.yield
    }) : () -> ()
    %mul3A_66 = arith.constant 640 : i32
    %mul3A_67 = arith.muli %arg1, %mul3A_66 : i32
    %add3A_68 = arith.constant 64 : i32
    %add3A_69 = arith.addi %mul3A_67, %add3A_68 : i32
    %mul3A_70 = arith.constant 640 : i32
    %mul3A_71 = arith.muli %arg1, %mul3A_70 : i32
    %add3A_72 = arith.constant 64 : i32
    %add3A_73 = arith.addi %mul3A_71, %add3A_72 : i32
    "tpu.region"() ({
      %run_scoped3A_138 = tpu.sem_alloc : memref<!tpu.dma_semaphore, #tpu.memory_space<semaphore_mem>>
      %dma_start3A = arith.constant 0 : i32
      %dma_start3A_139 = tpu.memref_slice %arg7[%arg0, %add3A_73, %dma_start3A] : memref<2x10240x128xf32, #tpu.memory_space<hbm>> -> memref<1x64x128xf32, #tpu.memory_space<hbm>>
      %dma_start3A_140 = tpu.memref_squeeze %dma_start3A_139 : memref<1x64x128xf32, #tpu.memory_space<hbm>> -> memref<64x128xf32, #tpu.memory_space<hbm>>
      %dma_start3A_141 = arith.constant 0 : i32
      %dma_start3A_142 = tpu.memref_slice %arg16[%add3A_69, %dma_start3A_141] : memref<10240x128xf32, #tpu.memory_space<vmem_shared>> -> memref<64x128xf32, #tpu.memory_space<vmem_shared>>
      tpu.enqueue_dma source(%dma_start3A_142 : memref<64x128xf32, #tpu.memory_space<vmem_shared>>) target(%dma_start3A_140 : memref<64x128xf32, #tpu.memory_space<hbm>>) target_semaphore(%run_scoped3A_138 : memref<!tpu.dma_semaphore, #tpu.memory_space<semaphore_mem>>)
      %dma_wait3A = arith.constant 0 : i32
      %dma_wait3A_143 = tpu.memref_slice %arg7[%arg0, %add3A_73, %dma_wait3A] : memref<2x10240x128xf32, #tpu.memory_space<hbm>> -> memref<1x64x128xf32, #tpu.memory_space<hbm>>
      %dma_wait3A_144 = tpu.memref_squeeze %dma_wait3A_143 : memref<1x64x128xf32, #tpu.memory_space<hbm>> -> memref<64x128xf32, #tpu.memory_space<hbm>>
      %dma_wait3A_145 = arith.constant 0 : i32
      %dma_wait3A_146 = tpu.memref_slice %arg16[%add3A_69, %dma_wait3A_145] : memref<10240x128xf32, #tpu.memory_space<vmem_shared>> -> memref<64x128xf32, #tpu.memory_space<vmem_shared>>
      tpu.wait_dma2 semaphore(%run_scoped3A_138 : memref<!tpu.dma_semaphore, #tpu.memory_space<semaphore_mem>>) src(%dma_wait3A_146 : memref<64x128xf32, #tpu.memory_space<vmem_shared>>) dst(%dma_wait3A_144 : memref<64x128xf32, #tpu.memory_space<hbm>>)
      tpu.yield
    }) : () -> ()
    %mul3A_74 = arith.constant 640 : i32
    %mul3A_75 = arith.muli %arg1, %mul3A_74 : i32
    %add3A_76 = arith.constant 128 : i32
    %add3A_77 = arith.addi %mul3A_75, %add3A_76 : i32
    %mul3A_78 = arith.constant 640 : i32
    %mul3A_79 = arith.muli %arg1, %mul3A_78 : i32
    %add3A_80 = arith.constant 128 : i32
    %add3A_81 = arith.addi %mul3A_79, %add3A_80 : i32
    "tpu.region"() ({
      %run_scoped3A_138 = tpu.sem_alloc : memref<!tpu.dma_semaphore, #tpu.memory_space<semaphore_mem>>
      %dma_start3A = arith.constant 0 : i32
      %dma_start3A_139 = tpu.memref_slice %arg7[%arg0, %add3A_81, %dma_start3A] : memref<2x10240x128xf32, #tpu.memory_space<hbm>> -> memref<1x64x128xf32, #tpu.memory_space<hbm>>
      %dma_start3A_140 = tpu.memref_squeeze %dma_start3A_139 : memref<1x64x128xf32, #tpu.memory_space<hbm>> -> memref<64x128xf32, #tpu.memory_space<hbm>>
      %dma_start3A_141 = arith.constant 0 : i32
      %dma_start3A_142 = tpu.memref_slice %arg16[%add3A_77, %dma_start3A_141] : memref<10240x128xf32, #tpu.memory_space<vmem_shared>> -> memref<64x128xf32, #tpu.memory_space<vmem_shared>>
      tpu.enqueue_dma source(%dma_start3A_142 : memref<64x128xf32, #tpu.memory_space<vmem_shared>>) target(%dma_start3A_140 : memref<64x128xf32, #tpu.memory_space<hbm>>) target_semaphore(%run_scoped3A_138 : memref<!tpu.dma_semaphore, #tpu.memory_space<semaphore_mem>>)
      %dma_wait3A = arith.constant 0 : i32
      %dma_wait3A_143 = tpu.memref_slice %arg7[%arg0, %add3A_81, %dma_wait3A] : memref<2x10240x128xf32, #tpu.memory_space<hbm>> -> memref<1x64x128xf32, #tpu.memory_space<hbm>>
      %dma_wait3A_144 = tpu.memref_squeeze %dma_wait3A_143 : memref<1x64x128xf32, #tpu.memory_space<hbm>> -> memref<64x128xf32, #tpu.memory_space<hbm>>
      %dma_wait3A_145 = arith.constant 0 : i32
      %dma_wait3A_146 = tpu.memref_slice %arg16[%add3A_77, %dma_wait3A_145] : memref<10240x128xf32, #tpu.memory_space<vmem_shared>> -> memref<64x128xf32, #tpu.memory_space<vmem_shared>>
      tpu.wait_dma2 semaphore(%run_scoped3A_138 : memref<!tpu.dma_semaphore, #tpu.memory_space<semaphore_mem>>) src(%dma_wait3A_146 : memref<64x128xf32, #tpu.memory_space<vmem_shared>>) dst(%dma_wait3A_144 : memref<64x128xf32, #tpu.memory_space<hbm>>)
      tpu.yield
    }) : () -> ()
    %mul3A_82 = arith.constant 640 : i32
    %mul3A_83 = arith.muli %arg1, %mul3A_82 : i32
    %add3A_84 = arith.constant 192 : i32
    %add3A_85 = arith.addi %mul3A_83, %add3A_84 : i32
    %mul3A_86 = arith.constant 640 : i32
    %mul3A_87 = arith.muli %arg1, %mul3A_86 : i32
    %add3A_88 = arith.constant 192 : i32
    %add3A_89 = arith.addi %mul3A_87, %add3A_88 : i32
    "tpu.region"() ({
      %run_scoped3A_138 = tpu.sem_alloc : memref<!tpu.dma_semaphore, #tpu.memory_space<semaphore_mem>>
      %dma_start3A = arith.constant 0 : i32
      %dma_start3A_139 = tpu.memref_slice %arg7[%arg0, %add3A_89, %dma_start3A] : memref<2x10240x128xf32, #tpu.memory_space<hbm>> -> memref<1x64x128xf32, #tpu.memory_space<hbm>>
      %dma_start3A_140 = tpu.memref_squeeze %dma_start3A_139 : memref<1x64x128xf32, #tpu.memory_space<hbm>> -> memref<64x128xf32, #tpu.memory_space<hbm>>
      %dma_start3A_141 = arith.constant 0 : i32
      %dma_start3A_142 = tpu.memref_slice %arg16[%add3A_85, %dma_start3A_141] : memref<10240x128xf32, #tpu.memory_space<vmem_shared>> -> memref<64x128xf32, #tpu.memory_space<vmem_shared>>
      tpu.enqueue_dma source(%dma_start3A_142 : memref<64x128xf32, #tpu.memory_space<vmem_shared>>) target(%dma_start3A_140 : memref<64x128xf32, #tpu.memory_space<hbm>>) target_semaphore(%run_scoped3A_138 : memref<!tpu.dma_semaphore, #tpu.memory_space<semaphore_mem>>)
      %dma_wait3A = arith.constant 0 : i32
      %dma_wait3A_143 = tpu.memref_slice %arg7[%arg0, %add3A_89, %dma_wait3A] : memref<2x10240x128xf32, #tpu.memory_space<hbm>> -> memref<1x64x128xf32, #tpu.memory_space<hbm>>
      %dma_wait3A_144 = tpu.memref_squeeze %dma_wait3A_143 : memref<1x64x128xf32, #tpu.memory_space<hbm>> -> memref<64x128xf32, #tpu.memory_space<hbm>>
      %dma_wait3A_145 = arith.constant 0 : i32
      %dma_wait3A_146 = tpu.memref_slice %arg16[%add3A_85, %dma_wait3A_145] : memref<10240x128xf32, #tpu.memory_space<vmem_shared>> -> memref<64x128xf32, #tpu.memory_space<vmem_shared>>
      tpu.wait_dma2 semaphore(%run_scoped3A_138 : memref<!tpu.dma_semaphore, #tpu.memory_space<semaphore_mem>>) src(%dma_wait3A_146 : memref<64x128xf32, #tpu.memory_space<vmem_shared>>) dst(%dma_wait3A_144 : memref<64x128xf32, #tpu.memory_space<hbm>>)
      tpu.yield
    }) : () -> ()
    %mul3A_90 = arith.constant 640 : i32
    %mul3A_91 = arith.muli %arg1, %mul3A_90 : i32
    %add3A_92 = arith.constant 256 : i32
    %add3A_93 = arith.addi %mul3A_91, %add3A_92 : i32
    %mul3A_94 = arith.constant 640 : i32
    %mul3A_95 = arith.muli %arg1, %mul3A_94 : i32
    %add3A_96 = arith.constant 256 : i32
    %add3A_97 = arith.addi %mul3A_95, %add3A_96 : i32
    "tpu.region"() ({
      %run_scoped3A_138 = tpu.sem_alloc : memref<!tpu.dma_semaphore, #tpu.memory_space<semaphore_mem>>
      %dma_start3A = arith.constant 0 : i32
      %dma_start3A_139 = tpu.memref_slice %arg7[%arg0, %add3A_97, %dma_start3A] : memref<2x10240x128xf32, #tpu.memory_space<hbm>> -> memref<1x64x128xf32, #tpu.memory_space<hbm>>
      %dma_start3A_140 = tpu.memref_squeeze %dma_start3A_139 : memref<1x64x128xf32, #tpu.memory_space<hbm>> -> memref<64x128xf32, #tpu.memory_space<hbm>>
      %dma_start3A_141 = arith.constant 0 : i32
      %dma_start3A_142 = tpu.memref_slice %arg16[%add3A_93, %dma_start3A_141] : memref<10240x128xf32, #tpu.memory_space<vmem_shared>> -> memref<64x128xf32, #tpu.memory_space<vmem_shared>>
      tpu.enqueue_dma source(%dma_start3A_142 : memref<64x128xf32, #tpu.memory_space<vmem_shared>>) target(%dma_start3A_140 : memref<64x128xf32, #tpu.memory_space<hbm>>) target_semaphore(%run_scoped3A_138 : memref<!tpu.dma_semaphore, #tpu.memory_space<semaphore_mem>>)
      %dma_wait3A = arith.constant 0 : i32
      %dma_wait3A_143 = tpu.memref_slice %arg7[%arg0, %add3A_97, %dma_wait3A] : memref<2x10240x128xf32, #tpu.memory_space<hbm>> -> memref<1x64x128xf32, #tpu.memory_space<hbm>>
      %dma_wait3A_144 = tpu.memref_squeeze %dma_wait3A_143 : memref<1x64x128xf32, #tpu.memory_space<hbm>> -> memref<64x128xf32, #tpu.memory_space<hbm>>
      %dma_wait3A_145 = arith.constant 0 : i32
      %dma_wait3A_146 = tpu.memref_slice %arg16[%add3A_93, %dma_wait3A_145] : memref<10240x128xf32, #tpu.memory_space<vmem_shared>> -> memref<64x128xf32, #tpu.memory_space<vmem_shared>>
      tpu.wait_dma2 semaphore(%run_scoped3A_138 : memref<!tpu.dma_semaphore, #tpu.memory_space<semaphore_mem>>) src(%dma_wait3A_146 : memref<64x128xf32, #tpu.memory_space<vmem_shared>>) dst(%dma_wait3A_144 : memref<64x128xf32, #tpu.memory_space<hbm>>)
      tpu.yield
    }) : () -> ()
    %mul3A_98 = arith.constant 640 : i32
    %mul3A_99 = arith.muli %arg1, %mul3A_98 : i32
    %add3A_100 = arith.constant 320 : i32
    %add3A_101 = arith.addi %mul3A_99, %add3A_100 : i32
    %mul3A_102 = arith.constant 640 : i32
    %mul3A_103 = arith.muli %arg1, %mul3A_102 : i32
    %add3A_104 = arith.constant 320 : i32
    %add3A_105 = arith.addi %mul3A_103, %add3A_104 : i32
    "tpu.region"() ({
      %run_scoped3A_138 = tpu.sem_alloc : memref<!tpu.dma_semaphore, #tpu.memory_space<semaphore_mem>>
      %dma_start3A = arith.constant 0 : i32
      %dma_start3A_139 = tpu.memref_slice %arg7[%arg0, %add3A_105, %dma_start3A] : memref<2x10240x128xf32, #tpu.memory_space<hbm>> -> memref<1x64x128xf32, #tpu.memory_space<hbm>>
      %dma_start3A_140 = tpu.memref_squeeze %dma_start3A_139 : memref<1x64x128xf32, #tpu.memory_space<hbm>> -> memref<64x128xf32, #tpu.memory_space<hbm>>
      %dma_start3A_141 = arith.constant 0 : i32
      %dma_start3A_142 = tpu.memref_slice %arg16[%add3A_101, %dma_start3A_141] : memref<10240x128xf32, #tpu.memory_space<vmem_shared>> -> memref<64x128xf32, #tpu.memory_space<vmem_shared>>
      tpu.enqueue_dma source(%dma_start3A_142 : memref<64x128xf32, #tpu.memory_space<vmem_shared>>) target(%dma_start3A_140 : memref<64x128xf32, #tpu.memory_space<hbm>>) target_semaphore(%run_scoped3A_138 : memref<!tpu.dma_semaphore, #tpu.memory_space<semaphore_mem>>)
      %dma_wait3A = arith.constant 0 : i32
      %dma_wait3A_143 = tpu.memref_slice %arg7[%arg0, %add3A_105, %dma_wait3A] : memref<2x10240x128xf32, #tpu.memory_space<hbm>> -> memref<1x64x128xf32, #tpu.memory_space<hbm>>
      %dma_wait3A_144 = tpu.memref_squeeze %dma_wait3A_143 : memref<1x64x128xf32, #tpu.memory_space<hbm>> -> memref<64x128xf32, #tpu.memory_space<hbm>>
      %dma_wait3A_145 = arith.constant 0 : i32
      %dma_wait3A_146 = tpu.memref_slice %arg16[%add3A_101, %dma_wait3A_145] : memref<10240x128xf32, #tpu.memory_space<vmem_shared>> -> memref<64x128xf32, #tpu.memory_space<vmem_shared>>
      tpu.wait_dma2 semaphore(%run_scoped3A_138 : memref<!tpu.dma_semaphore, #tpu.memory_space<semaphore_mem>>) src(%dma_wait3A_146 : memref<64x128xf32, #tpu.memory_space<vmem_shared>>) dst(%dma_wait3A_144 : memref<64x128xf32, #tpu.memory_space<hbm>>)
      tpu.yield
    }) : () -> ()
    %mul3A_106 = arith.constant 640 : i32
    %mul3A_107 = arith.muli %arg1, %mul3A_106 : i32
    %add3A_108 = arith.constant 384 : i32
    %add3A_109 = arith.addi %mul3A_107, %add3A_108 : i32
    %mul3A_110 = arith.constant 640 : i32
    %mul3A_111 = arith.muli %arg1, %mul3A_110 : i32
    %add3A_112 = arith.constant 384 : i32
    %add3A_113 = arith.addi %mul3A_111, %add3A_112 : i32
    "tpu.region"() ({
      %run_scoped3A_138 = tpu.sem_alloc : memref<!tpu.dma_semaphore, #tpu.memory_space<semaphore_mem>>
      %dma_start3A = arith.constant 0 : i32
      %dma_start3A_139 = tpu.memref_slice %arg7[%arg0, %add3A_113, %dma_start3A] : memref<2x10240x128xf32, #tpu.memory_space<hbm>> -> memref<1x64x128xf32, #tpu.memory_space<hbm>>
      %dma_start3A_140 = tpu.memref_squeeze %dma_start3A_139 : memref<1x64x128xf32, #tpu.memory_space<hbm>> -> memref<64x128xf32, #tpu.memory_space<hbm>>
      %dma_start3A_141 = arith.constant 0 : i32
      %dma_start3A_142 = tpu.memref_slice %arg16[%add3A_109, %dma_start3A_141] : memref<10240x128xf32, #tpu.memory_space<vmem_shared>> -> memref<64x128xf32, #tpu.memory_space<vmem_shared>>
      tpu.enqueue_dma source(%dma_start3A_142 : memref<64x128xf32, #tpu.memory_space<vmem_shared>>) target(%dma_start3A_140 : memref<64x128xf32, #tpu.memory_space<hbm>>) target_semaphore(%run_scoped3A_138 : memref<!tpu.dma_semaphore, #tpu.memory_space<semaphore_mem>>)
      %dma_wait3A = arith.constant 0 : i32
      %dma_wait3A_143 = tpu.memref_slice %arg7[%arg0, %add3A_113, %dma_wait3A] : memref<2x10240x128xf32, #tpu.memory_space<hbm>> -> memref<1x64x128xf32, #tpu.memory_space<hbm>>
      %dma_wait3A_144 = tpu.memref_squeeze %dma_wait3A_143 : memref<1x64x128xf32, #tpu.memory_space<hbm>> -> memref<64x128xf32, #tpu.memory_space<hbm>>
      %dma_wait3A_145 = arith.constant 0 : i32
      %dma_wait3A_146 = tpu.memref_slice %arg16[%add3A_109, %dma_wait3A_145] : memref<10240x128xf32, #tpu.memory_space<vmem_shared>> -> memref<64x128xf32, #tpu.memory_space<vmem_shared>>
      tpu.wait_dma2 semaphore(%run_scoped3A_138 : memref<!tpu.dma_semaphore, #tpu.memory_space<semaphore_mem>>) src(%dma_wait3A_146 : memref<64x128xf32, #tpu.memory_space<vmem_shared>>) dst(%dma_wait3A_144 : memref<64x128xf32, #tpu.memory_space<hbm>>)
      tpu.yield
    }) : () -> ()
    %mul3A_114 = arith.constant 640 : i32
    %mul3A_115 = arith.muli %arg1, %mul3A_114 : i32
    %add3A_116 = arith.constant 448 : i32
    %add3A_117 = arith.addi %mul3A_115, %add3A_116 : i32
    %mul3A_118 = arith.constant 640 : i32
    %mul3A_119 = arith.muli %arg1, %mul3A_118 : i32
    %add3A_120 = arith.constant 448 : i32
    %add3A_121 = arith.addi %mul3A_119, %add3A_120 : i32
    "tpu.region"() ({
      %run_scoped3A_138 = tpu.sem_alloc : memref<!tpu.dma_semaphore, #tpu.memory_space<semaphore_mem>>
      %dma_start3A = arith.constant 0 : i32
      %dma_start3A_139 = tpu.memref_slice %arg7[%arg0, %add3A_121, %dma_start3A] : memref<2x10240x128xf32, #tpu.memory_space<hbm>> -> memref<1x64x128xf32, #tpu.memory_space<hbm>>
      %dma_start3A_140 = tpu.memref_squeeze %dma_start3A_139 : memref<1x64x128xf32, #tpu.memory_space<hbm>> -> memref<64x128xf32, #tpu.memory_space<hbm>>
      %dma_start3A_141 = arith.constant 0 : i32
      %dma_start3A_142 = tpu.memref_slice %arg16[%add3A_117, %dma_start3A_141] : memref<10240x128xf32, #tpu.memory_space<vmem_shared>> -> memref<64x128xf32, #tpu.memory_space<vmem_shared>>
      tpu.enqueue_dma source(%dma_start3A_142 : memref<64x128xf32, #tpu.memory_space<vmem_shared>>) target(%dma_start3A_140 : memref<64x128xf32, #tpu.memory_space<hbm>>) target_semaphore(%run_scoped3A_138 : memref<!tpu.dma_semaphore, #tpu.memory_space<semaphore_mem>>)
      %dma_wait3A = arith.constant 0 : i32
      %dma_wait3A_143 = tpu.memref_slice %arg7[%arg0, %add3A_121, %dma_wait3A] : memref<2x10240x128xf32, #tpu.memory_space<hbm>> -> memref<1x64x128xf32, #tpu.memory_space<hbm>>
      %dma_wait3A_144 = tpu.memref_squeeze %dma_wait3A_143 : memref<1x64x128xf32, #tpu.memory_space<hbm>> -> memref<64x128xf32, #tpu.memory_space<hbm>>
      %dma_wait3A_145 = arith.constant 0 : i32
      %dma_wait3A_146 = tpu.memref_slice %arg16[%add3A_117, %dma_wait3A_145] : memref<10240x128xf32, #tpu.memory_space<vmem_shared>> -> memref<64x128xf32, #tpu.memory_space<vmem_shared>>
      tpu.wait_dma2 semaphore(%run_scoped3A_138 : memref<!tpu.dma_semaphore, #tpu.memory_space<semaphore_mem>>) src(%dma_wait3A_146 : memref<64x128xf32, #tpu.memory_space<vmem_shared>>) dst(%dma_wait3A_144 : memref<64x128xf32, #tpu.memory_space<hbm>>)
      tpu.yield
    }) : () -> ()
    %mul3A_122 = arith.constant 640 : i32
    %mul3A_123 = arith.muli %arg1, %mul3A_122 : i32
    %add3A_124 = arith.constant 512 : i32
    %add3A_125 = arith.addi %mul3A_123, %add3A_124 : i32
    %mul3A_126 = arith.constant 640 : i32
    %mul3A_127 = arith.muli %arg1, %mul3A_126 : i32
    %add3A_128 = arith.constant 512 : i32
    %add3A_129 = arith.addi %mul3A_127, %add3A_128 : i32
    "tpu.region"() ({
      %run_scoped3A_138 = tpu.sem_alloc : memref<!tpu.dma_semaphore, #tpu.memory_space<semaphore_mem>>
      %dma_start3A = arith.constant 0 : i32
      %dma_start3A_139 = tpu.memref_slice %arg7[%arg0, %add3A_129, %dma_start3A] : memref<2x10240x128xf32, #tpu.memory_space<hbm>> -> memref<1x64x128xf32, #tpu.memory_space<hbm>>
      %dma_start3A_140 = tpu.memref_squeeze %dma_start3A_139 : memref<1x64x128xf32, #tpu.memory_space<hbm>> -> memref<64x128xf32, #tpu.memory_space<hbm>>
      %dma_start3A_141 = arith.constant 0 : i32
      %dma_start3A_142 = tpu.memref_slice %arg16[%add3A_125, %dma_start3A_141] : memref<10240x128xf32, #tpu.memory_space<vmem_shared>> -> memref<64x128xf32, #tpu.memory_space<vmem_shared>>
      tpu.enqueue_dma source(%dma_start3A_142 : memref<64x128xf32, #tpu.memory_space<vmem_shared>>) target(%dma_start3A_140 : memref<64x128xf32, #tpu.memory_space<hbm>>) target_semaphore(%run_scoped3A_138 : memref<!tpu.dma_semaphore, #tpu.memory_space<semaphore_mem>>)
      %dma_wait3A = arith.constant 0 : i32
      %dma_wait3A_143 = tpu.memref_slice %arg7[%arg0, %add3A_129, %dma_wait3A] : memref<2x10240x128xf32, #tpu.memory_space<hbm>> -> memref<1x64x128xf32, #tpu.memory_space<hbm>>
      %dma_wait3A_144 = tpu.memref_squeeze %dma_wait3A_143 : memref<1x64x128xf32, #tpu.memory_space<hbm>> -> memref<64x128xf32, #tpu.memory_space<hbm>>
      %dma_wait3A_145 = arith.constant 0 : i32
      %dma_wait3A_146 = tpu.memref_slice %arg16[%add3A_125, %dma_wait3A_145] : memref<10240x128xf32, #tpu.memory_space<vmem_shared>> -> memref<64x128xf32, #tpu.memory_space<vmem_shared>>
      tpu.wait_dma2 semaphore(%run_scoped3A_138 : memref<!tpu.dma_semaphore, #tpu.memory_space<semaphore_mem>>) src(%dma_wait3A_146 : memref<64x128xf32, #tpu.memory_space<vmem_shared>>) dst(%dma_wait3A_144 : memref<64x128xf32, #tpu.memory_space<hbm>>)
      tpu.yield
    }) : () -> ()
    %mul3A_130 = arith.constant 640 : i32
    %mul3A_131 = arith.muli %arg1, %mul3A_130 : i32
    %add3A_132 = arith.constant 576 : i32
    %add3A_133 = arith.addi %mul3A_131, %add3A_132 : i32
    %mul3A_134 = arith.constant 640 : i32
    %mul3A_135 = arith.muli %arg1, %mul3A_134 : i32
    %add3A_136 = arith.constant 576 : i32
    %add3A_137 = arith.addi %mul3A_135, %add3A_136 : i32
    "tpu.region"() ({
      %run_scoped3A_138 = tpu.sem_alloc : memref<!tpu.dma_semaphore, #tpu.memory_space<semaphore_mem>>
      %dma_start3A = arith.constant 0 : i32
      %dma_start3A_139 = tpu.memref_slice %arg7[%arg0, %add3A_137, %dma_start3A] : memref<2x10240x128xf32, #tpu.memory_space<hbm>> -> memref<1x64x128xf32, #tpu.memory_space<hbm>>
      %dma_start3A_140 = tpu.memref_squeeze %dma_start3A_139 : memref<1x64x128xf32, #tpu.memory_space<hbm>> -> memref<64x128xf32, #tpu.memory_space<hbm>>
      %dma_start3A_141 = arith.constant 0 : i32
      %dma_start3A_142 = tpu.memref_slice %arg16[%add3A_133, %dma_start3A_141] : memref<10240x128xf32, #tpu.memory_space<vmem_shared>> -> memref<64x128xf32, #tpu.memory_space<vmem_shared>>
      tpu.enqueue_dma source(%dma_start3A_142 : memref<64x128xf32, #tpu.memory_space<vmem_shared>>) target(%dma_start3A_140 : memref<64x128xf32, #tpu.memory_space<hbm>>) target_semaphore(%run_scoped3A_138 : memref<!tpu.dma_semaphore, #tpu.memory_space<semaphore_mem>>)
      %dma_wait3A = arith.constant 0 : i32
      %dma_wait3A_143 = tpu.memref_slice %arg7[%arg0, %add3A_137, %dma_wait3A] : memref<2x10240x128xf32, #tpu.memory_space<hbm>> -> memref<1x64x128xf32, #tpu.memory_space<hbm>>
      %dma_wait3A_144 = tpu.memref_squeeze %dma_wait3A_143 : memref<1x64x128xf32, #tpu.memory_space<hbm>> -> memref<64x128xf32, #tpu.memory_space<hbm>>
      %dma_wait3A_145 = arith.constant 0 : i32
      %dma_wait3A_146 = tpu.memref_slice %arg16[%add3A_133, %dma_wait3A_145] : memref<10240x128xf32, #tpu.memory_space<vmem_shared>> -> memref<64x128xf32, #tpu.memory_space<vmem_shared>>
      tpu.wait_dma2 semaphore(%run_scoped3A_138 : memref<!tpu.dma_semaphore, #tpu.memory_space<semaphore_mem>>) src(%dma_wait3A_146 : memref<64x128xf32, #tpu.memory_space<vmem_shared>>) dst(%dma_wait3A_144 : memref<64x128xf32, #tpu.memory_space<hbm>>)
      tpu.yield
    }) : () -> ()
    return
  }
}

module attributes {stable_mosaic.version = 14 : i64} {
  func.func @_tc_pre_body(%arg0: i32, %arg1: i32, %arg2: memref<2048x128xf32, #tpu.memory_space<vmem>>, %arg3: memref<128x128xf32, #tpu.memory_space<vmem>>, %arg4: memref<1x128x2xf32, #tpu.memory_space<vmem>>, %arg5: memref<1x2048x128xf32, #tpu.memory_space<vmem>>, %arg6: memref<1x2x2048xf32, #tpu.memory_space<vmem>>) attributes {dimension_semantics = [#tpu.dimension_semantics<arbitrary>, #tpu.dimension_semantics<arbitrary>], iteration_bounds = array<i64: 5, 3>, scalar_prefetch = 0 : i64, scratch_operands = 0 : i64, tpu.core_type = #tpu.core_type<tc>, window_params = [{transform_indices = @transform_0, window_bounds = array<i64: 2048, 128>}, {transform_indices = @transform_1, window_bounds = array<i64: 128, 128>}, {transform_indices = @transform_2, window_bounds = array<i64: 1, 128, 2>}, {transform_indices = @transform_3, window_bounds = array<i64: 1, 2048, 128>}, {transform_indices = @transform_4, window_bounds = array<i64: 1, 2, 2048>}]} {
    %get3A = arith.constant 0 : index
    %get3A_0 = arith.constant 0 : index
    %get3A_1 = vector.load %arg2[%get3A, %get3A_0] : memref<2048x128xf32, #tpu.memory_space<vmem>>, vector<2048x128xf32>
    %get3A_2 = arith.constant 0 : index
    %get3A_3 = arith.constant 0 : index
    %get3A_4 = vector.load %arg3[%get3A_2, %get3A_3] : memref<128x128xf32, #tpu.memory_space<vmem>>, vector<128x128xf32>
    %dot_general3A = arith.constant dense<0.000000e+00> : vector<2048x128xf32>
    %dot_general3A_5 = tpu.matmul %get3A_1, %get3A_4, %dot_general3A {dimension_numbers = #tpu.dot_dimension_numbers<[1], [0], [0], [1], [0, 0, 1, 1], [], []>, transpose_lhs_hint = false} : vector<2048x128xf32>, vector<128x128xf32>, vector<2048x128xf32> -> vector<2048x128xf32>
    %swap3A = arith.constant 0 : index
    %swap3A_6 = arith.constant 0 : index
    %swap3A_7 = arith.constant 0 : index
    %swap3A_8 = vector.load %arg5[%swap3A, %swap3A_6, %swap3A_7] : memref<1x2048x128xf32, #tpu.memory_space<vmem>>, vector<1x2048x128xf32>
    %swap3A_9 = vector.shape_cast %swap3A_8 : vector<1x2048x128xf32> to vector<2048x128xf32>
    %swap3A_10 = vector.shape_cast %dot_general3A_5 : vector<2048x128xf32> to vector<1x2048x128xf32>
    tpu.vector_store %arg5[%swap3A, %swap3A_6, %swap3A_7], %swap3A_10 {strides = array<i32>} : memref<1x2048x128xf32, #tpu.memory_space<vmem>>, vector<1x2048x128xf32>,
    %get3A_11 = arith.constant 0 : index
    %get3A_12 = arith.constant 0 : index
    %get3A_13 = arith.constant 0 : index
    %get3A_14 = vector.load %arg4[%get3A_11, %get3A_12, %get3A_13] : memref<1x128x2xf32, #tpu.memory_space<vmem>>, vector<1x128x2xf32>
    %get3A_15 = vector.shape_cast %get3A_14 : vector<1x128x2xf32> to vector<128x2xf32>
    %dot_general3A_16 = arith.constant dense<0.000000e+00> : vector<2x2048xf32>
    %dot_general3A_17 = tpu.matmul %get3A_15, %dot_general3A_5, %dot_general3A_16 {dimension_numbers = #tpu.dot_dimension_numbers<[0], [1], [1], [0], [0, 1, 1, 0], [], []>, transpose_lhs_hint = false} : vector<128x2xf32>, vector<2048x128xf32>, vector<2x2048xf32> -> vector<2x2048xf32>
    %swap3A_18 = arith.constant 0 : index
    %swap3A_19 = arith.constant 0 : index
    %swap3A_20 = arith.constant 0 : index
    %swap3A_21 = vector.load %arg6[%swap3A_18, %swap3A_19, %swap3A_20] : memref<1x2x2048xf32, #tpu.memory_space<vmem>>, vector<1x2x2048xf32>
    %swap3A_22 = vector.shape_cast %swap3A_21 : vector<1x2x2048xf32> to vector<2x2048xf32>
    %swap3A_23 = vector.shape_cast %dot_general3A_17 : vector<2x2048xf32> to vector<1x2x2048xf32>
    tpu.vector_store %arg6[%swap3A_18, %swap3A_19, %swap3A_20], %swap3A_23 {strides = array<i32>} : memref<1x2x2048xf32, #tpu.memory_space<vmem>>, vector<1x2x2048xf32>,
    return
  }
  func.func @transform_0(%arg0: i32, %arg1: i32) -> (i32, i32) {
    %c0_i32 = arith.constant 0 : i32
    %c0_i32_0 = arith.constant 0 : i32
    return %arg0, %c0_i32 : i32, i32
  }
  func.func @transform_1(%arg0: i32, %arg1: i32) -> (i32, i32) {
    %c0_i32 = arith.constant 0 : i32
    %c0_i32_0 = arith.constant 0 : i32
    return %c0_i32, %arg1 : i32, i32
  }
  func.func @transform_2(%arg0: i32, %arg1: i32) -> (i32, i32, i32) {
    %c0_i32 = arith.constant 0 : i32
    %c0_i32_0 = arith.constant 0 : i32
    %c0_i32_1 = arith.constant 0 : i32
    return %arg1, %c0_i32, %c0_i32_0 : i32, i32, i32
  }
  func.func @transform_3(%arg0: i32, %arg1: i32) -> (i32, i32, i32) {
    %c0_i32 = arith.constant 0 : i32
    %c0_i32_0 = arith.constant 0 : i32
    return %arg1, %arg0, %c0_i32 : i32, i32, i32
  }
  func.func @transform_4(%arg0: i32, %arg1: i32) -> (i32, i32, i32) {
    %c0_i32 = arith.constant 0 : i32
    %c0_i32_0 = arith.constant 0 : i32
    return %arg1, %c0_i32, %arg0 : i32, i32, i32
  }
}

module attributes {stable_mosaic.version = 14 : i64} {
  func.func @_combine_body(%arg0: i32, %arg1: memref<2x2048x128xf32, #tpu.memory_space<vmem>>, %arg2: memref<2x16x2048xf32, #tpu.memory_space<vmem>>, %arg3: memref<1x2048x128xf32, #tpu.memory_space<vmem>>, %arg4: memref<2048x128xf32, #tpu.memory_space<vmem>>) attributes {dimension_semantics = [#tpu.dimension_semantics<arbitrary>], iteration_bounds = array<i64: 5>, scalar_prefetch = 0 : i64, scratch_operands = 0 : i64, tpu.core_type = #tpu.core_type<tc>, window_params = [{transform_indices = @transform_0, window_bounds = array<i64: 2, 2048, 128>}, {transform_indices = @transform_1, window_bounds = array<i64: 2, 16, 2048>}, {transform_indices = @transform_2, window_bounds = array<i64: 1, 2048, 128>}, {transform_indices = @transform_3, window_bounds = array<i64: 2048, 128>}]} {
    %get3A = arith.constant 0 : index
    %get3A_0 = arith.constant 0 : index
    %get3A_1 = arith.constant 0 : index
    %get3A_2 = vector.load %arg2[%get3A, %get3A_0, %get3A_1] : memref<2x16x2048xf32, #tpu.memory_space<vmem>>, vector<1x16x2048xf32>
    %get3A_3 = vector.shape_cast %get3A_2 : vector<1x16x2048xf32> to vector<16x2048xf32>
    %reduce_sum3A = arith.constant dense<0.000000e+00> : vector<2048xf32>
    %reduce_sum3A_4 = vector.multi_reduction <add>, %get3A_3, %reduce_sum3A [0] : vector<16x2048xf32> to vector<2048xf32>
    %broadcast_in_dim3A = vector.shape_cast %reduce_sum3A_4 : vector<2048xf32> to vector<2048x1xf32>
    %add3A = arith.constant 1.000000e-16 : f32
    %add3A_5 = vector.broadcast %add3A : f32 to vector<2048x1xf32>
    %add3A_6 = arith.addf %broadcast_in_dim3A, %add3A_5 : vector<2048x1xf32>
    %get3A_7 = arith.constant 1 : index
    %get3A_8 = arith.constant 0 : index
    %get3A_9 = arith.constant 0 : index
    %get3A_10 = vector.load %arg2[%get3A_7, %get3A_8, %get3A_9] : memref<2x16x2048xf32, #tpu.memory_space<vmem>>, vector<1x16x2048xf32>
    %get3A_11 = vector.shape_cast %get3A_10 : vector<1x16x2048xf32> to vector<16x2048xf32>
    %reduce_sum3A_12 = arith.constant dense<0.000000e+00> : vector<2048xf32>
    %reduce_sum3A_13 = vector.multi_reduction <add>, %get3A_11, %reduce_sum3A_12 [0] : vector<16x2048xf32> to vector<2048xf32>
    %broadcast_in_dim3A_14 = vector.shape_cast %reduce_sum3A_13 : vector<2048xf32> to vector<2048x1xf32>
    %add3A_15 = arith.constant 1.000000e-16 : f32
    %add3A_16 = vector.broadcast %add3A_15 : f32 to vector<2048x1xf32>
    %add3A_17 = arith.addf %broadcast_in_dim3A_14, %add3A_16 : vector<2048x1xf32>
    %get3A_18 = arith.constant 0 : index
    %get3A_19 = arith.constant 0 : index
    %get3A_20 = arith.constant 0 : index
    %get3A_21 = vector.load %arg1[%get3A_18, %get3A_19, %get3A_20] : memref<2x2048x128xf32, #tpu.memory_space<vmem>>, vector<1x2048x128xf32>
    %get3A_22 = vector.shape_cast %get3A_21 : vector<1x2048x128xf32> to vector<2048x128xf32>
    %div3A = vector.broadcast %add3A_6 : vector<2048x1xf32> to vector<2048x128xf32>
    %div3A_23 = arith.divf %get3A_22, %div3A : vector<2048x128xf32>
    %get3A_24 = arith.constant 1 : index
    %get3A_25 = arith.constant 0 : index
    %get3A_26 = arith.constant 0 : index
    %get3A_27 = vector.load %arg1[%get3A_24, %get3A_25, %get3A_26] : memref<2x2048x128xf32, #tpu.memory_space<vmem>>, vector<1x2048x128xf32>
    %get3A_28 = vector.shape_cast %get3A_27 : vector<1x2048x128xf32> to vector<2048x128xf32>
    %div3A_29 = vector.broadcast %add3A_17 : vector<2048x1xf32> to vector<2048x128xf32>
    %div3A_30 = arith.divf %get3A_28, %div3A_29 : vector<2048x128xf32>
    %add3A_31 = arith.addf %div3A_23, %div3A_30 : vector<2048x128xf32>
    %get3A_32 = arith.constant 0 : index
    %get3A_33 = arith.constant 0 : index
    %get3A_34 = arith.constant 0 : index
    %get3A_35 = vector.load %arg3[%get3A_32, %get3A_33, %get3A_34] : memref<1x2048x128xf32, #tpu.memory_space<vmem>>, vector<1x2048x128xf32>
    %get3A_36 = vector.shape_cast %get3A_35 : vector<1x2048x128xf32> to vector<2048x128xf32>
    %add3A_37 = arith.addf %add3A_31, %get3A_36 : vector<2048x128xf32>
    %max3A = arith.constant 0.000000e+00 : f32
    %max3A_38 = vector.broadcast %max3A : f32 to vector<2048x128xf32>
    %max3A_39 = arith.maximumf %add3A_37, %max3A_38 : vector<2048x128xf32>
    %swap3A = arith.constant 0 : index
    %swap3A_40 = arith.constant 0 : index
    %swap3A_41 = vector.load %arg4[%swap3A, %swap3A_40] : memref<2048x128xf32, #tpu.memory_space<vmem>>, vector<2048x128xf32>
    tpu.vector_store %arg4[%swap3A, %swap3A_40], %max3A_39 {strides = array<i32>} : memref<2048x128xf32, #tpu.memory_space<vmem>>, vector<2048x128xf32>,
    return
  }
  func.func @transform_0(%arg0: i32) -> (i32, i32, i32) {
    %c0_i32 = arith.constant 0 : i32
    %c0_i32_0 = arith.constant 0 : i32
    %c0_i32_1 = arith.constant 0 : i32
    return %c0_i32, %arg0, %c0_i32_0 : i32, i32, i32
  }
  func.func @transform_1(%arg0: i32) -> (i32, i32, i32) {
    %c0_i32 = arith.constant 0 : i32
    %c0_i32_0 = arith.constant 0 : i32
    %c0_i32_1 = arith.constant 0 : i32
    return %c0_i32, %c0_i32_0, %arg0 : i32, i32, i32
  }
  func.func @transform_2(%arg0: i32) -> (i32, i32, i32) {
    %c2_i32 = arith.constant 2 : i32
    %c0_i32 = arith.constant 0 : i32
    %c0_i32_0 = arith.constant 0 : i32
    return %c2_i32, %arg0, %c0_i32 : i32, i32, i32
  }
  func.func @transform_3(%arg0: i32) -> (i32, i32) {
    %c0_i32 = arith.constant 0 : i32
    %c0_i32_0 = arith.constant 0 : i32
    return %arg0, %c0_i32 : i32, i32
  }
}

</mosaic_0001>

<sc_bundles>
// kernel: kernel.5.cloned.1.call-start
scs
__scs_entry_jumppad:
0x0: {  	(pc) =	sbr.rel $0x88, $3  }
0x1: {  	(tag) =	ssettag $0x0;
	lr =	simm.s32 $0x1  }
0x2: {  	[smem:$0x3F97] =	sst lr;
	_ =	strace $0xD0000000  }
0x3: {  	_ = 	snop  }
0x4: {  	_ = 	snop  }
0x5: {  	_ = 	snop  }
0x6: {  	_ = 	snop  }
0x7: {  	_ = 	snop  }
__scs_overlays_trampoline_lowered:
0x8: {  	[smem:$0x3FA6] =	sst s0  }
0x9: {  	[smem:$0x3FA7] =	sst s1  }
0xa: {  	[smem:$0x3FA8] =	sst s2  }
0xb: {  	[smem:$0x3FA9] =	sst s3  }
0xc: {  	[smem:$0x3FAA] =	sst s4  }
0xd: {  	[smem:$0x3FAB] =	sst s5  }
0xe: {  	[smem:$0x3FAC] =	sst s6  }
0xf: {  	[smem:$0x3FAD] =	sst s7  }
0x10: {  	[smem:$0x3FAE] =	sst s8  }
0x11: {  	[smem:$0x3FAF] =	sst s9;
	s0 =	simm.s32 @!p0 $0x0  }
0x12: {  	s1 =	sld [smem:$0x3F95];
	s0 =	simm.s32 @p0 $0x1  }
0x13: {  	[smem:$0x3FB0] =	sst s0;
	s0 =	simm.s32 @!p1 $0x0  }
0x14: {  	s2 =	sld [smem:$0x3F94];
	s0 =	simm.s32 @p1 $0x1  }
0x15: {  	[smem:$0x3FB1] =	sst s0;
	s0 =	simm.s32 @!p2 $0x0  }
0x16: {  	s3 =	sld [smem:$0x3FDB];
	s0 =	simm.s32 @p2 $0x1  }
0x17: {  	s4 =	simm.s32 $0x1BF5;
	[smem:$0x3FB3] =	sst s0  }
0x18: {  	s0 =	sld [smem:$0x3F96];
	_ =	swait.ge [sflag:s4], $0x0  }
0x19: {  	s7 =	sld [smem:$0x3F97]  }
0x1a: {  	s8 =	sadd.s32 $0xFFFFE003, lr  }
0x1b: {  	s9 =	sadd.s32 $0xFFFFFEF7, lr;
	s5 =	simm.s32 $0xFFFFFFFF;
	p2 =	slt.u32 s8, $0xFFFFF086  }
0x1c: {  	p1 =	slt.u32 s9, $0xF7A;
	s5 =	simm.s32 @!p2 $0x0  }
0x1d: {  	s5 =	simm.s32 @p1 $0x1;
	p0 =	seq.s32 s7, s2  }
0x1e: {  	s7 =	smul.u32 @!p0 $0xF7A, s2;
	p2 =	seq.s32 @!p0 s5, $0x0  }
0x1f: {  	s9 =	smul.u32 $0xF7A, s1;
	s8 =	simm.s32 @!p0 $0x1BF5;
	p2 =	por !p2, p0  }
0x20: {  	[sflag:s8] =	ssyncset.s32 @!p0 $0xFFFFF086;
	s6 =	sadd.s32 @!p0 s3, s7;
	s7 =	simm.s32 @!p0 $0x108  }
0x21: {  	s3 =	sadd.s32 s3, s9;
	s6 =	sadd.s32 @!p0 $0x88, s6;
	s7 =	simm.s32 @p2 $0x1082  }
0x22: {  	[simem:s7], [sflag:s8] =	dma.local @!p0 [hbm:s6], $0xF7A  }
0x23: {  	s9 =	sor.u32 $0xD0000000, s2;
	s6 =	simm.s32 $0x108;
	_ =	swait.ge @!p0 [sflag:s8], $0x0  }
0x24: {  	s3 =	sadd.s32 $0x88, s3;
	s6 =	simm.s32 @!p1 $0x1082;
	[sflag:s4] =	ssyncset.s32 $0xFFFFF086  }
0x25: {  	[simem:s6], [sflag:s4] =	dma.local [hbm:s3], $0xF7A  }
0x26: {  	[smem:$0x3F97] =	sst s1;
	(tag) =	ssettag s2;
	_ =	strace s9  }
0x27: {  	s1 =	sld [smem:$0x3FA7]  }
0x28: {  	s2 =	sld [smem:$0x3FA8]  }
0x29: {  	s4 =	sld [smem:$0x3FAA]  }
0x2a: {  	p0 =	seq.s32 s5, $0x0;
	s5 =	sld [smem:$0x3FAB]  }
0x2b: {  	s6 =	sld [smem:$0x3FAC]  }
0x2c: {  	s7 =	sld [smem:$0x3FAD]  }
0x2d: {  	s3 =	simm.s32 $0x108;
	s8 =	sld [smem:$0x3FAE]  }
0x2e: {  	s3 =	simm.s32 @!p0 $0x1082;
	s9 =	sld [smem:$0x3FAF]  }
0x2f: {  	lr =	sadd.s32 s0, s3;
	s0 =	sld [smem:$0x3FA6]  }
0x30: {  	s3 =	sld [smem:$0x3FA9]  }
0x31: {  	[smem:$0x3FB2] =	sst s10  }
0x32: {  	s10 =	sld [smem:$0x3FB0];
	_ =	sdelay $0x3  }
0x33: {  	p0 =	seq.s32 s10, $0x1;
	s10 =	sld [smem:$0x3FB2];
	_ =	sdelay $0x3  }
0x34: {  	[smem:$0x3FB2] =	sst s10  }
0x35: {  	s10 =	sld [smem:$0x3FB1];
	_ =	sdelay $0x3  }
0x36: {  	p1 =	seq.s32 s10, $0x1;
	s10 =	sld [smem:$0x3FB2];
	_ =	sdelay $0x3  }
0x37: {  	[smem:$0x3FB2] =	sst s10  }
0x38: {  	s10 =	sld [smem:$0x3FB3]  }
0x39: {  	_ = 	snop;
	(pc) =	sbr.ind lr, $3  }
0x3a: {  	_ = 	snop  }
0x3b: {  	_ = 	snop  }
0x3c: {  	p2 =	seq.s32 s10, $0x1;
	s10 =	sld [smem:$0x3FB2]  }
0x3d: {  	_ =	shalt  }
0x3e: {  	_ =	shalt  }
0x3f: {  	_ =	shalt  }
0x40: {  	_ =	shalt  }
0x41: {  	_ =	shalt  }
0x42: {  	_ =	shalt  }
0x43: {  	_ =	shalt  }
0x44: {  	_ =	shalt  }
0x45: {  	_ =	shalt  }
0x46: {  	_ =	shalt  }
0x47: {  	_ =	shalt  }
0x48: {  	_ =	shalt  }
0x49: {  	_ =	shalt  }
0x4a: {  	_ =	shalt  }
0x4b: {  	_ =	shalt  }
0x4c: {  	_ =	shalt  }
0x4d: {  	_ =	shalt  }
0x4e: {  	_ =	shalt  }
0x4f: {  	_ =	shalt  }
0x50: {  	_ =	shalt  }
0x51: {  	_ =	shalt  }
0x52: {  	_ =	shalt  }
0x53: {  	_ =	shalt  }
0x54: {  	_ =	shalt  }
0x55: {  	_ =	shalt  }
0x56: {  	_ =	shalt  }
0x57: {  	_ =	shalt  }
0x58: {  	_ =	shalt  }
0x59: {  	_ =	shalt  }
0x5a: {  	_ =	shalt  }
0x5b: {  	_ =	shalt  }
0x5c: {  	_ =	shalt  }
0x5d: {  	_ =	shalt  }
0x5e: {  	_ =	shalt  }
0x5f: {  	_ =	shalt  }
0x60: {  	_ =	shalt  }
0x61: {  	_ =	shalt  }
0x62: {  	_ =	shalt  }
0x63: {  	_ =	shalt  }
0x64: {  	_ =	shalt  }
0x65: {  	_ =	shalt  }
0x66: {  	_ =	shalt  }
0x67: {  	_ =	shalt  }
0x68: {  	_ =	shalt  }
0x69: {  	_ =	shalt  }
0x6a: {  	_ =	shalt  }
0x6b: {  	_ =	shalt  }
0x6c: {  	_ =	shalt  }
0x6d: {  	_ =	shalt  }
0x6e: {  	_ =	shalt  }
0x6f: {  	_ =	shalt  }
0x70: {  	_ =	shalt  }
0x71: {  	_ =	shalt  }
0x72: {  	_ =	shalt  }
0x73: {  	_ =	shalt  }
0x74: {  	_ =	shalt  }
0x75: {  	_ =	shalt  }
0x76: {  	_ =	shalt  }
0x77: {  	_ =	shalt  }
0x78: {  	_ =	shalt  }
0x79: {  	_ =	shalt  }
0x7a: {  	_ =	shalt  }
0x7b: {  	_ =	shalt  }
0x7c: {  	_ =	shalt  }
0x7d: {  	_ =	shalt  }
0x7e: {  	_ =	shalt  }
0x7f: {  	_ =	shalt  }
0x80: {  	_ =	shalt  }
0x81: {  	_ =	shalt  }
0x82: {  	_ =	shalt  }
0x83: {  	_ =	shalt  }
0x84: {  	_ =	shalt  }
0x85: {  	_ =	shalt  }
0x86: {  	_ =	shalt  }
0x87: {  	_ =	shalt  }
.Lfunc_end0:
.L_simem_size_0:
called_computation_lowered:
.L_overlay_start_0:
0x88: {  	s2 =	sld [smem:$0x3FD9]  }
0x89: {  	s3 =	sld [smem:$0x3FFE];
	_ =	sdelay $0x1  }
0x8a: {  	s1 =	srdreg.scid  }
0x8b: {  	s0 =	sand.u32 $0x1, s1  }
0x8c: {  	s17 =	sshll.u32 s0, $0xA;
	s2 =	sadd.s32 s3, s2  }
0x8d: {  	s2 =	sadd.s32 s2, s17  }
0x8e: {  	[smem:$0x3FBE] =	sst s2  }
0x8f: {  	_ = 	snop  }
0x90: {  	s2 =	sld [smem:$0x3FD0];
	(tm) =	ssettm $0x1  }
0x91: {  	s18 =	sld [smem:$0x3FFB];
	_ =	sdelay $0x3  }
0x92: {  	_ =	strace s18  }
0x93: {  	s3 =	sld [smem:$0x3FFC];
	_ =	sdelay $0x3  }
0x94: {  	_ =	strace s3  }
0x95: {  	s3 =	sld [smem:$0x3FFD];
	_ =	sdelay $0x3  }
0x96: {  	_ =	strace s3  }
0x97: {  	_ =	strace $0x8FFFFFFF  }
0x98: {  	s19 =	sld [smem:$0x3FDB];
	_ =	sdelay $0x1  }
0x99: {  	s4 =	simm.s32 $_scs_section_size  }
0x9a: {  	s5 =	simm.s32 $_size__tile_overlayer_lowered;
	s6 =	simm.s32 $_tile_overlayer_lowered  }
0x9b: {  	s22 =	simm.s32 $0x1BFF;
	s21 =	sshll.u32 s6, $0x1;
	s3 =	sadd.s32 s4, s19  }
0x9c: {  	s7 =	simm.s32 $0x0;
	s20 =	sshll.u32 s5, $0x1;
	s5 =	sadd.s32 s21, s3  }
0x9d: {  	[timem:s7], [sflag:s22] =	dma.local [hbm:s5], s20  }
0x9e: {  	_ =	swait.ge [sflag:s22], s20  }
0x9f: {  	s4 =	ssub.s32 $0x0, s20;
	[sflag:s22] =	ssyncset.done $0x0  }
0xa0: {  	[sflag:s22] =	ssyncadd.s32 s4;
	_ =	sdelay $0x1  }
0xa1: {  	s23 =	simm.s32 $0x1B8B  }
0xa2: {  	_ =	swait.ge [sflag:s23], $0x1  }
0xa3: {  	[sflag:s23] =	ssyncset.done $0x0  }
0xa4: {  	s25 =	simm.s32 $0x1B8E;
	s24 =	sld [smem:$0x3FFE];
	[sflag:s23] =	ssyncadd.s32 $0xFFFFFFFF  }
0xa5: {  	s26 =	simm.s32 $execute0_lowered;
	[smem:$0x3FD2] =	sst s25  }
0xa6: {  	s5 =	sshll.u32 s26, $0x1;
	_ =	strace $0x80000046;
	[dreg:$0x1] =	wrdreg $0xFFFFFFFF  }
0xa7: {  	s28 =	simm.s32 $_size_execute0_lowered;
	s3 =	sadd.s32 s3, s5;
	[dreg:$0x0] =	wrdreg $0x0  }
0xa8: {  	s5 =	sshll.u32 s28, $0x1;
	[dreg:$0x2] =	wrdreg s3  }
0xa9: {  	[dreg:$0x3] =	wrdreg s5  }
0xaa: {  	[dreg:$0x4] =	wrdreg $0xC0  }
0xab: {  	_ =	task [dreg:s7], $0x5FFFF  }
0xac: {  	[dreg:$0x1] =	wrdreg $0xFFFFFFFF  }
0xad: {  	[dreg:$0x0] =	wrdreg $0x60  }
0xae: {  	[dreg:$0x2] =	wrdreg s24  }
0xaf: {  	[dreg:$0x3] =	wrdreg s2  }
0xb0: {  	[dreg:$0x4] =	wrdreg $0xA4000  }
0xb1: {  	[dreg:$0x5] =	wrdreg $0x9  }
0xb2: {  	_ =	task.clear_ibuf [dreg:s7], $0x6FFFF;
	_ =	strace $0x90000046  }
0xb3: {  	s29 =	simm.s32 $0x9;
	_ =	strace $0x80000048  }
0xb4: {  	_ =	swait.ge [sflag:s29], $0x1  }
0xb5: {  	[sflag:s29] =	ssyncadd.s32 $0xFFFFFFFF  }
0xb6: {  	_ =	strace $0x90000048  }
0xb7: {  	_ =	sfence  }
0xb8: {  	s30 =	sld [smem:$0x0];
	_ =	sdelay $0x2  }
0xb9: {  	s31 =	sshll.u32 s1, $0xD;
	s1 =	sshrl.u32 s1, $0x2  }
0xba: {  	s3 =	sand.u32 $0x4000, s31;
	s1 =	sadd.s32 s1, s30  }
0xbb: {  	s0 =	sor.u32 s3, s0;
	s1 =	sshll.u32 s1, $0x11  }
0xbc: {  	s0 =	sor.u32 s1, s0  }
0xbd: {  	s0 =	sadd.s32 $0x8F2B, s0  }
0xbe: {  	[sflag:s0] =	ssyncadd.remote.s32 $0x1  }
0xbf: {  	_ =	sfence.sel $0xFFFF  }
0xc0: {  	[dreg:$0x0] =	wrdreg $0xFFFFFFFF;
	(pc) =	sbr.abs _section_cstart, $3  }
0xc1: {  	[dreg:$0x1] =	wrdreg $0xFFFFFFFF  }
0xc2: {  	_ =	task.clear_ibuf [dreg:s7], $0x2FFFF;
	_ =	strace $0x9FFFFFFF  }
0xc3: {  	(tm) =	ssettm $0x7FFFFFFF  }
tec
execute0_lowered:
.L_overlay_start_1:
0x0: {  	(tag) =	ssettag $0x1  }
0x1: {  	s23 =	stileid.u32  }
0x2: {  	s0 =	srdreg.scid;
	s12 =	smul.u32 $0x14000, s23  }
0x3: {  	s3 =	rddreg [dreg:$0x0];
	s2 =	sand.u32 $0x1, s0;
	s16 =	smul.u32 $0xA000, s23  }
0x4: {  	s11 =	rddreg [dreg:$0x1];
	s1 =	simm.s32 $0x0;
	s9 =	smul.u32 $0x28000, s2  }
0x5: {  	[smem:$0x7FF] =	sst s1;
	s14 =	smul.u32 $0xA00, s2  }
0x6: {  	s15 =	sadd.s32 $0xF3200, s3;
	s17 =	sshrl.u32 s23, $0x3;
	s13 =	smul.u32 $0xA0000, s2  }
0x7: {  	s18 =	sshll.u32 s23, $0x7;
	s0 =	ssub.s32 $0x2, s2;
	s17 =	smul.u32 $0x14000, s17  }
0x8: {  	s22 =	smul.u32 $0x140000, s2;
	s30 =	sand.u32 $0x380, s18;
	s4 =	sshrl.u32 s0, $0x1  }
0x9: {  	s5 =	sadd.s32 $0x4000, s12;
	s6 =	sadd.s32 $0x6000, s12;
	s7 =	sadd.s32 $0x8000, s12  }
0xa: {  	s8 =	sadd.s32 $0xA000, s12;
	s10 =	sadd.s32 $0xC000, s12;
	s19 =	sadd.s32 $0xE000, s12  }
0xb: {  	s20 =	sadd.s32 $0x10000, s12;
	s21 =	sadd.s32 $0x12000, s12;
	s0 =	ssub.s32 s0, s4  }
0xc: {  	s4 =	sor.u32 $0x2000, s12;
	s2 =	sadd.s32 s16, s13;
	s29 =	sadd.s32 s9, s17  }
0xd: {  	s12 =	sadd.s32 s12, s22;
	s17 =	sadd.s32 s22, s5;
	s18 =	sadd.s32 s22, s6  }
0xe: {  	s24 =	sadd.s32 s22, s7;
	s9 =	sadd.s32 s9, s3;
	s13 =	sor.u32 s30, s29  }
0xf: {  	s31 =	sadd.s32 s22, s4;
	s12 =	sshrl.u32 s12, $0x3;
	s29 =	sadd.s32 s22, s8  }
0x10: {  	s30 =	sadd.s32 s22, s10;
	s0 =	smax.u32 s0, $0x1;
	s13 =	sshrl.u32 s13, $0x3  }
0x11: {  	s16 =	sshrl.u32 s31, $0x3;
	s31 =	sadd.s32 s22, s19;
	s11 =	sadd.s32 s11, s13  }
0x12: {  	s13 =	sadd.s32 s15, s12;
	s16 =	sadd.s32 s15, s16;
	[dreg:$0x4] =	wrdreg s11  }
0x13: {  	s12 =	sshrl.u32 s18, $0x3;
	s18 =	sadd.s32 s22, s21;
	[dreg:$0x5] =	wrdreg s13  }
0x14: {  	[dreg:$0x6] =	wrdreg s16;
	s11 =	sshrl.u32 s17, $0x3;
	s13 =	sshrl.u32 s24, $0x3  }
0x15: {  	s25 =	sadd.s32 s15, s12;
	s12 =	sshrl.u32 s30, $0x3;
	s17 =	sadd.s32 s22, s20  }
0x16: {  	s24 =	sadd.s32 s14, s3;
	s11 =	sadd.s32 s15, s11;
	[dreg:$0x8] =	wrdreg s25  }
0x17: {  	s14 =	simm.s32 $0x40;
	s26 =	sadd.s32 s15, s13;
	[dreg:$0x7] =	wrdreg s11  }
0x18: {  	s13 =	sshrl.u32 s31, $0x3;
	s12 =	sadd.s32 s15, s12;
	[dreg:$0x9] =	wrdreg s26  }
0x19: {  	s25 =	smul.u32 $0x50000, s23;
	s11 =	sshrl.u32 s29, $0x3;
	[dreg:$0xb] =	wrdreg s12  }
0x1a: {  	s16 =	sadd.s32 s15, s13;
	s13 =	rddreg [dreg:$0x2];
	s12 =	sshrl.u32 s18, $0x3  }
0x1b: {  	s18 =	sadd.s32 $0x1400, s3;
	s26 =	sadd.s32 $0xA1400, s24;
	s29 =	sadd.s32 $0xA1410, s24  }
0x1c: {  	s11 =	sadd.s32 s15, s11;
	[dreg:$0xc] =	wrdreg s16;
	s22 =	sadd.s32 s15, s12  }
0x1d: {  	s16 =	sadd.s32 $0xA3200, s3;
	[dreg:$0xa] =	wrdreg s11;
	s11 =	sshrl.u32 s17, $0x3  }
0x1e: {  	s30 =	sshrl.u32 s25, $0x2;
	[dreg:$0xe] =	wrdreg s22;
	s11 =	sadd.s32 s15, s11  }
0x1f: {  	s23 =	sadd.s32 s4, s13;
	s24 =	sadd.s32 s5, s13;
	[dreg:$0xd] =	wrdreg s11  }
0x20: {  	s25 =	sadd.s32 s6, s13;
	_ =	strace $0x80000047;
	[dreg:$0xf] =	wrdreg s26  }
0x21: {  	s28 =	sadd.s32 s8, s13;
	s31 =	sadd.s32 s10, s13;
	[dreg:$0x10] =	wrdreg s29  }
0x22: {  	s19 =	sadd.s32 s19, s13;
	s20 =	sadd.s32 s20, s13;
	[dreg:$0x14] =	wrdreg s31  }
0x23: {  	s21 =	sadd.s32 s21, s13;
	s5 =	simm.s32 $0x1;
	[dreg:$0x18] =	wrdreg s0  }
0x24: {  	s6 =	simm.s32 $0x2800;
	s8 =	simm.s32 $0x7800;
	[dreg:$0x11] =	wrdreg s25  }
0x25: {  	s10 =	simm.s32 $0x8000;
	s12 =	simm.s32 $0x5000;
	[dreg:$0x13] =	wrdreg s28  }
0x26: {  	s17 =	sadd.s32 $0xCB200, s3;
	s22 =	sadd.s32 s30, s13;
	[dreg:$0x15] =	wrdreg s19  }
0x27: {  	s3 =	simm.s32 $0x80;
	s15 =	simm.s32 $0x0;
	[dreg:$0x16] =	wrdreg s20  }
0x28: {  	s11 =	sadd.s32 $0x29400, s9;
	s26 =	sadd.s32 s7, s13;
	[dreg:$0x17] =	wrdreg s21  }
0x29: {  	v0 =	vimm.f32 $0.0e+00;
	s9 =	simm.s32 $0x7C00;
	s7 =	simm.s32 $0x8400;
	[dreg:$0x12] =	wrdreg s26  }
.LBB2_1:
0x2a: {  	s0 =	rddreg [dreg:$0xf];
	s4 =	simm.s32 $0x100  }
0x2b: {  	[tilespmem:s1], [sflag:$0x1] =	stream.strided.gather [hbm4b:s0+s3], $0x2800, s4, s3, $0x38;
	[tilespmem:$0x1E400] =	vst v63  }
0x2c: {  	_ =	swait.ge [sflag:s5], $0x2800  }
0x2d: {  	[sflag:s5] =	ssyncset.done $0x0  }
0x2e: {  	s31 =	rddreg [dreg:$0x10];
	[sflag:s5] =	ssyncadd.s32 $0xFFFFD800  }
0x2f: {  	[tilespmem:s6], [sflag:$0x1] =	stream.strided.gather [hbm4b:s31+s3], $0x2800, s4, s3, $0x38;
	[tilespmem:$0x1E400] =	vst v63  }
0x30: {  	_ =	swait.ge [sflag:s5], $0x2800  }
0x31: {  	[sflag:s5] =	ssyncset.done $0x0  }
0x32: {  	s0 =	simm.s32 $0x0;
	s3 =	simm.s32 $0x200;
	[sflag:s5] =	ssyncadd.s32 $0xFFFFD800  }
.LBB2_2:
0x33: {  	p0 =	sne.s32 s3, $0x9E00;
	[tilespmem:s0+$0x5070] =	vst v0  }
0x34: {  	[tilespmem:s0+$0x5000] =	vst v0  }
0x35: {  	[tilespmem:s0+$0x5010] =	vst v0  }
.Ltmp0:
0x36: {  	[tilespmem:s0+$0x5020] =	vst v0;
	(pc) =	sbr.rel @p0 .LBB2_2-.Ltmp0, $4  }
0x37: {  	[tilespmem:s0+$0x5030] =	vst v0  }
0x38: {  	[tilespmem:s0+$0x5040] =	vst v0  }
0x39: {  	[tilespmem:s0+$0x5050] =	vst v0  }
0x3a: {  	[tilespmem:s0+$0x5060] =	vst v0;
	s0 =	sshra.s32 s3, $0x2;
	s3 =	sadd.s32 $0x200, s3  }
0x3b: {  	[tilespmem:s0+$0x5070] =	vst v0  }
0x3c: {  	[tilespmem:s0+$0x5000] =	vst v0  }
0x3d: {  	[tilespmem:s0+$0x5010] =	vst v0  }
0x3e: {  	[tilespmem:s0+$0x5020] =	vst v0  }
0x3f: {  	[tilespmem:s0+$0x5030] =	vst v0  }
0x40: {  	[tilespmem:s0+$0x5040] =	vst v0  }
0x41: {  	[tilespmem:s0+$0x5050] =	vst v0  }
0x42: {  	[tilespmem:s0+$0x5060] =	vst v0;
	s0 =	simm.s32 $0x0;
	s3 =	simm.s32 $0x1000  }
.LBB2_4:
0x43: {  	p0 =	sne.s32 s3, $0x7000;
	[tilespmem:s0+$0x87F0] =	vst v0  }
0x44: {  	[tilespmem:s0+$0x8400] =	vst v0  }
0x45: {  	[tilespmem:s0+$0x8410] =	vst v0  }
0x46: {  	[tilespmem:s0+$0x8420] =	vst v0  }
0x47: {  	[tilespmem:s0+$0x8430] =	vst v0  }
0x48: {  	[tilespmem:s0+$0x8440] =	vst v0  }
0x49: {  	[tilespmem:s0+$0x8450] =	vst v0  }
0x4a: {  	[tilespmem:s0+$0x8460] =	vst v0  }
0x4b: {  	[tilespmem:s0+$0x8470] =	vst v0  }
0x4c: {  	[tilespmem:s0+$0x8480] =	vst v0  }
0x4d: {  	[tilespmem:s0+$0x8490] =	vst v0  }
0x4e: {  	[tilespmem:s0+$0x84A0] =	vst v0  }
0x4f: {  	[tilespmem:s0+$0x84B0] =	vst v0  }
0x50: {  	[tilespmem:s0+$0x84C0] =	vst v0  }
0x51: {  	[tilespmem:s0+$0x84D0] =	vst v0  }
0x52: {  	[tilespmem:s0+$0x84E0] =	vst v0  }
0x53: {  	[tilespmem:s0+$0x84F0] =	vst v0  }
0x54: {  	[tilespmem:s0+$0x8500] =	vst v0  }
0x55: {  	[tilespmem:s0+$0x8510] =	vst v0  }
0x56: {  	[tilespmem:s0+$0x8520] =	vst v0  }
0x57: {  	[tilespmem:s0+$0x8530] =	vst v0  }
0x58: {  	[tilespmem:s0+$0x8540] =	vst v0  }
0x59: {  	[tilespmem:s0+$0x8550] =	vst v0  }
0x5a: {  	[tilespmem:s0+$0x8560] =	vst v0  }
0x5b: {  	[tilespmem:s0+$0x8570] =	vst v0  }
0x5c: {  	[tilespmem:s0+$0x8580] =	vst v0  }
0x5d: {  	[tilespmem:s0+$0x8590] =	vst v0  }
0x5e: {  	[tilespmem:s0+$0x85A0] =	vst v0  }
0x5f: {  	[tilespmem:s0+$0x85B0] =	vst v0  }
0x60: {  	[tilespmem:s0+$0x85C0] =	vst v0  }
0x61: {  	[tilespmem:s0+$0x85D0] =	vst v0  }
0x62: {  	[tilespmem:s0+$0x85E0] =	vst v0  }
0x63: {  	[tilespmem:s0+$0x85F0] =	vst v0  }
0x64: {  	[tilespmem:s0+$0x8600] =	vst v0  }
0x65: {  	[tilespmem:s0+$0x8610] =	vst v0  }
0x66: {  	[tilespmem:s0+$0x8620] =	vst v0  }
0x67: {  	[tilespmem:s0+$0x8630] =	vst v0  }
0x68: {  	[tilespmem:s0+$0x8640] =	vst v0  }
0x69: {  	[tilespmem:s0+$0x8650] =	vst v0  }
0x6a: {  	[tilespmem:s0+$0x8660] =	vst v0  }
0x6b: {  	[tilespmem:s0+$0x8670] =	vst v0  }
0x6c: {  	[tilespmem:s0+$0x8680] =	vst v0  }
0x6d: {  	[tilespmem:s0+$0x8690] =	vst v0  }
0x6e: {  	[tilespmem:s0+$0x86A0] =	vst v0  }
0x6f: {  	[tilespmem:s0+$0x86B0] =	vst v0  }
0x70: {  	[tilespmem:s0+$0x86C0] =	vst v0  }
0x71: {  	[tilespmem:s0+$0x86D0] =	vst v0  }
0x72: {  	[tilespmem:s0+$0x86E0] =	vst v0  }
0x73: {  	[tilespmem:s0+$0x86F0] =	vst v0  }
0x74: {  	[tilespmem:s0+$0x8700] =	vst v0  }
0x75: {  	[tilespmem:s0+$0x8710] =	vst v0  }
0x76: {  	[tilespmem:s0+$0x8720] =	vst v0  }
0x77: {  	[tilespmem:s0+$0x8730] =	vst v0  }
0x78: {  	[tilespmem:s0+$0x8740] =	vst v0  }
0x79: {  	[tilespmem:s0+$0x8750] =	vst v0  }
0x7a: {  	[tilespmem:s0+$0x8760] =	vst v0  }
0x7b: {  	[tilespmem:s0+$0x8770] =	vst v0  }
0x7c: {  	[tilespmem:s0+$0x8780] =	vst v0  }
0x7d: {  	[tilespmem:s0+$0x8790] =	vst v0  }
.Ltmp1:
0x7e: {  	[tilespmem:s0+$0x87A0] =	vst v0;
	(pc) =	sbr.rel @p0 .LBB2_4-.Ltmp1, $4  }
0x7f: {  	[tilespmem:s0+$0x87B0] =	vst v0  }
0x80: {  	[tilespmem:s0+$0x87C0] =	vst v0  }
0x81: {  	[tilespmem:s0+$0x87D0] =	vst v0  }
0x82: {  	[tilespmem:s0+$0x87E0] =	vst v0;
	s0 =	sshra.s32 s3, $0x2;
	s3 =	sadd.s32 $0x1000, s3  }
0x83: {  	[tilespmem:s0+$0x87F0] =	vst v0  }
0x84: {  	[tilespmem:s0+$0x8400] =	vst v0  }
0x85: {  	[tilespmem:s0+$0x8410] =	vst v0  }
0x86: {  	[tilespmem:s0+$0x8420] =	vst v0  }
0x87: {  	[tilespmem:s0+$0x8430] =	vst v0  }
0x88: {  	[tilespmem:s0+$0x8440] =	vst v0  }
0x89: {  	[tilespmem:s0+$0x8450] =	vst v0  }
0x8a: {  	[tilespmem:s0+$0x8460] =	vst v0  }
0x8b: {  	[tilespmem:s0+$0x8470] =	vst v0  }
0x8c: {  	[tilespmem:s0+$0x8480] =	vst v0  }
0x8d: {  	[tilespmem:s0+$0x8490] =	vst v0  }
0x8e: {  	[tilespmem:s0+$0x84A0] =	vst v0  }
0x8f: {  	[tilespmem:s0+$0x84B0] =	vst v0  }
0x90: {  	[tilespmem:s0+$0x84C0] =	vst v0  }
0x91: {  	[tilespmem:s0+$0x84D0] =	vst v0  }
0x92: {  	[tilespmem:s0+$0x84E0] =	vst v0  }
0x93: {  	[tilespmem:s0+$0x84F0] =	vst v0  }
0x94: {  	[tilespmem:s0+$0x8500] =	vst v0  }
0x95: {  	[tilespmem:s0+$0x8510] =	vst v0  }
0x96: {  	[tilespmem:s0+$0x8520] =	vst v0  }
0x97: {  	[tilespmem:s0+$0x8530] =	vst v0  }
0x98: {  	[tilespmem:s0+$0x8540] =	vst v0  }
0x99: {  	[tilespmem:s0+$0x8550] =	vst v0  }
0x9a: {  	[tilespmem:s0+$0x8560] =	vst v0  }
0x9b: {  	[tilespmem:s0+$0x8570] =	vst v0  }
0x9c: {  	[tilespmem:s0+$0x8580] =	vst v0  }
0x9d: {  	[tilespmem:s0+$0x8590] =	vst v0  }
0x9e: {  	[tilespmem:s0+$0x85A0] =	vst v0  }
0x9f: {  	[tilespmem:s0+$0x85B0] =	vst v0  }
0xa0: {  	[tilespmem:s0+$0x85C0] =	vst v0  }
0xa1: {  	[tilespmem:s0+$0x85D0] =	vst v0  }
0xa2: {  	[tilespmem:s0+$0x85E0] =	vst v0  }
0xa3: {  	[tilespmem:s0+$0x85F0] =	vst v0  }
0xa4: {  	[tilespmem:s0+$0x8600] =	vst v0  }
0xa5: {  	[tilespmem:s0+$0x8610] =	vst v0  }
0xa6: {  	[tilespmem:s0+$0x8620] =	vst v0  }
0xa7: {  	[tilespmem:s0+$0x8630] =	vst v0  }
0xa8: {  	[tilespmem:s0+$0x8640] =	vst v0  }
0xa9: {  	[tilespmem:s0+$0x8650] =	vst v0  }
0xaa: {  	[tilespmem:s0+$0x8660] =	vst v0  }
0xab: {  	[tilespmem:s0+$0x8670] =	vst v0  }
0xac: {  	[tilespmem:s0+$0x8680] =	vst v0  }
0xad: {  	[tilespmem:s0+$0x8690] =	vst v0  }
0xae: {  	[tilespmem:s0+$0x86A0] =	vst v0  }
0xaf: {  	[tilespmem:s0+$0x86B0] =	vst v0  }
0xb0: {  	[tilespmem:s0+$0x86C0] =	vst v0  }
0xb1: {  	[tilespmem:s0+$0x86D0] =	vst v0  }
0xb2: {  	[tilespmem:s0+$0x86E0] =	vst v0  }
0xb3: {  	[tilespmem:s0+$0x86F0] =	vst v0  }
0xb4: {  	[tilespmem:s0+$0x8700] =	vst v0  }
0xb5: {  	[tilespmem:s0+$0x8710] =	vst v0  }
0xb6: {  	[tilespmem:s0+$0x8720] =	vst v0  }
0xb7: {  	[tilespmem:s0+$0x8730] =	vst v0  }
0xb8: {  	[tilespmem:s0+$0x8740] =	vst v0  }
0xb9: {  	[tilespmem:s0+$0x8750] =	vst v0  }
0xba: {  	[tilespmem:s0+$0x8760] =	vst v0  }
0xbb: {  	[tilespmem:s0+$0x8770] =	vst v0  }
0xbc: {  	[tilespmem:s0+$0x8780] =	vst v0  }
0xbd: {  	[tilespmem:s0+$0x8790] =	vst v0  }
0xbe: {  	[tilespmem:s0+$0x87A0] =	vst v0  }
0xbf: {  	[tilespmem:s0+$0x87B0] =	vst v0  }
0xc0: {  	[tilespmem:s0+$0x87C0] =	vst v0  }
0xc1: {  	[tilespmem:s0+$0x87D0] =	vst v0  }
0xc2: {  	[tilespmem:s0+$0x87E0] =	vst v0  }
0xc3: {  	[spmem:s22] =	stream.linear.scatter [tilespmem:s7], [sflag:$0x1], $0x2000, $0x38;
	[tilespmem:$0x1E400] =	vst v63  }
0xc4: {  	_ =	swait.ge [sflag:s5], $0x2000  }
0xc5: {  	[sflag:s5] =	ssyncset.done $0x0  }
0xc6: {  	[sflag:s5] =	ssyncadd.s32 $0xFFFFE000  }
0xc7: {  	[spmem:s23] =	stream.linear.scatter [tilespmem:s7], [sflag:$0x1], $0x2000, $0x38;
	[tilespmem:$0x1E400] =	vst v63  }
0xc8: {  	_ =	swait.ge [sflag:s5], $0x2000  }
0xc9: {  	[sflag:s5] =	ssyncset.done $0x0  }
0xca: {  	[sflag:s5] =	ssyncadd.s32 $0xFFFFE000  }
0xcb: {  	[spmem:s24] =	stream.linear.scatter [tilespmem:s7], [sflag:$0x1], $0x2000, $0x38;
	[tilespmem:$0x1E400] =	vst v63  }
0xcc: {  	_ =	swait.ge [sflag:s5], $0x2000  }
0xcd: {  	[sflag:s5] =	ssyncset.done $0x0  }
0xce: {  	[sflag:s5] =	ssyncadd.s32 $0xFFFFE000  }
0xcf: {  	[spmem:s25] =	stream.linear.scatter [tilespmem:s7], [sflag:$0x1], $0x2000, $0x38;
	[tilespmem:$0x1E400] =	vst v63  }
0xd0: {  	_ =	swait.ge [sflag:s5], $0x2000  }
0xd1: {  	[sflag:s5] =	ssyncset.done $0x0  }
0xd2: {  	[sflag:s5] =	ssyncadd.s32 $0xFFFFE000  }
0xd3: {  	[spmem:s26] =	stream.linear.scatter [tilespmem:s7], [sflag:$0x1], $0x2000, $0x38;
	[tilespmem:$0x1E400] =	vst v63  }
0xd4: {  	_ =	swait.ge [sflag:s5], $0x2000  }
0xd5: {  	[sflag:s5] =	ssyncset.done $0x0  }
0xd6: {  	[sflag:s5] =	ssyncadd.s32 $0xFFFFE000  }
0xd7: {  	[spmem:s28] =	stream.linear.scatter [tilespmem:s7], [sflag:$0x1], $0x2000, $0x38;
	[tilespmem:$0x1E400] =	vst v63  }
0xd8: {  	_ =	swait.ge [sflag:s5], $0x2000  }
0xd9: {  	[sflag:s5] =	ssyncset.done $0x0  }
0xda: {  	s28 =	rddreg [dreg:$0x14];
	[sflag:s5] =	ssyncadd.s32 $0xFFFFE000  }
0xdb: {  	[spmem:s28] =	stream.linear.scatter [tilespmem:s7], [sflag:$0x1], $0x2000, $0x38;
	[tilespmem:$0x1E400] =	vst v63  }
0xdc: {  	_ =	swait.ge [sflag:s5], $0x2000  }
0xdd: {  	[sflag:s5] =	ssyncset.done $0x0  }
0xde: {  	[sflag:s5] =	ssyncadd.s32 $0xFFFFE000  }
0xdf: {  	[spmem:s19] =	stream.linear.scatter [tilespmem:s7], [sflag:$0x1], $0x2000, $0x38;
	[tilespmem:$0x1E400] =	vst v63  }
0xe0: {  	_ =	swait.ge [sflag:s5], $0x2000  }
0xe1: {  	[sflag:s5] =	ssyncset.done $0x0  }
0xe2: {  	[sflag:s5] =	ssyncadd.s32 $0xFFFFE000  }
0xe3: {  	[spmem:s20] =	stream.linear.scatter [tilespmem:s7], [sflag:$0x1], $0x2000, $0x38;
	[tilespmem:$0x1E400] =	vst v63  }
0xe4: {  	_ =	swait.ge [sflag:s5], $0x2000  }
0xe5: {  	[sflag:s5] =	ssyncset.done $0x0  }
0xe6: {  	[sflag:s5] =	ssyncadd.s32 $0xFFFFE000  }
0xe7: {  	[spmem:s21] =	stream.linear.scatter [tilespmem:s7], [sflag:$0x1], $0x2000, $0x38;
	[tilespmem:$0x1E400] =	vst v63  }
0xe8: {  	_ =	swait.ge [sflag:s5], $0x2000  }
0xe9: {  	s29 =	smov.u32 s22;
	s30 =	smov.u32 s23;
	[sflag:s5] =	ssyncset.done $0x0  }
0xea: {  	s31 =	smov.u32 s24;
	s4 =	simm.s32 $0x0;
	[sflag:s5] =	ssyncadd.s32 $0xFFFFE000  }
0xeb: {  	s19 =	simm.s32 $0x0;
	s20 =	simm.s32 $0x0;
	[bflag:$0x0] =	sbarrier.arrive $0xFFFF  }
.LBB2_6:
0xec: {  	s0 =	sshll.u32 s20, $0xA  }
0xed: {  	s0 =	sadd.s32 s0, s2  }
0xee: {  	s0 =	sshrl.u32 s0, $0x3  }
0xef: {  	s3 =	sadd.s32 s16, s0  }
0xf0: {  	[tilespmem:s8], [sflag:$0x1] =	stream.linear.gather [hbm4b:s3+s4], $0x400, $0x38;
	[tilespmem:$0x1E400] =	vst v63  }
0xf1: {  	_ =	swait.ge [sflag:s5], $0x400  }
0xf2: {  	[sflag:s5] =	ssyncset.done $0x0  }
0xf3: {  	s28 =	sadd.s32 s17, s0;
	[sflag:s5] =	ssyncadd.s32 $0xFFFFFC00  }
0xf4: {  	[tilespmem:s9], [sflag:$0x1] =	stream.linear.gather [hbm4b:s28+s4], $0x400, $0x38;
	[tilespmem:$0x1E400] =	vst v63  }
0xf5: {  	_ =	swait.ge [sflag:s5], $0x400  }
0xf6: {  	[sflag:s5] =	ssyncset.done $0x0  }
0xf7: {  	s0 =	sadd.s32 s18, s0;
	[sflag:s5] =	ssyncadd.s32 $0xFFFFFC00  }
0xf8: {  	[tilespmem:s10], [sflag:$0x1] =	stream.linear.gather [hbm4b:s0+s4], $0x400, $0x38;
	[tilespmem:$0x1E400] =	vst v63  }
0xf9: {  	_ =	swait.ge [sflag:s5], $0x400  }
0xfa: {  	s21 =	simm.s32 $0x8020;
	s22 =	simm.s32 $0x0;
	[sflag:s5] =	ssyncset.done $0x0  }
0xfb: {  	s3 =	simm.s32 $0x7C20;
	s0 =	simm.s32 $0x7820;
	[sflag:s5] =	ssyncadd.s32 $0xFFFFFC00  }
.LBB2_7:
0xfc: {  	v1 =	vld [tilespmem:s0+$0xFFFFFFE0]  }
0xfd: {  	v2 =	vld [tilespmem:s3+$0xFFFFFFE0];
	_ =	sdelay $0x6  }
0xfe: {  	v1 =	vld.idx.msk [tilespmem:v1+s1+$0x0], $0xffff  }
0xff: {  	v3 =	vld.idx.msk [tilespmem:v2+s6+$0x0], $0xffff;
	_ =	sdelay $0x4  }
0x100: {  	v1 =	vadd.f32 v3, v1;
	v3 =	vld [tilespmem:s21+$0xFFFFFFE0];
	_ =	sdelay $0x1  }
0x101: {  	v4 =	vmul.f32 $9.999999770e-03, v1  }
0x102: {  	vm0 =	vgt.f32 v1, $0.0e+00  }
0x103: {  	v1 =	vsel vm0, v1, v4  }
0x104: {  	v1 =	vmul.f32 v1, v3;
	_ =	sdelay $0x1  }
0x105: {  	v1 =	vmul.f32 $1.442695020e+00, v1;
	_ =	sdelay $0x1  }
0x106: {  	(erf) = vpow2.f32 v1;
	_ =	sdelay $0x7  }
0x107: {  	s23 =	sadd.s32 s22, s19  }
0x108: {  	p0 =	slt.u32 s23, $0x4E20;
	v1 =	vpop (erf)  }
0x109: {  	v1 =	vpsel !p0, $0x0, v1  }
0x10a: {  	[tilespmem:s21+$0xFFFFFFE0] =	vst v1  }
0x10b: {  	[tilespmem:v2+s12+$0x0] =	vst.idx.add.f32.msk $0xffff, v1  }
0x10c: {  	v1 =	vld [tilespmem:s0+$0xFFFFFFF0]  }
0x10d: {  	v2 =	vld [tilespmem:s3+$0xFFFFFFF0];
	_ =	sdelay $0x6  }
0x10e: {  	v1 =	vld.idx.msk [tilespmem:v1+s1+$0x0], $0xffff  }
0x10f: {  	v3 =	vld.idx.msk [tilespmem:v2+s6+$0x0], $0xffff;
	_ =	sdelay $0x4  }
0x110: {  	v1 =	vadd.f32 v3, v1;
	v3 =	vld [tilespmem:s21+$0xFFFFFFF0];
	_ =	sdelay $0x1  }
0x111: {  	v61 =	vmul.f32 $9.999999770e-03, v1  }
0x112: {  	vm13 =	vgt.f32 v1, $0.0e+00  }
0x113: {  	v1 =	vsel vm13, v1, v61  }
0x114: {  	v1 =	vmul.f32 v1, v3;
	_ =	sdelay $0x1  }
0x115: {  	v1 =	vmul.f32 $1.442695020e+00, v1;
	_ =	sdelay $0x1  }
0x116: {  	(erf) = vpow2.f32 v1;
	_ =	sdelay $0x7  }
0x117: {  	s24 =	sadd.s32 $0x10, s23  }
0x118: {  	p4 =	slt.u32 s24, $0x4E20;
	v1 =	vpop (erf)  }
0x119: {  	v1 =	vpsel !p4, $0x0, v1  }
0x11a: {  	[tilespmem:s21+$0xFFFFFFF0] =	vst v1  }
0x11b: {  	[tilespmem:v2+s12+$0x0] =	vst.idx.add.f32.msk $0xffff, v1  }
0x11c: {  	v1 =	vld [tilespmem:s0+$0x0]  }
0x11d: {  	v2 =	vld [tilespmem:s3+$0x0];
	_ =	sdelay $0x6  }
0x11e: {  	v1 =	vld.idx.msk [tilespmem:v1+s1+$0x0], $0xffff  }
0x11f: {  	v3 =	vld.idx.msk [tilespmem:v2+s6+$0x0], $0xffff;
	_ =	sdelay $0x4  }
0x120: {  	v1 =	vadd.f32 v3, v1;
	v3 =	vld [tilespmem:s21+$0x0];
	_ =	sdelay $0x1  }
0x121: {  	v62 =	vmul.f32 $9.999999770e-03, v1  }
0x122: {  	vm14 =	vgt.f32 v1, $0.0e+00  }
0x123: {  	v1 =	vsel vm14, v1, v62  }
0x124: {  	v1 =	vmul.f32 v1, v3;
	_ =	sdelay $0x1  }
0x125: {  	v1 =	vmul.f32 $1.442695020e+00, v1;
	_ =	sdelay $0x1  }
0x126: {  	(erf) = vpow2.f32 v1;
	_ =	sdelay $0x7  }
0x127: {  	s28 =	sadd.s32 $0x20, s23  }
0x128: {  	p5 =	slt.u32 s28, $0x4E20;
	v1 =	vpop (erf)  }
0x129: {  	v1 =	vpsel !p5, $0x0, v1  }
0x12a: {  	[tilespmem:s21+$0x0] =	vst v1  }
0x12b: {  	[tilespmem:v2+s12+$0x0] =	vst.idx.add.f32.msk $0xffff, v1  }
0x12c: {  	v1 =	vld [tilespmem:s0+$0x10]  }
0x12d: {  	v2 =	vld [tilespmem:s3+$0x10];
	_ =	sdelay $0x6  }
0x12e: {  	v1 =	vld.idx.msk [tilespmem:v1+s1+$0x0], $0xffff  }
0x12f: {  	v3 =	vld.idx.msk [tilespmem:v2+s6+$0x0], $0xffff;
	_ =	sdelay $0x4  }
0x130: {  	v1 =	vadd.f32 v3, v1;
	v3 =	vld [tilespmem:s21+$0x10];
	_ =	sdelay $0x1  }
0x131: {  	v63 =	vmul.f32 $9.999999770e-03, v1  }
0x132: {  	vm15 =	vgt.f32 v1, $0.0e+00  }
0x133: {  	v1 =	vsel vm15, v1, v63  }
0x134: {  	v1 =	vmul.f32 v1, v3;
	_ =	sdelay $0x1  }
0x135: {  	v1 =	vmul.f32 $1.442695020e+00, v1;
	_ =	sdelay $0x1  }
0x136: {  	(erf) = vpow2.f32 v1;
	_ =	sdelay $0x6  }
0x137: {  	p0 =	seq.s32 s22, $0x1C0  }
.Ltmp2:
0x138: {  	s23 =	sadd.s32 $0x30, s23;
	(pc) =	sbr.rel @!p0 .LBB2_7-.Ltmp2, $4  }
0x139: {  	p6 =	slt.u32 s23, $0x4E20;
	v1 =	vpop (erf)  }
0x13a: {  	v1 =	vpsel !p6, $0x0, v1  }
0x13b: {  	s22 =	sadd.s32 $0x40, s22;
	[tilespmem:s21+$0x10] =	vst v1  }
0x13c: {  	s0 =	sadd.s32 $0x80, s0;
	s3 =	sadd.s32 $0x80, s3;
	s21 =	sadd.s32 $0x80, s21;
	[tilespmem:v2+s12+$0x0] =	vst.idx.add.f32.msk $0xffff, v1  }
0x13d: {  	s0 =	simm.s32 $0x0  }
.LBB2_9:
0x13e: {  	s21 =	simm.s32 $0x0  }
0x13f: {  	v1 =	vmov s21  }
0x140: {  	s3 =	sshll.u32 s0, $0x7;
	v1 =	vand.u32 $0xFFFFFFF8, v1  }
0x141: {  	s24 =	sadd.s32 $0x7800, s3;
	v1 =	vbroadcast v1, $0x0  }
0x142: {  	[tilespmem:s7], [sflag:$0x1] =	stream.indirect.gather [hbm4b:s11+s14], $0x80, s24, s14, $0xb8;
	[tilespmem:$0x1E400] =	vst v63  }
0x143: {  	_ =	swait.ge [sflag:s5], $0x2000  }
0x144: {  	[sflag:s5] =	ssyncset.done $0x0  }
0x145: {  	s22 =	simm.s32 $0x8600;
	[sflag:s5] =	ssyncadd.s32 $0xFFFFE000  }
0x146: {  	s21 =	sadd.s32 $0x8000, s3;
	v3 =	vld [tilespmem:s22+$0xFFFFFE70]  }
0x147: {  	v1 =	vld.idx.msk [tilespmem:v1+s21+$0x0], $0xffff  }
0x148: {  	v4 =	vld [tilespmem:s22+$0xFFFFFE00]  }
0x149: {  	v5 =	vld [tilespmem:s22+$0xFFFFFE20]  }
0x14a: {  	v6 =	vld [tilespmem:s22+$0xFFFFFE30]  }
0x14b: {  	v2 =	vld [tilespmem:s22+$0xFFFFFE50]  }
0x14c: {  	v8 =	vld [tilespmem:s22+$0xFFFFFE10];
	v3 =	vmul.f32 v3, v1  }
0x14d: {  	s23 =	simm.s32 $0x1;
	v7 =	vld [tilespmem:s22+$0xFFFFFE60];
	v4 =	vmul.f32 v4, v1  }
0x14e: {  	v9 =	vld [tilespmem:s22+$0xFFFFFE40];
	v5 =	vmul.f32 v5, v1;
	[tilespmem:s22+$0xFFFFFE70] =	vst v3;
	v3 =	vmov s23  }
0x14f: {  	v6 =	vmul.f32 v6, v1;
	[tilespmem:s22+$0xFFFFFE00] =	vst v4;
	v3 =	vand.u32 $0xFFFFFFF9, v3  }
0x150: {  	v2 =	vmul.f32 v2, v1;
	[tilespmem:s22+$0xFFFFFE20] =	vst v5;
	v3 =	vbroadcast v3, $0x0  }
0x151: {  	v4 =	vmul.f32 v8, v1;
	[tilespmem:s22+$0xFFFFFE30] =	vst v6  }
0x152: {  	v5 =	vmul.f32 v7, v1;
	[tilespmem:s22+$0xFFFFFE50] =	vst v2  }
0x153: {  	v1 =	vmul.f32 v9, v1;
	[tilespmem:s22+$0xFFFFFE10] =	vst v4  }
0x154: {  	[tilespmem:s22+$0xFFFFFE60] =	vst v5  }
0x155: {  	[tilespmem:s22+$0xFFFFFE40] =	vst v1  }
0x156: {  	v1 =	vld.idx.msk [tilespmem:v3+s21+$0x0], $0xffff  }
0x157: {  	v3 =	vld [tilespmem:s22+$0xFFFFFE90]  }
0x158: {  	v4 =	vld [tilespmem:s22+$0xFFFFFEC0]  }
0x159: {  	v5 =	vld [tilespmem:s22+$0xFFFFFE80]  }
0x15a: {  	v6 =	vld [tilespmem:s22+$0xFFFFFED0]  }
0x15b: {  	v2 =	vld [tilespmem:s22+$0xFFFFFEF0]  }
0x15c: {  	v7 =	vld [tilespmem:s22+$0xFFFFFEE0];
	v3 =	vmul.f32 v3, v1  }
0x15d: {  	s25 =	simm.s32 $0x2;
	v8 =	vld [tilespmem:s22+$0xFFFFFEB0];
	v4 =	vmul.f32 v4, v1  }
0x15e: {  	v9 =	vld [tilespmem:s22+$0xFFFFFEA0];
	v5 =	vmul.f32 v5, v1;
	[tilespmem:s22+$0xFFFFFE90] =	vst v3;
	v3 =	vmov s25  }
0x15f: {  	v6 =	vmul.f32 v6, v1;
	[tilespmem:s22+$0xFFFFFEC0] =	vst v4;
	v3 =	vand.u32 $0xFFFFFFFA, v3  }
0x160: {  	v2 =	vmul.f32 v2, v1;
	[tilespmem:s22+$0xFFFFFE80] =	vst v5;
	v3 =	vbroadcast v3, $0x0  }
0x161: {  	v4 =	vmul.f32 v7, v1;
	[tilespmem:s22+$0xFFFFFED0] =	vst v6  }
0x162: {  	v5 =	vmul.f32 v8, v1;
	[tilespmem:s22+$0xFFFFFEF0] =	vst v2  }
0x163: {  	v1 =	vmul.f32 v9, v1;
	[tilespmem:s22+$0xFFFFFEE0] =	vst v4  }
0x164: {  	[tilespmem:s22+$0xFFFFFEB0] =	vst v5  }
0x165: {  	v2 =	vld [tilespmem:s22+$0xFFFFFF00];
	[tilespmem:s22+$0xFFFFFEA0] =	vst v1  }
0x166: {  	v1 =	vld.idx.msk [tilespmem:v3+s21+$0x0], $0xffff  }
0x167: {  	v3 =	vld [tilespmem:s22+$0xFFFFFF60]  }
0x168: {  	v4 =	vld [tilespmem:s22+$0xFFFFFF10]  }
0x169: {  	v5 =	vld [tilespmem:s22+$0xFFFFFF50]  }
0x16a: {  	v6 =	vld [tilespmem:s22+$0xFFFFFF70]  }
0x16b: {  	v7 =	vld [tilespmem:s22+$0xFFFFFF20];
	v2 =	vmul.f32 v2, v1  }
0x16c: {  	s26 =	simm.s32 $0x3;
	v8 =	vld [tilespmem:s22+$0xFFFFFF30];
	v3 =	vmul.f32 v3, v1  }
0x16d: {  	v9 =	vld [tilespmem:s22+$0xFFFFFF40];
	v4 =	vmul.f32 v4, v1;
	[tilespmem:s22+$0xFFFFFF00] =	vst v2;
	v2 =	vmov s26  }
0x16e: {  	v5 =	vmul.f32 v5, v1;
	[tilespmem:s22+$0xFFFFFF60] =	vst v3;
	v2 =	vand.u32 $0xFFFFFFFB, v2  }
0x16f: {  	v3 =	vmul.f32 v6, v1;
	[tilespmem:s22+$0xFFFFFF10] =	vst v4;
	v2 =	vbroadcast v2, $0x0  }
0x170: {  	v4 =	vmul.f32 v7, v1;
	[tilespmem:s22+$0xFFFFFF50] =	vst v5  }
0x171: {  	v5 =	vmul.f32 v8, v1;
	[tilespmem:s22+$0xFFFFFF70] =	vst v3  }
0x172: {  	v1 =	vmul.f32 v9, v1;
	[tilespmem:s22+$0xFFFFFF20] =	vst v4  }
0x173: {  	[tilespmem:s22+$0xFFFFFF30] =	vst v5  }
0x174: {  	[tilespmem:s22+$0xFFFFFF40] =	vst v1  }
0x175: {  	v1 =	vld.idx.msk [tilespmem:v2+s21+$0x0], $0xffff  }
0x176: {  	v2 =	vld [tilespmem:s22+$0xFFFFFFB0]  }
0x177: {  	v4 =	vld [tilespmem:s22+$0xFFFFFFE0]  }
0x178: {  	v5 =	vld [tilespmem:s22+$0xFFFFFF80]  }
0x179: {  	v6 =	vld [tilespmem:s22+$0xFFFFFFD0]  }
0x17a: {  	v3 =	vld [tilespmem:s22+$0xFFFFFFF0]  }
0x17b: {  	v8 =	vld [tilespmem:s22+$0xFFFFFFA0];
	v2 =	vmul.f32 v2, v1  }
0x17c: {  	s28 =	simm.s32 $0x4;
	v7 =	vld [tilespmem:s22+$0xFFFFFF90];
	v4 =	vmul.f32 v4, v1  }
0x17d: {  	v9 =	vld [tilespmem:s22+$0xFFFFFFC0];
	v5 =	vmul.f32 v5, v1;
	[tilespmem:s22+$0xFFFFFFB0] =	vst v2;
	v2 =	vmov s28  }
0x17e: {  	v6 =	vmul.f32 v6, v1;
	[tilespmem:s22+$0xFFFFFFE0] =	vst v4;
	v2 =	vand.u32 $0xFFFFFFFC, v2  }
0x17f: {  	v3 =	vmul.f32 v3, v1;
	[tilespmem:s22+$0xFFFFFF80] =	vst v5;
	v2 =	vbroadcast v2, $0x0  }
0x180: {  	v10 =	vld [tilespmem:s22+$0x40];
	v4 =	vmul.f32 v8, v1;
	[tilespmem:s22+$0xFFFFFFD0] =	vst v6  }
0x181: {  	v5 =	vmul.f32 v7, v1;
	[tilespmem:s22+$0xFFFFFFF0] =	vst v3;
	v8 =	vld [tilespmem:s22+$0x0]  }
0x182: {  	v3 =	vmul.f32 v9, v1;
	v1 =	vld [tilespmem:s22+$0x70];
	[tilespmem:s22+$0xFFFFFFA0] =	vst v4  }
0x183: {  	v7 =	vld [tilespmem:s22+$0x20];
	[tilespmem:s22+$0xFFFFFF90] =	vst v5  }
0x184: {  	v6 =	vld [tilespmem:s22+$0x30];
	[tilespmem:s22+$0xFFFFFFC0] =	vst v3  }
0x185: {  	v2 =	vld.idx.msk [tilespmem:v2+s21+$0x0], $0xffff  }
0x186: {  	v3 =	vld [tilespmem:s22+$0x50]  }
0x187: {  	v4 =	vld [tilespmem:s22+$0x10]  }
0x188: {  	v5 =	vld [tilespmem:s22+$0x60];
	_ =	sdelay $0x1  }
0x189: {  	s24 =	simm.s32 $0x7;
	s23 =	simm.s32 $0x8600;
	s25 =	simm.s32 $0xF;
	v9 =	vmul.f32 v8, v2;
	v8 =	vmul.f32 v10, v2  }
.LBB2_10:
0x18a: {  	p0 =	sne.s32 s25, $0x3F;
	v7 =	vmul.f32 v7, v2;
	v6 =	vmul.f32 v6, v2;
	s26 =	sadd.s32 $0xFFFFFFFE, s24;
	s22 =	sadd.s32 $0x400, s22  }
0x18b: {  	v3 =	vmul.f32 v3, v2;
	[tilespmem:s23+$0x0] =	vst v9;
	v4 =	vmul.f32 v4, v2;
	v9 =	vmov s26;
	s26 =	smov.u32 s25;
	s25 =	sadd.s32 $0x8, s25  }
0x18c: {  	v1 =	vmul.f32 v1, v2;
	[tilespmem:s23+$0x40] =	vst v8;
	v5 =	vmul.f32 v5, v2;
	v2 =	vand.u32 $0xFFFFFFFD, v9  }
0x18d: {  	[tilespmem:s23+$0x20] =	vst v7;
	v2 =	vbroadcast v2, $0x0  }
0x18e: {  	[tilespmem:s23+$0x50] =	vst v3  }
0x18f: {  	[tilespmem:s23+$0x70] =	vst v1;
	v1 =	vld [tilespmem:s23+$0xA0]  }
0x190: {  	[tilespmem:s23+$0x30] =	vst v6;
	v3 =	vld [tilespmem:s23+$0x80]  }
0x191: {  	[tilespmem:s23+$0x60] =	vst v5;
	v5 =	vld [tilespmem:s23+$0xD0]  }
0x192: {  	[tilespmem:s23+$0x10] =	vst v4;
	v4 =	vld [tilespmem:s23+$0xF0]  }
0x193: {  	v2 =	vld.idx.msk [tilespmem:v2+s21+$0x0], $0xffff  }
0x194: {  	v6 =	vld [tilespmem:s23+$0xC0]  }
0x195: {  	v7 =	vld [tilespmem:s23+$0xB0]  }
0x196: {  	v8 =	vld [tilespmem:s23+$0x90]  }
0x197: {  	v9 =	vld [tilespmem:s23+$0xE0];
	_ =	sdelay $0x1  }
0x198: {  	v3 =	vmul.f32 v3, v2;
	v6 =	vmul.f32 v6, v2  }
0x199: {  	s28 =	sadd.s32 $0xFFFFFFFF, s24;
	v1 =	vmul.f32 v1, v2;
	v7 =	vmul.f32 v7, v2  }
0x19a: {  	v5 =	vmul.f32 v5, v2;
	[tilespmem:s23+$0x80] =	vst v3;
	v3 =	vmul.f32 v8, v2;
	v8 =	vmov s28  }
0x19b: {  	[tilespmem:s23+$0xA0] =	vst v1;
	v1 =	vmul.f32 v9, v2;
	v2 =	vmul.f32 v4, v2;
	v4 =	vand.u32 $0xFFFFFFFE, v8  }
0x19c: {  	[tilespmem:s23+$0xD0] =	vst v5;
	v4 =	vbroadcast v4, $0x0  }
0x19d: {  	[tilespmem:s23+$0xC0] =	vst v6  }
0x19e: {  	[tilespmem:s23+$0xF0] =	vst v2;
	v2 =	vld [tilespmem:s23+$0x120]  }
0x19f: {  	[tilespmem:s23+$0xB0] =	vst v7;
	v5 =	vld [tilespmem:s23+$0x100]  }
0x1a0: {  	[tilespmem:s23+$0x90] =	vst v3;
	v3 =	vld [tilespmem:s23+$0x140]  }
0x1a1: {  	[tilespmem:s23+$0xE0] =	vst v1;
	v1 =	vld [tilespmem:s23+$0x130]  }
0x1a2: {  	v4 =	vld.idx.msk [tilespmem:v4+s21+$0x0], $0xffff  }
0x1a3: {  	v6 =	vld [tilespmem:s23+$0x110]  }
0x1a4: {  	v7 =	vld [tilespmem:s23+$0x160]  }
0x1a5: {  	v8 =	vld [tilespmem:s23+$0x150]  }
0x1a6: {  	v9 =	vld [tilespmem:s23+$0x170];
	_ =	sdelay $0x1  }
0x1a7: {  	v5 =	vmul.f32 v5, v4;
	v6 =	vmul.f32 v6, v4  }
0x1a8: {  	v2 =	vmul.f32 v2, v4;
	v1 =	vmul.f32 v1, v4  }
0x1a9: {  	v3 =	vmul.f32 v3, v4;
	[tilespmem:s23+$0x100] =	vst v5;
	v5 =	vmul.f32 v8, v4  }
0x1aa: {  	[tilespmem:s23+$0x120] =	vst v2;
	v2 =	vmul.f32 v7, v4;
	v4 =	vmul.f32 v9, v4  }
0x1ab: {  	[tilespmem:s23+$0x130] =	vst v1  }
0x1ac: {  	v1 =	vmov s24;
	s24 =	smov.u32 s26;
	[tilespmem:s23+$0x140] =	vst v3  }
0x1ad: {  	[tilespmem:s23+$0x160] =	vst v2;
	v2 =	vld [tilespmem:s23+$0x180]  }
0x1ae: {  	[tilespmem:s23+$0x110] =	vst v6;
	v3 =	vld [tilespmem:s23+$0x1A0]  }
0x1af: {  	[tilespmem:s23+$0x150] =	vst v5;
	v5 =	vld [tilespmem:s23+$0x1F0]  }
0x1b0: {  	[tilespmem:s23+$0x170] =	vst v4;
	v4 =	vld [tilespmem:s23+$0x1D0]  }
0x1b1: {  	v1 =	vld.idx.msk [tilespmem:v1+s21+$0x0], $0xffff  }
0x1b2: {  	v6 =	vld [tilespmem:s23+$0x190]  }
0x1b3: {  	v7 =	vld [tilespmem:s23+$0x1B0]  }
0x1b4: {  	v8 =	vld [tilespmem:s23+$0x1C0]  }
0x1b5: {  	v9 =	vld [tilespmem:s23+$0x1E0];
	_ =	sdelay $0x1  }
0x1b6: {  	v2 =	vmul.f32 v2, v1;
	v6 =	vmul.f32 v6, v1  }
0x1b7: {  	s26 =	sadd.s32 $0xFFFFFFF9, s24;
	v3 =	vmul.f32 v3, v1;
	v7 =	vmul.f32 v7, v1  }
0x1b8: {  	v10 =	vmov s26;
	v4 =	vmul.f32 v4, v1;
	[tilespmem:s23+$0x180] =	vst v2;
	v2 =	vmul.f32 v8, v1  }
0x1b9: {  	v8 =	vand.u32 $0xFFFFFFF8, v10;
	[tilespmem:s23+$0x190] =	vst v6;
	v6 =	vmul.f32 v9, v1;
	v1 =	vmul.f32 v5, v1  }
0x1ba: {  	v5 =	vbroadcast v8, $0x0;
	[tilespmem:s23+$0x1A0] =	vst v3  }
0x1bb: {  	[tilespmem:s23+$0x1F0] =	vst v1  }
0x1bc: {  	v1 =	vld [tilespmem:s22+$0xFFFFFE50];
	[tilespmem:s23+$0x1D0] =	vst v4  }
0x1bd: {  	v3 =	vld [tilespmem:s22+$0xFFFFFE30];
	[tilespmem:s23+$0x1B0] =	vst v7  }
0x1be: {  	v4 =	vld [tilespmem:s22+$0xFFFFFE60];
	[tilespmem:s23+$0x1E0] =	vst v6  }
0x1bf: {  	v6 =	vld [tilespmem:s22+$0xFFFFFE70];
	[tilespmem:s23+$0x1C0] =	vst v2;
	s23 =	smov.u32 s22  }
0x1c0: {  	v2 =	vld.idx.msk [tilespmem:v5+s21+$0x0], $0xffff  }
0x1c1: {  	v5 =	vld [tilespmem:s22+$0xFFFFFE00]  }
0x1c2: {  	v7 =	vld [tilespmem:s22+$0xFFFFFE20]  }
0x1c3: {  	v8 =	vld [tilespmem:s22+$0xFFFFFE10]  }
0x1c4: {  	v9 =	vld [tilespmem:s22+$0xFFFFFE40];
	_ =	sdelay $0x1  }
0x1c5: {  	v6 =	vmul.f32 v6, v2;
	v5 =	vmul.f32 v5, v2  }
0x1c6: {  	s26 =	sadd.s32 $0xFFFFFFFA, s24;
	v4 =	vmul.f32 v4, v2;
	v7 =	vmul.f32 v7, v2  }
0x1c7: {  	v3 =	vmul.f32 v3, v2;
	v8 =	vmul.f32 v8, v2;
	[tilespmem:s22+$0xFFFFFE70] =	vst v6;
	v6 =	vmov s26  }
0x1c8: {  	v1 =	vmul.f32 v1, v2;
	[tilespmem:s22+$0xFFFFFE00] =	vst v5;
	v5 =	vmul.f32 v9, v2;
	v2 =	vand.u32 $0xFFFFFFF9, v6  }
0x1c9: {  	[tilespmem:s22+$0xFFFFFE20] =	vst v7;
	v2 =	vbroadcast v2, $0x0  }
0x1ca: {  	[tilespmem:s22+$0xFFFFFE30] =	vst v3  }
0x1cb: {  	[tilespmem:s22+$0xFFFFFE50] =	vst v1;
	v1 =	vld [tilespmem:s22+$0xFFFFFEF0]  }
0x1cc: {  	[tilespmem:s22+$0xFFFFFE10] =	vst v8;
	v3 =	vld [tilespmem:s22+$0xFFFFFED0]  }
0x1cd: {  	[tilespmem:s22+$0xFFFFFE60] =	vst v4;
	v4 =	vld [tilespmem:s22+$0xFFFFFEB0]  }
0x1ce: {  	[tilespmem:s22+$0xFFFFFE40] =	vst v5;
	v5 =	vld [tilespmem:s22+$0xFFFFFEC0]  }
0x1cf: {  	v2 =	vld.idx.msk [tilespmem:v2+s21+$0x0], $0xffff  }
0x1d0: {  	v6 =	vld [tilespmem:s22+$0xFFFFFE90]  }
0x1d1: {  	v7 =	vld [tilespmem:s22+$0xFFFFFE80]  }
0x1d2: {  	v8 =	vld [tilespmem:s22+$0xFFFFFEA0]  }
0x1d3: {  	v9 =	vld [tilespmem:s22+$0xFFFFFEE0];
	_ =	sdelay $0x1  }
0x1d4: {  	v5 =	vmul.f32 v5, v2;
	v6 =	vmul.f32 v6, v2  }
0x1d5: {  	s26 =	sadd.s32 $0xFFFFFFFB, s24;
	v4 =	vmul.f32 v4, v2;
	v7 =	vmul.f32 v7, v2  }
0x1d6: {  	v3 =	vmul.f32 v3, v2;
	[tilespmem:s22+$0xFFFFFE90] =	vst v6;
	v6 =	vmul.f32 v8, v2;
	v8 =	vmov s26  }
0x1d7: {  	v1 =	vmul.f32 v1, v2;
	[tilespmem:s22+$0xFFFFFEC0] =	vst v5;
	v5 =	vmul.f32 v9, v2;
	v2 =	vand.u32 $0xFFFFFFFA, v8  }
0x1d8: {  	[tilespmem:s22+$0xFFFFFE80] =	vst v7;
	v2 =	vbroadcast v2, $0x0  }
0x1d9: {  	[tilespmem:s22+$0xFFFFFED0] =	vst v3  }
0x1da: {  	[tilespmem:s22+$0xFFFFFEE0] =	vst v5;
	v3 =	vld [tilespmem:s22+$0xFFFFFF70]  }
0x1db: {  	[tilespmem:s22+$0xFFFFFEB0] =	vst v4;
	v4 =	vld [tilespmem:s22+$0xFFFFFF50]  }
0x1dc: {  	[tilespmem:s22+$0xFFFFFEF0] =	vst v1;
	v1 =	vld [tilespmem:s22+$0xFFFFFF20]  }
0x1dd: {  	[tilespmem:s22+$0xFFFFFEA0] =	vst v6;
	v5 =	vld [tilespmem:s22+$0xFFFFFF60]  }
0x1de: {  	v2 =	vld.idx.msk [tilespmem:v2+s21+$0x0], $0xffff  }
0x1df: {  	v6 =	vld [tilespmem:s22+$0xFFFFFF00]  }
0x1e0: {  	v7 =	vld [tilespmem:s22+$0xFFFFFF10]  }
0x1e1: {  	v8 =	vld [tilespmem:s22+$0xFFFFFF40]  }
0x1e2: {  	v9 =	vld [tilespmem:s22+$0xFFFFFF30];
	_ =	sdelay $0x1  }
0x1e3: {  	v5 =	vmul.f32 v5, v2;
	v6 =	vmul.f32 v6, v2  }
0x1e4: {  	s26 =	sadd.s32 $0xFFFFFFFC, s24;
	v1 =	vmul.f32 v1, v2;
	v7 =	vmul.f32 v7, v2  }
0x1e5: {  	v4 =	vmul.f32 v4, v2;
	[tilespmem:s22+$0xFFFFFF00] =	vst v6;
	v6 =	vmul.f32 v8, v2;
	v8 =	vmov s26  }
0x1e6: {  	v9 =	vmul.f32 v9, v2;
	[tilespmem:s22+$0xFFFFFF60] =	vst v5;
	v2 =	vmul.f32 v3, v2;
	v3 =	vand.u32 $0xFFFFFFFB, v8  }
0x1e7: {  	[tilespmem:s22+$0xFFFFFF10] =	vst v7;
	v3 =	vbroadcast v3, $0x0  }
0x1e8: {  	[tilespmem:s22+$0xFFFFFF50] =	vst v4  }
0x1e9: {  	[tilespmem:s22+$0xFFFFFF70] =	vst v2;
	v2 =	vld [tilespmem:s22+$0xFFFFFFF0]  }
0x1ea: {  	[tilespmem:s22+$0xFFFFFF20] =	vst v1;
	v1 =	vld [tilespmem:s22+$0xFFFFFFD0]  }
0x1eb: {  	[tilespmem:s22+$0xFFFFFF30] =	vst v9;
	v4 =	vld [tilespmem:s22+$0xFFFFFF90]  }
0x1ec: {  	[tilespmem:s22+$0xFFFFFF40] =	vst v6;
	v5 =	vld [tilespmem:s22+$0xFFFFFFE0]  }
0x1ed: {  	v3 =	vld.idx.msk [tilespmem:v3+s21+$0x0], $0xffff  }
0x1ee: {  	v6 =	vld [tilespmem:s22+$0xFFFFFFB0]  }
0x1ef: {  	v7 =	vld [tilespmem:s22+$0xFFFFFF80]  }
0x1f0: {  	v8 =	vld [tilespmem:s22+$0xFFFFFFC0]  }
0x1f1: {  	v9 =	vld [tilespmem:s22+$0xFFFFFFA0];
	_ =	sdelay $0x1  }
0x1f2: {  	v5 =	vmul.f32 v5, v3;
	v6 =	vmul.f32 v6, v3  }
0x1f3: {  	s26 =	sadd.s32 $0xFFFFFFFD, s24;
	v4 =	vmul.f32 v4, v3;
	v7 =	vmul.f32 v7, v3  }
0x1f4: {  	v1 =	vmul.f32 v1, v3;
	[tilespmem:s22+$0xFFFFFFB0] =	vst v6;
	v6 =	vmul.f32 v8, v3;
	v8 =	vmov s26  }
0x1f5: {  	v2 =	vmul.f32 v2, v3;
	v9 =	vmul.f32 v9, v3;
	[tilespmem:s22+$0xFFFFFFE0] =	vst v5;
	v3 =	vand.u32 $0xFFFFFFFC, v8  }
0x1f6: {  	[tilespmem:s22+$0xFFFFFF80] =	vst v7;
	v5 =	vbroadcast v3, $0x0  }
0x1f7: {  	[tilespmem:s22+$0xFFFFFFD0] =	vst v1  }
0x1f8: {  	[tilespmem:s22+$0xFFFFFFF0] =	vst v2;
	v8 =	vld [tilespmem:s22+$0x0]  }
0x1f9: {  	[tilespmem:s22+$0xFFFFFFA0] =	vst v9;
	v1 =	vld [tilespmem:s22+$0x70]  }
0x1fa: {  	[tilespmem:s22+$0xFFFFFF90] =	vst v4;
	v3 =	vld [tilespmem:s22+$0x50]  }
0x1fb: {  	[tilespmem:s22+$0xFFFFFFC0] =	vst v6;
	v7 =	vld [tilespmem:s22+$0x20]  }
0x1fc: {  	v2 =	vld.idx.msk [tilespmem:v5+s21+$0x0], $0xffff  }
0x1fd: {  	v10 =	vld [tilespmem:s22+$0x40]  }
.Ltmp3:
0x1fe: {  	v6 =	vld [tilespmem:s22+$0x30];
	(pc) =	sbr.rel @p0 .LBB2_10-.Ltmp3, $3  }
0x1ff: {  	v4 =	vld [tilespmem:s22+$0x10]  }
0x200: {  	v5 =	vld [tilespmem:s22+$0x60];
	_ =	sdelay $0x1  }
0x201: {  	v9 =	vmul.f32 v8, v2;
	v8 =	vmul.f32 v10, v2  }
0x202: {  	s22 =	sadd.s32 $0xFFFFFFFE, s24  }
0x203: {  	v7 =	vmul.f32 v7, v2;
	[tilespmem:s23+$0x0] =	vst v9;
	v37 =	vmov s22  }
0x204: {  	v3 =	vmul.f32 v3, v2;
	[tilespmem:s23+$0x40] =	vst v8;
	v38 =	vand.u32 $0xFFFFFFFD, v37  }
0x205: {  	v1 =	vmul.f32 v1, v2;
	[tilespmem:s23+$0x20] =	vst v7;
	v39 =	vbroadcast v38, $0x0  }
0x206: {  	v6 =	vmul.f32 v6, v2;
	[tilespmem:s23+$0x50] =	vst v3  }
0x207: {  	v3 =	vmul.f32 v5, v2;
	[tilespmem:s23+$0x70] =	vst v1  }
0x208: {  	v1 =	vmul.f32 v4, v2;
	[tilespmem:s23+$0x30] =	vst v6  }
0x209: {  	[tilespmem:s23+$0x60] =	vst v3  }
0x20a: {  	v2 =	vld [tilespmem:s23+$0x80];
	[tilespmem:s23+$0x10] =	vst v1  }
0x20b: {  	v1 =	vld.idx.msk [tilespmem:v39+s21+$0x0], $0xffff  }
0x20c: {  	v3 =	vld [tilespmem:s23+$0xA0]  }
0x20d: {  	v40 =	vld [tilespmem:s23+$0xD0]  }
0x20e: {  	v41 =	vld [tilespmem:s23+$0xC0]  }
0x20f: {  	v42 =	vld [tilespmem:s23+$0xF0]  }
0x210: {  	v44 =	vld [tilespmem:s23+$0x90];
	v2 =	vmul.f32 v2, v1  }
0x211: {  	v43 =	vld [tilespmem:s23+$0xB0];
	s28 =	sadd.s32 $0xFFFFFFFF, s24;
	v3 =	vmul.f32 v3, v1  }
0x212: {  	v45 =	vld [tilespmem:s23+$0xE0];
	v46 =	vmov s28;
	[tilespmem:s23+$0x80] =	vst v2;
	v2 =	vmul.f32 v40, v1  }
0x213: {  	v5 =	vmul.f32 v41, v1;
	[tilespmem:s23+$0xA0] =	vst v3;
	v3 =	vand.u32 $0xFFFFFFFE, v46  }
0x214: {  	v47 =	vmul.f32 v42, v1;
	[tilespmem:s23+$0xD0] =	vst v2;
	v2 =	vbroadcast v3, $0x0  }
0x215: {  	v48 =	vmul.f32 v44, v1;
	[tilespmem:s23+$0xC0] =	vst v5  }
0x216: {  	[tilespmem:s23+$0xF0] =	vst v47;
	v3 =	vmul.f32 v43, v1  }
0x217: {  	[tilespmem:s23+$0x90] =	vst v48;
	v1 =	vmul.f32 v45, v1  }
0x218: {  	[tilespmem:s23+$0xB0] =	vst v3  }
0x219: {  	v3 =	vld [tilespmem:s23+$0x100];
	[tilespmem:s23+$0xE0] =	vst v1  }
0x21a: {  	v1 =	vld.idx.msk [tilespmem:v2+s21+$0x0], $0xffff  }
0x21b: {  	v2 =	vld [tilespmem:s23+$0x120]  }
0x21c: {  	v49 =	vld [tilespmem:s23+$0x130]  }
0x21d: {  	v50 =	vld [tilespmem:s23+$0x140]  }
0x21e: {  	v52 =	vld [tilespmem:s23+$0x110]  }
0x21f: {  	v53 =	vld [tilespmem:s23+$0x150];
	v3 =	vmul.f32 v3, v1  }
0x220: {  	v51 =	vld [tilespmem:s23+$0x160];
	v2 =	vmul.f32 v2, v1  }
0x221: {  	v54 =	vld [tilespmem:s23+$0x170];
	v4 =	vmul.f32 v49, v1;
	[tilespmem:s23+$0x100] =	vst v3  }
0x222: {  	v3 =	vmul.f32 v50, v1;
	[tilespmem:s23+$0x120] =	vst v2  }
0x223: {  	v55 =	vmul.f32 v52, v1;
	[tilespmem:s23+$0x130] =	vst v4  }
0x224: {  	v56 =	vmul.f32 v53, v1;
	[tilespmem:s23+$0x140] =	vst v3;
	v3 =	vmov s24  }
0x225: {  	v2 =	vmul.f32 v51, v1;
	[tilespmem:s23+$0x110] =	vst v55  }
0x226: {  	v1 =	vmul.f32 v54, v1;
	[tilespmem:s23+$0x150] =	vst v56  }
0x227: {  	[tilespmem:s23+$0x160] =	vst v2  }
0x228: {  	v2 =	vld [tilespmem:s23+$0x180];
	[tilespmem:s23+$0x170] =	vst v1  }
0x229: {  	v1 =	vld.idx.msk [tilespmem:v3+s21+$0x0], $0xffff  }
0x22a: {  	v3 =	vld [tilespmem:s23+$0x190]  }
0x22b: {  	v57 =	vld [tilespmem:s23+$0x1A0]  }
0x22c: {  	v60 =	vld [tilespmem:s23+$0x1B0]  }
0x22d: {  	v58 =	vld [tilespmem:s23+$0x1F0]  }
0x22e: {  	v59 =	vld [tilespmem:s23+$0x1D0];
	v2 =	vmul.f32 v2, v1  }
0x22f: {  	v61 =	vld [tilespmem:s23+$0x1E0];
	v3 =	vmul.f32 v3, v1  }
0x230: {  	v62 =	vld [tilespmem:s23+$0x1C0];
	v4 =	vmul.f32 v57, v1;
	[tilespmem:s23+$0x180] =	vst v2  }
0x231: {  	v63 =	vmul.f32 v60, v1;
	[tilespmem:s23+$0x190] =	vst v3  }
0x232: {  	v2 =	vmul.f32 v58, v1;
	[tilespmem:s23+$0x1A0] =	vst v4  }
0x233: {  	v3 =	vmul.f32 v59, v1;
	[tilespmem:s23+$0x1B0] =	vst v63  }
0x234: {  	[tilespmem:s23+$0x1F0] =	vst v2;
	v2 =	vmul.f32 v61, v1  }
0x235: {  	s0 =	sadd.s32 $0x1, s0;
	[tilespmem:s23+$0x1D0] =	vst v3;
	v1 =	vmul.f32 v62, v1  }
0x236: {  	p0 =	sne.s32 s0, $0x8;
	[tilespmem:s23+$0x1E0] =	vst v2  }
.Ltmp4:
0x237: {  	s3 =	sadd.s32 $0x7C00, s3;
	[tilespmem:s23+$0x1C0] =	vst v1;
	(pc) =	sbr.rel @p0 .LBB2_9-.Ltmp4, $4  }
0x238: {  	[spmem:s13] =	stream.indirect.scatter.add.f32 [tilespmem:s7], [sflag:$0x1], $0x80, s3, s14, $0xb8;
	[tilespmem:$0x1E400] =	vst v63  }
0x239: {  	_ =	swait.ge [sflag:s5], $0x2000  }
0x23a: {  	[sflag:s5] =	ssyncset.done $0x0  }
0x23b: {  	[sflag:s5] =	ssyncadd.s32 $0xFFFFE000  }
0x23c: {  	s20 =	sadd.s32 $0x1, s20  }
0x23d: {  	p0 =	sne.s32 s20, $0x28  }
.Ltmp5:
0x23e: {  	_ = 	snop;
	(pc) =	sbr.rel @p0 .LBB2_6-.Ltmp5, $2  }
0x23f: {  	_ =	sdelay $0x2  }
0x240: {  	s19 =	sadd.s32 $0x200, s19  }
0x241: {  	s0 =	rddreg [dreg:$0x4];
	s3 =	simm.s32 $0x80;
	s4 =	simm.s32 $0x400  }
0x242: {  	[hbm4b:s0+s3] =	stream.strided.scatter [tilespmem:s12], [sflag:$0x1], $0x2800, s4, s3, $0x38;
	[tilespmem:$0x1E400] =	vst v63  }
0x243: {  	_ =	swait.ge [sflag:s5], $0x2800  }
0x244: {  	[sflag:s5] =	ssyncset.done $0x0  }
0x245: {  	s25 =	stileid.u32;
	[sflag:s5] =	ssyncadd.s32 $0xFFFFD800  }
0x246: {  	s22 =	smov.u32 s29;
	s0 =	sshll.u32 s25, $0x6;
	[bflag:$0x0] =	sbarrier.arrive $0xFFFF  }
0x247: {  	s26 =	sshrl.u32 s29, $0x3;
	s0 =	sor.u32 $0x1C01, s0;
	s29 =	rddreg [dreg:$0x5]  }
0x248: {  	[hbm:s29], [sflag:s0] =	dma.local [spmem:s26], $0x400  }
0x249: {  	_ =	swait.ge [sflag:s5], $0x400  }
0x24a: {  	[sflag:s5] =	ssyncset.done $0x0  }
0x24b: {  	s19 =	sshrl.u32 s30, $0x3;
	s20 =	rddreg [dreg:$0x6];
	[sflag:s5] =	ssyncadd.s32 $0xFFFFFC00  }
0x24c: {  	[hbm:s20], [sflag:s0] =	dma.local [spmem:s19], $0x400  }
0x24d: {  	_ =	swait.ge [sflag:s5], $0x400  }
0x24e: {  	[sflag:s5] =	ssyncset.done $0x0  }
0x24f: {  	s21 =	sshrl.u32 s31, $0x3;
	s25 =	rddreg [dreg:$0x7];
	[sflag:s5] =	ssyncadd.s32 $0xFFFFFC00  }
0x250: {  	[hbm:s25], [sflag:s0] =	dma.local [spmem:s21], $0x400  }
0x251: {  	_ =	swait.ge [sflag:s5], $0x400  }
0x252: {  	[sflag:s5] =	ssyncset.done $0x0;
	s25 =	rddreg [dreg:$0x11]  }
0x253: {  	s29 =	rddreg [dreg:$0x8];
	[sflag:s5] =	ssyncadd.s32 $0xFFFFFC00;
	s26 =	sshrl.u32 s25, $0x3  }
0x254: {  	[hbm:s29], [sflag:s0] =	dma.local [spmem:s26], $0x400  }
0x255: {  	s23 =	smov.u32 s30;
	_ =	swait.ge [sflag:s5], $0x400  }
0x256: {  	s24 =	smov.u32 s31;
	[sflag:s5] =	ssyncset.done $0x0;
	s26 =	rddreg [dreg:$0x12]  }
0x257: {  	s31 =	rddreg [dreg:$0x9];
	[sflag:s5] =	ssyncadd.s32 $0xFFFFFC00;
	s30 =	sshrl.u32 s26, $0x3  }
0x258: {  	[hbm:s31], [sflag:s0] =	dma.local [spmem:s30], $0x400  }
0x259: {  	_ =	swait.ge [sflag:s5], $0x400  }
0x25a: {  	[sflag:s5] =	ssyncset.done $0x0;
	s28 =	rddreg [dreg:$0x13]  }
0x25b: {  	s20 =	rddreg [dreg:$0xa];
	[sflag:s5] =	ssyncadd.s32 $0xFFFFFC00;
	s19 =	sshrl.u32 s28, $0x3  }
0x25c: {  	[hbm:s20], [sflag:s0] =	dma.local [spmem:s19], $0x400  }
0x25d: {  	_ =	swait.ge [sflag:s5], $0x400  }
0x25e: {  	[sflag:s5] =	ssyncset.done $0x0;
	s21 =	rddreg [dreg:$0x14]  }
0x25f: {  	s29 =	rddreg [dreg:$0xb];
	[sflag:s5] =	ssyncadd.s32 $0xFFFFFC00;
	s3 =	sshrl.u32 s21, $0x3  }
0x260: {  	[hbm:s29], [sflag:s0] =	dma.local [spmem:s3], $0x400  }
0x261: {  	_ =	swait.ge [sflag:s5], $0x400  }
0x262: {  	[sflag:s5] =	ssyncset.done $0x0;
	s19 =	rddreg [dreg:$0x15]  }
0x263: {  	s31 =	rddreg [dreg:$0xc];
	[sflag:s5] =	ssyncadd.s32 $0xFFFFFC00;
	s30 =	sshrl.u32 s19, $0x3  }
0x264: {  	[hbm:s31], [sflag:s0] =	dma.local [spmem:s30], $0x400  }
0x265: {  	_ =	swait.ge [sflag:s5], $0x400  }
0x266: {  	[sflag:s5] =	ssyncset.done $0x0;
	s20 =	rddreg [dreg:$0x16]  }
0x267: {  	s21 =	rddreg [dreg:$0xd];
	[sflag:s5] =	ssyncadd.s32 $0xFFFFFC00;
	s4 =	sshrl.u32 s20, $0x3  }
0x268: {  	[hbm:s21], [sflag:s0] =	dma.local [spmem:s4], $0x400  }
0x269: {  	_ =	swait.ge [sflag:s5], $0x400  }
0x26a: {  	[sflag:s5] =	ssyncset.done $0x0;
	s21 =	rddreg [dreg:$0x17]  }
0x26b: {  	s30 =	rddreg [dreg:$0xe];
	[sflag:s5] =	ssyncadd.s32 $0xFFFFFC00;
	s29 =	sshrl.u32 s21, $0x3  }
0x26c: {  	[hbm:s30], [sflag:s0] =	dma.local [spmem:s29], $0x400  }
0x26d: {  	_ =	swait.ge [sflag:s5], $0x400  }
0x26e: {  	s15 =	sadd.s32 $0x1, s15;
	s31 =	rddreg [dreg:$0x18]  }
0x26f: {  	p0 =	sne.s32 s15, s31  }
.Ltmp6:
0x270: {  	_ = 	snop;
	(pc) =	sbr.rel @p0 .LBB2_1-.Ltmp6, $3  }
0x271: {  	_ =	sdelay $0x1  }
0x272: {  	[sflag:s5] =	ssyncset.done $0x0  }
0x273: {  	s3 =	simm.s32 $0x80;
	[sflag:s5] =	ssyncadd.s32 $0xFFFFFC00  }
0x274: {  	_ =	sfence.sel $0x180000  }
0x275: {  	[bflag:$0x0] =	sbarrier.arrive $0xFFFF  }
0x276: {  	_ =	strace $0x90000047  }
0x277: {  	s0 =	stileid.u32;
	[bflag:$0x2] =	sbarrier.arrive $0xFFFF  }
0x278: {  	p0 =	sne.s32 s0, $0x0;
	s0 =	rddreg [dreg:$0x3]  }
0x279: {  	s0 =	sadd.s32 @!p0 $0x100000, s0  }
0x27a: {  	[sflag:s0] =	ssyncadd.tile.s32 @!p0 $0x1;
	_ =	shalt  }
.Lfunc_end2:
_tile_overlayer_lowered:
.L_overlay_start_2:
0x27b: {  	(tag) =	ssettag $0x2  }
0x27c: {  	s0 =	rddreg [dreg:$0x0];
	s2 =	stileid.u32  }
0x27d: {  	s1 =	rddreg [dreg:$0x1];
	p0 =	sne.s32 s2, $0x0  }
0x27e: {  	s3 =	rddreg [dreg:$0x2];
	[bflag:$0x3] =	sbarrier.arrive $0xFFFF;
	s2 =	simm.s32 @!p0 $0x1C01  }
0x27f: {  	[timem:s3], [sflag:s2] =	dma.local @!p0 [hbm:s0], s1  }
0x280: {  	s0 =	simm.s32 @!p0 $0x1  }
0x281: {  	_ =	swait.ge @!p0 [sflag:s0], s1  }
0x282: {  	s1 =	ssub.s32 @!p0 $0x0, s1;
	[sflag:s0] =	ssyncset.done @!p0 $0x0  }
0x283: {  	[sflag:s0] =	ssyncadd.s32 @!p0 s1  }
0x284: {  	[bflag:$0x3] =	sbarrier.arrive $0xFFFF  }
0x285: {  	_ =	shalt  }

</sc_bundles>
